<compile_context>
chip_gen: v7x
topology: tpu7x:2x2x1
jax: 0.10.2.dev20260603
libtpu: 0.0.44.dev20260713+nightly
codegen_flags: <defaults>
</compile_context>

<pallas_src>
import functools

import jax
import jax.numpy as jnp
from jax import lax
from jax.experimental import pallas as pl
from jax.experimental.pallas import tpu as pltpu
from jax.experimental.pallas import tpu_sc as plsc

N = 10000
D = 256
DH = 128
E = 160000
CHUNK = 128
NSUB = 16
NCORE = 2

AGG_CH = 80
BLK = 16
NBLK = AGG_CH // BLK
EPAD = NSUB * AGG_CH * CHUNK
NACC = N + 8
RPT = 624
RPT_LAST = 640


def _mesh():
    return plsc.VectorSubcoreMesh(core_axis_name="c", subcore_axis_name="s")


def _sc_aggregate(g2, src2, dst2):
    @functools.partial(
        pl.kernel,
        mesh=_mesh(),
        out_type=jax.ShapeDtypeStruct((NCORE * N, DH), jnp.float32),
        scratch_types=[
            pltpu.VMEM((BLK, CHUNK), jnp.int32),
            pltpu.VMEM((BLK, CHUNK), jnp.int32),
            pltpu.VMEM((CHUNK, DH), jnp.float32),
            pltpu.VMEM((CHUNK, DH), jnp.float32),
            pltpu.SemaphoreType.DMA,
            pltpu.SemaphoreType.DMA,
            pltpu.VMEM_SHARED((NACC, DH), jnp.float32),
        ],
    )
    def k(g_hbm, src_hbm, dst_hbm, out_hbm, sidx, didx, buf_a, buf_b,
          sem_a, sem_b, acc):
        c = lax.axis_index("c")
        s = lax.axis_index("s")

        @pl.when(s < NSUB - 1)
        def _():
            pltpu.sync_copy(g_hbm.at[pl.ds(c * N + s * RPT, RPT)],
                            acc.at[pl.ds(s * RPT, RPT)])

        @pl.when(s == NSUB - 1)
        def _():
            pltpu.sync_copy(g_hbm.at[pl.ds(c * N + (NSUB - 1) * RPT, RPT_LAST)],
                            acc.at[pl.ds((NSUB - 1) * RPT, RPT_LAST)])

        plsc.subcore_barrier()
        sbase = (c * NSUB + s) * AGG_CH
        dbase = s * AGG_CH

        def block(b, carry):
            pltpu.sync_copy(src_hbm.at[pl.ds(sbase + b * BLK, BLK)], sidx)
            pltpu.sync_copy(dst_hbm.at[pl.ds(dbase + b * BLK, BLK)], didx)
            pltpu.async_copy(g_hbm.at[sidx.at[0]], buf_a, sem_a)

            def pair(j, carry2):
                pltpu.async_copy(g_hbm.at[sidx.at[2 * j + 1]], buf_b, sem_b)
                pltpu.make_async_copy(g_hbm.at[pl.ds(0, CHUNK)], buf_a,
                                      sem_a).wait()
                pltpu.sync_copy(buf_a, acc.at[didx.at[2 * j]], add=True)
                pltpu.async_copy(g_hbm.at[sidx.at[2 * j + 2]], buf_a, sem_a)
                pltpu.make_async_copy(g_hbm.at[pl.ds(0, CHUNK)], buf_b,
                                      sem_b).wait()
                pltpu.sync_copy(buf_b, acc.at[didx.at[2 * j + 1]], add=True)
                return carry2

            lax.fori_loop(0, BLK // 2 - 1, pair, 0)
            pltpu.async_copy(g_hbm.at[sidx.at[BLK - 1]], buf_b, sem_b)
            pltpu.make_async_copy(g_hbm.at[pl.ds(0, CHUNK)], buf_a, sem_a).wait()
            pltpu.sync_copy(buf_a, acc.at[didx.at[BLK - 2]], add=True)
            pltpu.make_async_copy(g_hbm.at[pl.ds(0, CHUNK)], buf_b, sem_b).wait()
            pltpu.sync_copy(buf_b, acc.at[didx.at[BLK - 1]], add=True)
            return carry

        lax.fori_loop(0, NBLK, block, 0)
        plsc.subcore_barrier()

        @pl.when(s < NSUB - 1)
        def _():
            pltpu.sync_copy(acc.at[pl.ds(s * RPT, RPT)],
                            out_hbm.at[pl.ds(c * N + s * RPT, RPT)])

        @pl.when(s == NSUB - 1)
        def _():
            pltpu.sync_copy(acc.at[pl.ds((NSUB - 1) * RPT, RPT_LAST)],
                            out_hbm.at[pl.ds(c * N + (NSUB - 1) * RPT, RPT_LAST)])

    return k(g2, src2, dst2)


DEG_CH = (EPAD // CHUNK) // (NSUB * NCORE)


def _sc_degree(ones_g, dst2, ones_row):
    @functools.partial(
        pl.kernel,
        mesh=_mesh(),
        out_type=jax.ShapeDtypeStruct((NCORE * N, DH), jnp.float32),
        scratch_types=[
            pltpu.VMEM((DEG_CH, CHUNK), jnp.int32),
            pltpu.VMEM((CHUNK, DH), jnp.float32),
            pltpu.SemaphoreType.DMA,
            pltpu.VMEM_SHARED((NACC, DH), jnp.float32),
        ],
    )
    def k(g_hbm, dst_hbm, ones_hbm, out_hbm, didx, ones_v, sem, acc):
        c = lax.axis_index("c")
        s = lax.axis_index("s")
        wid = s * NCORE + c
        pltpu.sync_copy(dst_hbm.at[pl.ds(wid * DEG_CH, DEG_CH)], didx)
        pltpu.sync_copy(ones_hbm, ones_v)

        @pl.when(s < NSUB - 1)
        def _():
            pltpu.sync_copy(g_hbm.at[pl.ds(s * RPT, RPT)],
                            acc.at[pl.ds(s * RPT, RPT)])

        @pl.when(s == NSUB - 1)
        def _():
            pltpu.sync_copy(g_hbm.at[pl.ds((NSUB - 1) * RPT, RPT_LAST)],
                            acc.at[pl.ds((NSUB - 1) * RPT, RPT_LAST)])

        plsc.subcore_barrier()

        def chunk(j, carry):
            pltpu.async_copy(ones_v, acc.at[didx.at[j]], sem, add=True)
            return carry

        lax.fori_loop(0, DEG_CH, chunk, 0)

        def dr(j, carry):
            pltpu.make_async_copy(ones_hbm, ones_v, sem).wait()
            return carry

        lax.fori_loop(0, DEG_CH, dr, 0)
        plsc.subcore_barrier()

        @pl.when(s < NSUB - 1)
        def _():
            pltpu.sync_copy(acc.at[pl.ds(s * RPT, RPT)],
                            out_hbm.at[pl.ds(c * N + s * RPT, RPT)])

        @pl.when(s == NSUB - 1)
        def _():
            pltpu.sync_copy(acc.at[pl.ds((NSUB - 1) * RPT, RPT_LAST)],
                            out_hbm.at[pl.ds(c * N + (NSUB - 1) * RPT, RPT_LAST)])

    return k(ones_g, dst2, ones_row)


def _mm1_body(x_ref, w_ref, o_ref):
    o_ref[0] = jnp.dot(x_ref[...], w_ref[0],
                       preferred_element_type=jnp.float32)


def _tc_matmul(x, Wh):
    Rb = 1000
    return pl.pallas_call(
        _mm1_body,
        grid=(NCORE, N // Rb),
        in_specs=[
            pl.BlockSpec((Rb, D), lambda c, r: (r, 0)),
            pl.BlockSpec((1, D, DH), lambda c, r: (c, 0, 0)),
        ],
        out_specs=pl.BlockSpec((1, Rb, DH), lambda c, r: (c, r, 0)),
        out_shape=jax.ShapeDtypeStruct((NCORE, N, DH), jnp.float32),
    )(x, Wh)


def _dinv_scale_body(deg_ref, h_ref, dv_ref, g_ref):
    dv = lax.rsqrt(deg_ref[0] + deg_ref[1] - 1.0)
    dv_ref[...] = dv
    for c in range(NCORE):
        g_ref[c] = h_ref[c] * dv


def _tc_dinv_scale(deg, h1):
    Rb = 1000
    return pl.pallas_call(
        _dinv_scale_body,
        grid=(N // Rb,),
        in_specs=[
            pl.BlockSpec((NCORE, Rb, DH), lambda i: (0, i, 0)),
            pl.BlockSpec((NCORE, Rb, DH), lambda i: (0, i, 0)),
        ],
        out_specs=[
            pl.BlockSpec((Rb, DH), lambda i: (i, 0)),
            pl.BlockSpec((NCORE, Rb, DH), lambda i: (0, i, 0)),
        ],
        out_shape=[
            jax.ShapeDtypeStruct((N, DH), jnp.float32),
            jax.ShapeDtypeStruct((NCORE, N, DH), jnp.float32),
        ],
    )(deg, h1)


def _mm2_body(a_ref, d_ref, b_ref, w_ref, o_ref):
    d = d_ref[...]
    x2 = jnp.concatenate(
        [jnp.maximum(a_ref[h] * d + b_ref[h:h + 1, :], 0.0)
         for h in range(NCORE)], axis=1)
    o_ref[0] = jnp.dot(x2, w_ref[0], preferred_element_type=jnp.float32) * d


def _tc_mm2_fused(agg1, dinv2d, b2d, Wh):
    Rb = 1000
    return pl.pallas_call(
        _mm2_body,
        grid=(NCORE, N // Rb),
        in_specs=[
            pl.BlockSpec((NCORE, Rb, DH), lambda c, r: (0, r, 0)),
            pl.BlockSpec((Rb, DH), lambda c, r: (r, 0)),
            pl.BlockSpec((NCORE, DH), lambda c, r: (0, 0)),
            pl.BlockSpec((1, D, DH), lambda c, r: (c, 0, 0)),
        ],
        out_specs=pl.BlockSpec((1, Rb, DH), lambda c, r: (c, r, 0)),
        out_shape=jax.ShapeDtypeStruct((NCORE, N, DH), jnp.float32),
    )(agg1, dinv2d, b2d, Wh)


def _epi2_body(a_ref, d_ref, b_ref, o_ref):
    d = d_ref[...]
    hs = [a_ref[h] * d + b_ref[h:h + 1, :] for h in range(NCORE)]
    m = jnp.maximum(hs[0].max(axis=1, keepdims=True),
                    hs[1].max(axis=1, keepdims=True))
    ssum = (jnp.exp(hs[0] - m).sum(axis=1, keepdims=True)
            + jnp.exp(hs[1] - m).sum(axis=1, keepdims=True))
    lse = m + jnp.log(ssum)
    for h in range(NCORE):
        o_ref[:, h * DH:(h + 1) * DH] = hs[h] - lse


def _tc_epilogue(agg, dinv2d, b2d, body):
    Rb = 1000
    return pl.pallas_call(
        body,
        grid=(N // Rb,),
        in_specs=[
            pl.BlockSpec((NCORE, Rb, DH), lambda r: (0, r, 0)),
            pl.BlockSpec((Rb, DH), lambda r: (r, 0)),
            pl.BlockSpec((NCORE, DH), lambda r: (0, 0)),
        ],
        out_specs=pl.BlockSpec((Rb, D), lambda r: (r, 0)),
        out_shape=jax.ShapeDtypeStruct((N, D), jnp.float32),
    )(agg, dinv2d, b2d)


def kernel(x, edge_index, W1, b1, W2, b2):
    src = edge_index[0].astype(jnp.int32)
    dst = edge_index[1].astype(jnp.int32)
    pad = EPAD - E
    srcp = jnp.concatenate([src, jnp.zeros((pad,), jnp.int32)])
    dstp = jnp.concatenate([dst, jnp.full((pad,), N, jnp.int32)])
    src2 = jnp.concatenate([srcp, srcp + N]).reshape(NCORE * EPAD // CHUNK,
                                                     CHUNK)
    dst2 = dstp.reshape(EPAD // CHUNK, CHUNK)

    ones_g = jnp.ones((N, DH), jnp.float32)
    ones_row = jnp.ones((CHUNK, DH), jnp.float32)
    W1h = W1.reshape(D, NCORE, DH).transpose(1, 0, 2)
    W2h = W2.reshape(D, NCORE, DH).transpose(1, 0, 2)

    deg = _sc_degree(ones_g, dst2, ones_row).reshape(NCORE, N, DH)
    h1 = _tc_matmul(x, W1h)
    dinv2d, g1 = _tc_dinv_scale(deg, h1)

    agg1 = _sc_aggregate(g1.reshape(NCORE * N, DH), src2, dst2)
    g2 = _tc_mm2_fused(agg1.reshape(NCORE, N, DH), dinv2d,
                       b1.reshape(NCORE, DH), W2h)

    agg2 = _sc_aggregate(g2.reshape(NCORE * N, DH), src2, dst2)
    return _tc_epilogue(agg2.reshape(NCORE, N, DH), dinv2d,
                        b2.reshape(NCORE, DH), _epi2_body)

# --- scband reference (transcript-rebuilt; emitter-appended) ---
"""Pipeline reference for scband-gcn-9990093931289 (READ-ONLY COPY).

The authoritative reference and input builder live on the scoring server;
editing this copy changes nothing except your own understanding.
"""

import jax, jax.numpy as jnp
import numpy as np

N = 10000
E = 160000
D_IN = 256
D_H = 256
D_OUT = 256


def setup_inputs(seed: int = 0) -> dict:
    key = jax.random.key(seed)
    k_x, k_ei, k_w1, k_w2 = jax.random.split(key, 4)
    x = jax.random.normal(k_x, (N, D_IN), dtype=jnp.float32)
    edge_index = jax.random.randint(k_ei, (2, E), 0, N, dtype=jnp.int32)
    W1 = jax.random.normal(k_w1, (D_IN, D_H), dtype=jnp.float32) * (1.0 / np.sqrt(D_IN))
    b1 = jnp.zeros((D_H,), dtype=jnp.float32)
    W2 = jax.random.normal(k_w2, (D_H, D_OUT), dtype=jnp.float32) * (1.0 / np.sqrt(D_H))
    b2 = jnp.zeros((D_OUT,), dtype=jnp.float32)
    return {"x": x, "edge_index": edge_index, "W1": W1, "b1": b1, "W2": W2, "b2": b2}


def gcn_conv(x, edge_index, W, b, num_nodes):
    # PyG GCNConv: add self-loops, symmetric normalization D^-1/2 A D^-1/2, linear, scatter-add, bias
    src = edge_index[0]
    dst = edge_index[1]
    loop = jnp.arange(num_nodes, dtype=src.dtype)
    src = jnp.concatenate([src, loop])
    dst = jnp.concatenate([dst, loop])
    deg = jnp.zeros((num_nodes,), dtype=x.dtype).at[dst].add(1.0)
    dinv = jnp.where(deg > 0, deg ** -0.5, 0.0)
    norm = dinv[src] * dinv[dst]
    h = x @ W
    msg = h[src] * norm[:, None]
    out = jnp.zeros((num_nodes, h.shape[1]), dtype=h.dtype).at[dst].add(msg)
    return out + b


def reference(x, edge_index, W1, b1, W2, b2):
    h = gcn_conv(x, edge_index, W1, b1, N)
    h = jax.nn.relu(h)
    # dropout p=0.5 is identity in eval mode (training=False)
    h = gcn_conv(h, edge_index, W2, b2, N)
    return jax.nn.log_softmax(h, axis=1)

if __name__ == "__main__":
    import jax
    _d = setup_inputs()
    print(jax.jit(kernel)(*tuple(_d.values())))

</pallas_src>

<mosaic_0001>
#map = affine_map<(d0, d1) -> (0, 0)>
module attributes {stable_mosaic.version = 14 : i64} {
  func.func @k(%arg0: i32, %arg1: i32, %arg2: memref<20000x128xf32, #tpu.memory_space<hbm>>, %arg3: memref<2560x128xi32, #tpu.memory_space<hbm>>, %arg4: memref<1280x128xi32, #tpu.memory_space<hbm>>, %arg5: memref<20000x128xf32, #tpu.memory_space<hbm>>, %arg6: memref<16x128xi32, #tpu.memory_space<vmem>>, %arg7: memref<16x128xi32, #tpu.memory_space<vmem>>, %arg8: memref<128x128xf32, #tpu.memory_space<vmem>>, %arg9: memref<128x128xf32, #tpu.memory_space<vmem>>, %arg10: memref<!tpu.dma_semaphore, #tpu.memory_space<semaphore_mem>>, %arg11: memref<!tpu.dma_semaphore, #tpu.memory_space<semaphore_mem>>, %arg12: memref<10008x128xf32, #tpu.memory_space<vmem_shared>>) attributes {dimension_semantics = [#tpu.dimension_semantics<core_parallel>, #tpu.dimension_semantics<subcore_parallel>], iteration_bounds = array<i64: 2, 16>, scalar_prefetch = 0 : i64, scratch_operands = 7 : i64, tpu.core_type = #tpu.core_type<sc_vector_subcore>, window_params = [{transform_indices = #map}, {transform_indices = #map}, {transform_indices = #map}, {transform_indices = #map}]} {
    %lt3A = arith.constant 15 : i32
    %lt3A_0 = arith.cmpi slt, %arg1, %lt3A : i32
    %convert_element_type3A = arith.extui %lt3A_0 : i1 to i32
    %cond3A = arith.constant 0 : i32
    %cond3A_1 = arith.cmpi ne, %convert_element_type3A, %cond3A : i32
    scf.if %cond3A_1 {
      %mul3A_27 = arith.constant 10000 : i32
      %mul3A_28 = arith.muli %arg0, %mul3A_27 : i32
      %mul3A_29 = arith.constant 624 : i32
      %mul3A_30 = arith.muli %arg1, %mul3A_29 : i32
      %add3A_31 = arith.addi %mul3A_28, %mul3A_30 : i32
      %mul3A_32 = arith.constant 624 : i32
      %mul3A_33 = arith.muli %arg1, %mul3A_32 : i32
      "tpu.region"() ({
        %run_scoped3A = tpu.sem_alloc : memref<!tpu.dma_semaphore, #tpu.memory_space<semaphore_mem>>
        %dma_start3A = arith.constant 0 : i32
        %dma_start3A_34 = tpu.memref_slice %arg12[%mul3A_33, %dma_start3A] : memref<10008x128xf32, #tpu.memory_space<vmem_shared>> -> memref<624x128xf32, #tpu.memory_space<vmem_shared>>
        %dma_start3A_35 = arith.constant 0 : i32
        %dma_start3A_36 = tpu.memref_slice %arg2[%add3A_31, %dma_start3A_35] : memref<20000x128xf32, #tpu.memory_space<hbm>> -> memref<624x128xf32, #tpu.memory_space<hbm>>
        tpu.enqueue_dma source(%dma_start3A_36 : memref<624x128xf32, #tpu.memory_space<hbm>>) target(%dma_start3A_34 : memref<624x128xf32, #tpu.memory_space<vmem_shared>>) target_semaphore(%run_scoped3A : memref<!tpu.dma_semaphore, #tpu.memory_space<semaphore_mem>>)
        %dma_wait3A = arith.constant 0 : i32
        %dma_wait3A_37 = tpu.memref_slice %arg12[%mul3A_33, %dma_wait3A] : memref<10008x128xf32, #tpu.memory_space<vmem_shared>> -> memref<624x128xf32, #tpu.memory_space<vmem_shared>>
        %dma_wait3A_38 = arith.constant 0 : i32
        %dma_wait3A_39 = tpu.memref_slice %arg2[%add3A_31, %dma_wait3A_38] : memref<20000x128xf32, #tpu.memory_space<hbm>> -> memref<624x128xf32, #tpu.memory_space<hbm>>
        tpu.wait_dma2 semaphore(%run_scoped3A : memref<!tpu.dma_semaphore, #tpu.memory_space<semaphore_mem>>) src(%dma_wait3A_39 : memref<624x128xf32, #tpu.memory_space<hbm>>) dst(%dma_wait3A_37 : memref<624x128xf32, #tpu.memory_space<vmem_shared>>)
        tpu.yield
      }) : () -> ()
    } else {
    }
    %eq3A = arith.constant 15 : i32
    %eq3A_2 = arith.cmpi eq, %arg1, %eq3A : i32
    %convert_element_type3A_3 = arith.extui %eq3A_2 : i1 to i32
    %cond3A_4 = arith.constant 0 : i32
    %cond3A_5 = arith.cmpi ne, %convert_element_type3A_3, %cond3A_4 : i32
    scf.if %cond3A_5 {
      %mul3A_27 = arith.constant 10000 : i32
      %mul3A_28 = arith.muli %arg0, %mul3A_27 : i32
      %add3A_29 = arith.constant 9360 : i32
      %add3A_30 = arith.addi %mul3A_28, %add3A_29 : i32
      "tpu.region"() ({
        %run_scoped3A = tpu.sem_alloc : memref<!tpu.dma_semaphore, #tpu.memory_space<semaphore_mem>>
        %dma_start3A = arith.constant 9360 : i32
        %dma_start3A_31 = arith.constant 0 : i32
        %dma_start3A_32 = tpu.memref_slice %arg12[%dma_start3A, %dma_start3A_31] : memref<10008x128xf32, #tpu.memory_space<vmem_shared>> -> memref<640x128xf32, #tpu.memory_space<vmem_shared>>
        %dma_start3A_33 = arith.constant 0 : i32
        %dma_start3A_34 = tpu.memref_slice %arg2[%add3A_30, %dma_start3A_33] : memref<20000x128xf32, #tpu.memory_space<hbm>> -> memref<640x128xf32, #tpu.memory_space<hbm>>
        tpu.enqueue_dma source(%dma_start3A_34 : memref<640x128xf32, #tpu.memory_space<hbm>>) target(%dma_start3A_32 : memref<640x128xf32, #tpu.memory_space<vmem_shared>>) target_semaphore(%run_scoped3A : memref<!tpu.dma_semaphore, #tpu.memory_space<semaphore_mem>>)
        %dma_wait3A = arith.constant 9360 : i32
        %dma_wait3A_35 = arith.constant 0 : i32
        %dma_wait3A_36 = tpu.memref_slice %arg12[%dma_wait3A, %dma_wait3A_35] : memref<10008x128xf32, #tpu.memory_space<vmem_shared>> -> memref<640x128xf32, #tpu.memory_space<vmem_shared>>
        %dma_wait3A_37 = arith.constant 0 : i32
        %dma_wait3A_38 = tpu.memref_slice %arg2[%add3A_30, %dma_wait3A_37] : memref<20000x128xf32, #tpu.memory_space<hbm>> -> memref<640x128xf32, #tpu.memory_space<hbm>>
        tpu.wait_dma2 semaphore(%run_scoped3A : memref<!tpu.dma_semaphore, #tpu.memory_space<semaphore_mem>>) src(%dma_wait3A_38 : memref<640x128xf32, #tpu.memory_space<hbm>>) dst(%dma_wait3A_36 : memref<640x128xf32, #tpu.memory_space<vmem_shared>>)
        tpu.yield
      }) : () -> ()
    } else {
    }
    %barrier3A = arith.constant 0 : index
    tpu.barrier barrier_id(%barrier3A)
    %mul3A = arith.constant 16 : i32
    %mul3A_6 = arith.muli %arg0, %mul3A : i32
    %add3A = arith.addi %mul3A_6, %arg1 : i32
    %mul3A_7 = arith.constant 80 : i32
    %mul3A_8 = arith.muli %add3A, %mul3A_7 : i32
    %mul3A_9 = arith.constant 80 : i32
    %mul3A_10 = arith.muli %arg1, %mul3A_9 : i32
    %scan3A = arith.constant 0 : i32
    %scan3A_11 = arith.constant 0 : i32
    %scan3A_12 = arith.constant 5 : i32
    %scan3A_13 = arith.addi %scan3A_11, %scan3A_12 : i32
    %scan3A_14 = arith.constant 1 : i32
    scf.for %scan3A_27 = %scan3A_11 to %scan3A_13 step %scan3A_14  : i32 {
      %mul3A_28 = arith.constant 16 : i32
      %mul3A_29 = arith.muli %scan3A_27, %mul3A_28 : i32
      %add3A_30 = arith.addi %mul3A_8, %mul3A_29 : i32
      "tpu.region"() ({
        %run_scoped3A_65 = tpu.sem_alloc : memref<!tpu.dma_semaphore, #tpu.memory_space<semaphore_mem>>
        %dma_start3A_66 = arith.constant 0 : i32
        %dma_start3A_67 = tpu.memref_slice %arg3[%add3A_30, %dma_start3A_66] : memref<2560x128xi32, #tpu.memory_space<hbm>> -> memref<16x128xi32, #tpu.memory_space<hbm>>
        %dma_start3A_68 = arith.constant 0 : i32
        %dma_start3A_69 = tpu.memref_slice %arg3[%add3A_30, %dma_start3A_68] : memref<2560x128xi32, #tpu.memory_space<hbm>> -> memref<16x128xi32, #tpu.memory_space<hbm>>
        tpu.enqueue_dma source(%dma_start3A_69 : memref<16x128xi32, #tpu.memory_space<hbm>>) target(%arg6 : memref<16x128xi32, #tpu.memory_space<vmem>>) target_semaphore(%run_scoped3A_65 : memref<!tpu.dma_semaphore, #tpu.memory_space<semaphore_mem>>)
        %dma_wait3A_70 = arith.constant 0 : i32
        %dma_wait3A_71 = tpu.memref_slice %arg3[%add3A_30, %dma_wait3A_70] : memref<2560x128xi32, #tpu.memory_space<hbm>> -> memref<16x128xi32, #tpu.memory_space<hbm>>
        %dma_wait3A_72 = arith.constant 0 : i32
        %dma_wait3A_73 = tpu.memref_slice %arg3[%add3A_30, %dma_wait3A_72] : memref<2560x128xi32, #tpu.memory_space<hbm>> -> memref<16x128xi32, #tpu.memory_space<hbm>>
        tpu.wait_dma2 semaphore(%run_scoped3A_65 : memref<!tpu.dma_semaphore, #tpu.memory_space<semaphore_mem>>) src(%dma_wait3A_73 : memref<16x128xi32, #tpu.memory_space<hbm>>) dst(%arg6 : memref<16x128xi32, #tpu.memory_space<vmem>>)
        tpu.yield
      }) : () -> ()
      %mul3A_31 = arith.constant 16 : i32
      %mul3A_32 = arith.muli %scan3A_27, %mul3A_31 : i32
      %add3A_33 = arith.addi %mul3A_10, %mul3A_32 : i32
      "tpu.region"() ({
        %run_scoped3A_65 = tpu.sem_alloc : memref<!tpu.dma_semaphore, #tpu.memory_space<semaphore_mem>>
        %dma_start3A_66 = arith.constant 0 : i32
        %dma_start3A_67 = tpu.memref_slice %arg4[%add3A_33, %dma_start3A_66] : memref<1280x128xi32, #tpu.memory_space<hbm>> -> memref<16x128xi32, #tpu.memory_space<hbm>>
        %dma_start3A_68 = arith.constant 0 : i32
        %dma_start3A_69 = tpu.memref_slice %arg4[%add3A_33, %dma_start3A_68] : memref<1280x128xi32, #tpu.memory_space<hbm>> -> memref<16x128xi32, #tpu.memory_space<hbm>>
        tpu.enqueue_dma source(%dma_start3A_69 : memref<16x128xi32, #tpu.memory_space<hbm>>) target(%arg7 : memref<16x128xi32, #tpu.memory_space<vmem>>) target_semaphore(%run_scoped3A_65 : memref<!tpu.dma_semaphore, #tpu.memory_space<semaphore_mem>>)
        %dma_wait3A_70 = arith.constant 0 : i32
        %dma_wait3A_71 = tpu.memref_slice %arg4[%add3A_33, %dma_wait3A_70] : memref<1280x128xi32, #tpu.memory_space<hbm>> -> memref<16x128xi32, #tpu.memory_space<hbm>>
        %dma_wait3A_72 = arith.constant 0 : i32
        %dma_wait3A_73 = tpu.memref_slice %arg4[%add3A_33, %dma_wait3A_72] : memref<1280x128xi32, #tpu.memory_space<hbm>> -> memref<16x128xi32, #tpu.memory_space<hbm>>
        tpu.wait_dma2 semaphore(%run_scoped3A_65 : memref<!tpu.dma_semaphore, #tpu.memory_space<semaphore_mem>>) src(%dma_wait3A_73 : memref<16x128xi32, #tpu.memory_space<hbm>>) dst(%arg7 : memref<16x128xi32, #tpu.memory_space<vmem>>)
        tpu.yield
      }) : () -> ()
      %dma_start3A = arith.constant 0 : i32
      %dma_start3A_34 = arith.constant 0 : i32
      %dma_start3A_35 = tpu.memref_slice %arg6[%dma_start3A, %dma_start3A_34] : memref<16x128xi32, #tpu.memory_space<vmem>> -> memref<1x128xi32, #tpu.memory_space<vmem>>
      %dma_start3A_36 = tpu.memref_squeeze %dma_start3A_35 : memref<1x128xi32, #tpu.memory_space<vmem>> -> memref<128xi32, #tpu.memory_space<vmem>>
      %dma_start3A_37 = arith.constant 0 : i32
      %dma_start3A_38 = arith.constant 0 : i32
      %dma_start3A_39 = tpu.memref_slice %arg2[%dma_start3A_37, %dma_start3A_38] : memref<20000x128xf32, #tpu.memory_space<hbm>> -> memref<20000x128xf32, #tpu.memory_space<hbm>>
      tpu.enqueue_indirect_dma source(%dma_start3A_39 : memref<20000x128xf32, #tpu.memory_space<hbm>>) target(%arg8 : memref<128x128xf32, #tpu.memory_space<vmem>>) offsets(%dma_start3A_36 : memref<128xi32, #tpu.memory_space<vmem>>) semaphore(%arg10 : memref<!tpu.dma_semaphore, #tpu.memory_space<semaphore_mem>>)
      %scan3A_40 = arith.constant 0 : i32
      %scan3A_41 = arith.constant 0 : i32
      %scan3A_42 = arith.constant 7 : i32
      %scan3A_43 = arith.addi %scan3A_41, %scan3A_42 : i32
      %scan3A_44 = arith.constant 1 : i32
      scf.for %scan3A_65 = %scan3A_41 to %scan3A_43 step %scan3A_44  : i32 {
        %mul3A_66 = arith.constant 2 : i32
        %mul3A_67 = arith.muli %mul3A_66, %scan3A_65 : i32
        %add3A_68 = arith.constant 1 : i32
        %add3A_69 = arith.addi %mul3A_67, %add3A_68 : i32
        %dma_start3A_70 = arith.constant 0 : i32
        %dma_start3A_71 = tpu.memref_slice %arg6[%add3A_69, %dma_start3A_70] : memref<16x128xi32, #tpu.memory_space<vmem>> -> memref<1x128xi32, #tpu.memory_space<vmem>>
        %dma_start3A_72 = tpu.memref_squeeze %dma_start3A_71 : memref<1x128xi32, #tpu.memory_space<vmem>> -> memref<128xi32, #tpu.memory_space<vmem>>
        %dma_start3A_73 = arith.constant 0 : i32
        %dma_start3A_74 = arith.constant 0 : i32
        %dma_start3A_75 = tpu.memref_slice %arg2[%dma_start3A_73, %dma_start3A_74] : memref<20000x128xf32, #tpu.memory_space<hbm>> -> memref<20000x128xf32, #tpu.memory_space<hbm>>
        tpu.enqueue_indirect_dma source(%dma_start3A_75 : memref<20000x128xf32, #tpu.memory_space<hbm>>) target(%arg9 : memref<128x128xf32, #tpu.memory_space<vmem>>) offsets(%dma_start3A_72 : memref<128xi32, #tpu.memory_space<vmem>>) semaphore(%arg11 : memref<!tpu.dma_semaphore, #tpu.memory_space<semaphore_mem>>)
        %dma_wait3A_76 = arith.constant 0 : i32
        %dma_wait3A_77 = arith.constant 0 : i32
        %dma_wait3A_78 = tpu.memref_slice %arg2[%dma_wait3A_76, %dma_wait3A_77] : memref<20000x128xf32, #tpu.memory_space<hbm>> -> memref<128x128xf32, #tpu.memory_space<hbm>>
        %dma_wait3A_79 = arith.constant 0 : i32
        %dma_wait3A_80 = arith.constant 0 : i32
        %dma_wait3A_81 = tpu.memref_slice %arg2[%dma_wait3A_79, %dma_wait3A_80] : memref<20000x128xf32, #tpu.memory_space<hbm>> -> memref<128x128xf32, #tpu.memory_space<hbm>>
        tpu.wait_dma2 semaphore(%arg10 : memref<!tpu.dma_semaphore, #tpu.memory_space<semaphore_mem>>) src(%dma_wait3A_81 : memref<128x128xf32, #tpu.memory_space<hbm>>) dst(%arg8 : memref<128x128xf32, #tpu.memory_space<vmem>>)
        %mul3A_82 = arith.constant 2 : i32
        %mul3A_83 = arith.muli %mul3A_82, %scan3A_65 : i32
        "tpu.region"() ({
          %run_scoped3A_104 = tpu.sem_alloc : memref<!tpu.dma_semaphore, #tpu.memory_space<semaphore_mem>>
          %dma_start3A_105 = arith.constant 0 : i32
          %dma_start3A_106 = tpu.memref_slice %arg7[%mul3A_83, %dma_start3A_105] : memref<16x128xi32, #tpu.memory_space<vmem>> -> memref<1x128xi32, #tpu.memory_space<vmem>>
          %dma_start3A_107 = tpu.memref_squeeze %dma_start3A_106 : memref<1x128xi32, #tpu.memory_space<vmem>> -> memref<128xi32, #tpu.memory_space<vmem>>
          %dma_start3A_108 = arith.constant 0 : i32
          %dma_start3A_109 = arith.constant 0 : i32
          %dma_start3A_110 = tpu.memref_slice %arg12[%dma_start3A_108, %dma_start3A_109] : memref<10008x128xf32, #tpu.memory_space<vmem_shared>> -> memref<10008x128xf32, #tpu.memory_space<vmem_shared>>
          tpu.enqueue_indirect_dma source(%arg8 : memref<128x128xf32, #tpu.memory_space<vmem>>) target(%dma_start3A_110 : memref<10008x128xf32, #tpu.memory_space<vmem_shared>>) offsets(%dma_start3A_107 : memref<128xi32, #tpu.memory_space<vmem>>) semaphore(%run_scoped3A_104 : memref<!tpu.dma_semaphore, #tpu.memory_space<semaphore_mem>>) {add = true}
          %dma_wait3A_111 = arith.constant 0 : i32
          %dma_wait3A_112 = tpu.memref_slice %arg7[%mul3A_83, %dma_wait3A_111] : memref<16x128xi32, #tpu.memory_space<vmem>> -> memref<1x128xi32, #tpu.memory_space<vmem>>
          %dma_wait3A_113 = tpu.memref_squeeze %dma_wait3A_112 : memref<1x128xi32, #tpu.memory_space<vmem>> -> memref<128xi32, #tpu.memory_space<vmem>>
          %dma_wait3A_114 = arith.constant 0 : i32
          %dma_wait3A_115 = arith.constant 0 : i32
          %dma_wait3A_116 = tpu.memref_slice %arg12[%dma_wait3A_114, %dma_wait3A_115] : memref<10008x128xf32, #tpu.memory_space<vmem_shared>> -> memref<10008x128xf32, #tpu.memory_space<vmem_shared>>
          tpu.wait_indirect_dma semaphore(%run_scoped3A_104 : memref<!tpu.dma_semaphore, #tpu.memory_space<semaphore_mem>>) src(%arg8 : memref<128x128xf32, #tpu.memory_space<vmem>>) dst(%dma_wait3A_116 : memref<10008x128xf32, #tpu.memory_space<vmem_shared>>)
          tpu.yield
        }) : () -> ()
        %mul3A_84 = arith.constant 2 : i32
        %mul3A_85 = arith.muli %mul3A_84, %scan3A_65 : i32
        %add3A_86 = arith.constant 2 : i32
        %add3A_87 = arith.addi %mul3A_85, %add3A_86 : i32
        %dma_start3A_88 = arith.constant 0 : i32
        %dma_start3A_89 = tpu.memref_slice %arg6[%add3A_87, %dma_start3A_88] : memref<16x128xi32, #tpu.memory_space<vmem>> -> memref<1x128xi32, #tpu.memory_space<vmem>>
        %dma_start3A_90 = tpu.memref_squeeze %dma_start3A_89 : memref<1x128xi32, #tpu.memory_space<vmem>> -> memref<128xi32, #tpu.memory_space<vmem>>
        %dma_start3A_91 = arith.constant 0 : i32
        %dma_start3A_92 = arith.constant 0 : i32
        %dma_start3A_93 = tpu.memref_slice %arg2[%dma_start3A_91, %dma_start3A_92] : memref<20000x128xf32, #tpu.memory_space<hbm>> -> memref<20000x128xf32, #tpu.memory_space<hbm>>
        tpu.enqueue_indirect_dma source(%dma_start3A_93 : memref<20000x128xf32, #tpu.memory_space<hbm>>) target(%arg8 : memref<128x128xf32, #tpu.memory_space<vmem>>) offsets(%dma_start3A_90 : memref<128xi32, #tpu.memory_space<vmem>>) semaphore(%arg10 : memref<!tpu.dma_semaphore, #tpu.memory_space<semaphore_mem>>)
        %dma_wait3A_94 = arith.constant 0 : i32
        %dma_wait3A_95 = arith.constant 0 : i32
        %dma_wait3A_96 = tpu.memref_slice %arg2[%dma_wait3A_94, %dma_wait3A_95] : memref<20000x128xf32, #tpu.memory_space<hbm>> -> memref<128x128xf32, #tpu.memory_space<hbm>>
        %dma_wait3A_97 = arith.constant 0 : i32
        %dma_wait3A_98 = arith.constant 0 : i32
        %dma_wait3A_99 = tpu.memref_slice %arg2[%dma_wait3A_97, %dma_wait3A_98] : memref<20000x128xf32, #tpu.memory_space<hbm>> -> memref<128x128xf32, #tpu.memory_space<hbm>>
        tpu.wait_dma2 semaphore(%arg11 : memref<!tpu.dma_semaphore, #tpu.memory_space<semaphore_mem>>) src(%dma_wait3A_99 : memref<128x128xf32, #tpu.memory_space<hbm>>) dst(%arg9 : memref<128x128xf32, #tpu.memory_space<vmem>>)
        %mul3A_100 = arith.constant 2 : i32
        %mul3A_101 = arith.muli %mul3A_100, %scan3A_65 : i32
        %add3A_102 = arith.constant 1 : i32
        %add3A_103 = arith.addi %mul3A_101, %add3A_102 : i32
        "tpu.region"() ({
          %run_scoped3A_104 = tpu.sem_alloc : memref<!tpu.dma_semaphore, #tpu.memory_space<semaphore_mem>>
          %dma_start3A_105 = arith.constant 0 : i32
          %dma_start3A_106 = tpu.memref_slice %arg7[%add3A_103, %dma_start3A_105] : memref<16x128xi32, #tpu.memory_space<vmem>> -> memref<1x128xi32, #tpu.memory_space<vmem>>
          %dma_start3A_107 = tpu.memref_squeeze %dma_start3A_106 : memref<1x128xi32, #tpu.memory_space<vmem>> -> memref<128xi32, #tpu.memory_space<vmem>>
          %dma_start3A_108 = arith.constant 0 : i32
          %dma_start3A_109 = arith.constant 0 : i32
          %dma_start3A_110 = tpu.memref_slice %arg12[%dma_start3A_108, %dma_start3A_109] : memref<10008x128xf32, #tpu.memory_space<vmem_shared>> -> memref<10008x128xf32, #tpu.memory_space<vmem_shared>>
          tpu.enqueue_indirect_dma source(%arg9 : memref<128x128xf32, #tpu.memory_space<vmem>>) target(%dma_start3A_110 : memref<10008x128xf32, #tpu.memory_space<vmem_shared>>) offsets(%dma_start3A_107 : memref<128xi32, #tpu.memory_space<vmem>>) semaphore(%run_scoped3A_104 : memref<!tpu.dma_semaphore, #tpu.memory_space<semaphore_mem>>) {add = true}
          %dma_wait3A_111 = arith.constant 0 : i32
          %dma_wait3A_112 = tpu.memref_slice %arg7[%add3A_103, %dma_wait3A_111] : memref<16x128xi32, #tpu.memory_space<vmem>> -> memref<1x128xi32, #tpu.memory_space<vmem>>
          %dma_wait3A_113 = tpu.memref_squeeze %dma_wait3A_112 : memref<1x128xi32, #tpu.memory_space<vmem>> -> memref<128xi32, #tpu.memory_space<vmem>>
          %dma_wait3A_114 = arith.constant 0 : i32
          %dma_wait3A_115 = arith.constant 0 : i32
          %dma_wait3A_116 = tpu.memref_slice %arg12[%dma_wait3A_114, %dma_wait3A_115] : memref<10008x128xf32, #tpu.memory_space<vmem_shared>> -> memref<10008x128xf32, #tpu.memory_space<vmem_shared>>
          tpu.wait_indirect_dma semaphore(%run_scoped3A_104 : memref<!tpu.dma_semaphore, #tpu.memory_space<semaphore_mem>>) src(%arg9 : memref<128x128xf32, #tpu.memory_space<vmem>>) dst(%dma_wait3A_116 : memref<10008x128xf32, #tpu.memory_space<vmem_shared>>)
          tpu.yield
        }) : () -> ()
      }
      %scan3A_45 = arith.constant 7 : i32
      %dma_start3A_46 = arith.constant 15 : i32
      %dma_start3A_47 = arith.constant 0 : i32
      %dma_start3A_48 = tpu.memref_slice %arg6[%dma_start3A_46, %dma_start3A_47] : memref<16x128xi32, #tpu.memory_space<vmem>> -> memref<1x128xi32, #tpu.memory_space<vmem>>
      %dma_start3A_49 = tpu.memref_squeeze %dma_start3A_48 : memref<1x128xi32, #tpu.memory_space<vmem>> -> memref<128xi32, #tpu.memory_space<vmem>>
      %dma_start3A_50 = arith.constant 0 : i32
      %dma_start3A_51 = arith.constant 0 : i32
      %dma_start3A_52 = tpu.memref_slice %arg2[%dma_start3A_50, %dma_start3A_51] : memref<20000x128xf32, #tpu.memory_space<hbm>> -> memref<20000x128xf32, #tpu.memory_space<hbm>>
      tpu.enqueue_indirect_dma source(%dma_start3A_52 : memref<20000x128xf32, #tpu.memory_space<hbm>>) target(%arg9 : memref<128x128xf32, #tpu.memory_space<vmem>>) offsets(%dma_start3A_49 : memref<128xi32, #tpu.memory_space<vmem>>) semaphore(%arg11 : memref<!tpu.dma_semaphore, #tpu.memory_space<semaphore_mem>>)
      %dma_wait3A = arith.constant 0 : i32
      %dma_wait3A_53 = arith.constant 0 : i32
      %dma_wait3A_54 = tpu.memref_slice %arg2[%dma_wait3A, %dma_wait3A_53] : memref<20000x128xf32, #tpu.memory_space<hbm>> -> memref<128x128xf32, #tpu.memory_space<hbm>>
      %dma_wait3A_55 = arith.constant 0 : i32
      %dma_wait3A_56 = arith.constant 0 : i32
      %dma_wait3A_57 = tpu.memref_slice %arg2[%dma_wait3A_55, %dma_wait3A_56] : memref<20000x128xf32, #tpu.memory_space<hbm>> -> memref<128x128xf32, #tpu.memory_space<hbm>>
      tpu.wait_dma2 semaphore(%arg10 : memref<!tpu.dma_semaphore, #tpu.memory_space<semaphore_mem>>) src(%dma_wait3A_57 : memref<128x128xf32, #tpu.memory_space<hbm>>) dst(%arg8 : memref<128x128xf32, #tpu.memory_space<vmem>>)
      %run_scoped3A = arith.constant 14 : i32
      "tpu.region"() ({
        %run_scoped3A_65 = tpu.sem_alloc : memref<!tpu.dma_semaphore, #tpu.memory_space<semaphore_mem>>
        %dma_start3A_66 = arith.constant 0 : i32
        %dma_start3A_67 = tpu.memref_slice %arg7[%run_scoped3A, %dma_start3A_66] : memref<16x128xi32, #tpu.memory_space<vmem>> -> memref<1x128xi32, #tpu.memory_space<vmem>>
        %dma_start3A_68 = tpu.memref_squeeze %dma_start3A_67 : memref<1x128xi32, #tpu.memory_space<vmem>> -> memref<128xi32, #tpu.memory_space<vmem>>
        %dma_start3A_69 = arith.constant 0 : i32
        %dma_start3A_70 = arith.constant 0 : i32
        %dma_start3A_71 = tpu.memref_slice %arg12[%dma_start3A_69, %dma_start3A_70] : memref<10008x128xf32, #tpu.memory_space<vmem_shared>> -> memref<10008x128xf32, #tpu.memory_space<vmem_shared>>
        tpu.enqueue_indirect_dma source(%arg8 : memref<128x128xf32, #tpu.memory_space<vmem>>) target(%dma_start3A_71 : memref<10008x128xf32, #tpu.memory_space<vmem_shared>>) offsets(%dma_start3A_68 : memref<128xi32, #tpu.memory_space<vmem>>) semaphore(%run_scoped3A_65 : memref<!tpu.dma_semaphore, #tpu.memory_space<semaphore_mem>>) {add = true}
        %dma_wait3A_72 = arith.constant 0 : i32
        %dma_wait3A_73 = tpu.memref_slice %arg7[%run_scoped3A, %dma_wait3A_72] : memref<16x128xi32, #tpu.memory_space<vmem>> -> memref<1x128xi32, #tpu.memory_space<vmem>>
        %dma_wait3A_74 = tpu.memref_squeeze %dma_wait3A_73 : memref<1x128xi32, #tpu.memory_space<vmem>> -> memref<128xi32, #tpu.memory_space<vmem>>
        %dma_wait3A_75 = arith.constant 0 : i32
        %dma_wait3A_76 = arith.constant 0 : i32
        %dma_wait3A_77 = tpu.memref_slice %arg12[%dma_wait3A_75, %dma_wait3A_76] : memref<10008x128xf32, #tpu.memory_space<vmem_shared>> -> memref<10008x128xf32, #tpu.memory_space<vmem_shared>>
        tpu.wait_indirect_dma semaphore(%run_scoped3A_65 : memref<!tpu.dma_semaphore, #tpu.memory_space<semaphore_mem>>) src(%arg8 : memref<128x128xf32, #tpu.memory_space<vmem>>) dst(%dma_wait3A_77 : memref<10008x128xf32, #tpu.memory_space<vmem_shared>>)
        tpu.yield
      }) : () -> ()
      %dma_wait3A_58 = arith.constant 0 : i32
      %dma_wait3A_59 = arith.constant 0 : i32
      %dma_wait3A_60 = tpu.memref_slice %arg2[%dma_wait3A_58, %dma_wait3A_59] : memref<20000x128xf32, #tpu.memory_space<hbm>> -> memref<128x128xf32, #tpu.memory_space<hbm>>
      %dma_wait3A_61 = arith.constant 0 : i32
      %dma_wait3A_62 = arith.constant 0 : i32
      %dma_wait3A_63 = tpu.memref_slice %arg2[%dma_wait3A_61, %dma_wait3A_62] : memref<20000x128xf32, #tpu.memory_space<hbm>> -> memref<128x128xf32, #tpu.memory_space<hbm>>
      tpu.wait_dma2 semaphore(%arg11 : memref<!tpu.dma_semaphore, #tpu.memory_space<semaphore_mem>>) src(%dma_wait3A_63 : memref<128x128xf32, #tpu.memory_space<hbm>>) dst(%arg9 : memref<128x128xf32, #tpu.memory_space<vmem>>)
      %run_scoped3A_64 = arith.constant 15 : i32
      "tpu.region"() ({
        %run_scoped3A_65 = tpu.sem_alloc : memref<!tpu.dma_semaphore, #tpu.memory_space<semaphore_mem>>
        %dma_start3A_66 = arith.constant 0 : i32
        %dma_start3A_67 = tpu.memref_slice %arg7[%run_scoped3A_64, %dma_start3A_66] : memref<16x128xi32, #tpu.memory_space<vmem>> -> memref<1x128xi32, #tpu.memory_space<vmem>>
        %dma_start3A_68 = tpu.memref_squeeze %dma_start3A_67 : memref<1x128xi32, #tpu.memory_space<vmem>> -> memref<128xi32, #tpu.memory_space<vmem>>
        %dma_start3A_69 = arith.constant 0 : i32
        %dma_start3A_70 = arith.constant 0 : i32
        %dma_start3A_71 = tpu.memref_slice %arg12[%dma_start3A_69, %dma_start3A_70] : memref<10008x128xf32, #tpu.memory_space<vmem_shared>> -> memref<10008x128xf32, #tpu.memory_space<vmem_shared>>
        tpu.enqueue_indirect_dma source(%arg9 : memref<128x128xf32, #tpu.memory_space<vmem>>) target(%dma_start3A_71 : memref<10008x128xf32, #tpu.memory_space<vmem_shared>>) offsets(%dma_start3A_68 : memref<128xi32, #tpu.memory_space<vmem>>) semaphore(%run_scoped3A_65 : memref<!tpu.dma_semaphore, #tpu.memory_space<semaphore_mem>>) {add = true}
        %dma_wait3A_72 = arith.constant 0 : i32
        %dma_wait3A_73 = tpu.memref_slice %arg7[%run_scoped3A_64, %dma_wait3A_72] : memref<16x128xi32, #tpu.memory_space<vmem>> -> memref<1x128xi32, #tpu.memory_space<vmem>>
        %dma_wait3A_74 = tpu.memref_squeeze %dma_wait3A_73 : memref<1x128xi32, #tpu.memory_space<vmem>> -> memref<128xi32, #tpu.memory_space<vmem>>
        %dma_wait3A_75 = arith.constant 0 : i32
        %dma_wait3A_76 = arith.constant 0 : i32
        %dma_wait3A_77 = tpu.memref_slice %arg12[%dma_wait3A_75, %dma_wait3A_76] : memref<10008x128xf32, #tpu.memory_space<vmem_shared>> -> memref<10008x128xf32, #tpu.memory_space<vmem_shared>>
        tpu.wait_indirect_dma semaphore(%run_scoped3A_65 : memref<!tpu.dma_semaphore, #tpu.memory_space<semaphore_mem>>) src(%arg9 : memref<128x128xf32, #tpu.memory_space<vmem>>) dst(%dma_wait3A_77 : memref<10008x128xf32, #tpu.memory_space<vmem_shared>>)
        tpu.yield
      }) : () -> ()
    }
    %scan3A_15 = arith.constant 5 : i32
    %barrier3A_16 = arith.constant 0 : index
    tpu.barrier barrier_id(%barrier3A_16)
    %lt3A_17 = arith.constant 15 : i32
    %lt3A_18 = arith.cmpi slt, %arg1, %lt3A_17 : i32
    %convert_element_type3A_19 = arith.extui %lt3A_18 : i1 to i32
    %cond3A_20 = arith.constant 0 : i32
    %cond3A_21 = arith.cmpi ne, %convert_element_type3A_19, %cond3A_20 : i32
    scf.if %cond3A_21 {
      %mul3A_27 = arith.constant 624 : i32
      %mul3A_28 = arith.muli %arg1, %mul3A_27 : i32
      %mul3A_29 = arith.constant 10000 : i32
      %mul3A_30 = arith.muli %arg0, %mul3A_29 : i32
      %mul3A_31 = arith.constant 624 : i32
      %mul3A_32 = arith.muli %arg1, %mul3A_31 : i32
      %add3A_33 = arith.addi %mul3A_30, %mul3A_32 : i32
      "tpu.region"() ({
        %run_scoped3A = tpu.sem_alloc : memref<!tpu.dma_semaphore, #tpu.memory_space<semaphore_mem>>
        %dma_start3A = arith.constant 0 : i32
        %dma_start3A_34 = tpu.memref_slice %arg5[%add3A_33, %dma_start3A] : memref<20000x128xf32, #tpu.memory_space<hbm>> -> memref<624x128xf32, #tpu.memory_space<hbm>>
        %dma_start3A_35 = arith.constant 0 : i32
        %dma_start3A_36 = tpu.memref_slice %arg12[%mul3A_28, %dma_start3A_35] : memref<10008x128xf32, #tpu.memory_space<vmem_shared>> -> memref<624x128xf32, #tpu.memory_space<vmem_shared>>
        tpu.enqueue_dma source(%dma_start3A_36 : memref<624x128xf32, #tpu.memory_space<vmem_shared>>) target(%dma_start3A_34 : memref<624x128xf32, #tpu.memory_space<hbm>>) target_semaphore(%run_scoped3A : memref<!tpu.dma_semaphore, #tpu.memory_space<semaphore_mem>>)
        %dma_wait3A = arith.constant 0 : i32
        %dma_wait3A_37 = tpu.memref_slice %arg5[%add3A_33, %dma_wait3A] : memref<20000x128xf32, #tpu.memory_space<hbm>> -> memref<624x128xf32, #tpu.memory_space<hbm>>
        %dma_wait3A_38 = arith.constant 0 : i32
        %dma_wait3A_39 = tpu.memref_slice %arg12[%mul3A_28, %dma_wait3A_38] : memref<10008x128xf32, #tpu.memory_space<vmem_shared>> -> memref<624x128xf32, #tpu.memory_space<vmem_shared>>
        tpu.wait_dma2 semaphore(%run_scoped3A : memref<!tpu.dma_semaphore, #tpu.memory_space<semaphore_mem>>) src(%dma_wait3A_39 : memref<624x128xf32, #tpu.memory_space<vmem_shared>>) dst(%dma_wait3A_37 : memref<624x128xf32, #tpu.memory_space<hbm>>)
        tpu.yield
      }) : () -> ()
    } else {
    }
    %eq3A_22 = arith.constant 15 : i32
    %eq3A_23 = arith.cmpi eq, %arg1, %eq3A_22 : i32
    %convert_element_type3A_24 = arith.extui %eq3A_23 : i1 to i32
    %cond3A_25 = arith.constant 0 : i32
    %cond3A_26 = arith.cmpi ne, %convert_element_type3A_24, %cond3A_25 : i32
    scf.if %cond3A_26 {
      %mul3A_27 = arith.constant 10000 : i32
      %mul3A_28 = arith.muli %arg0, %mul3A_27 : i32
      %add3A_29 = arith.constant 9360 : i32
      %add3A_30 = arith.addi %mul3A_28, %add3A_29 : i32
      "tpu.region"() ({
        %run_scoped3A = tpu.sem_alloc : memref<!tpu.dma_semaphore, #tpu.memory_space<semaphore_mem>>
        %dma_start3A = arith.constant 0 : i32
        %dma_start3A_31 = tpu.memref_slice %arg5[%add3A_30, %dma_start3A] : memref<20000x128xf32, #tpu.memory_space<hbm>> -> memref<640x128xf32, #tpu.memory_space<hbm>>
        %dma_start3A_32 = arith.constant 9360 : i32
        %dma_start3A_33 = arith.constant 0 : i32
        %dma_start3A_34 = tpu.memref_slice %arg12[%dma_start3A_32, %dma_start3A_33] : memref<10008x128xf32, #tpu.memory_space<vmem_shared>> -> memref<640x128xf32, #tpu.memory_space<vmem_shared>>
        tpu.enqueue_dma source(%dma_start3A_34 : memref<640x128xf32, #tpu.memory_space<vmem_shared>>) target(%dma_start3A_31 : memref<640x128xf32, #tpu.memory_space<hbm>>) target_semaphore(%run_scoped3A : memref<!tpu.dma_semaphore, #tpu.memory_space<semaphore_mem>>)
        %dma_wait3A = arith.constant 0 : i32
        %dma_wait3A_35 = tpu.memref_slice %arg5[%add3A_30, %dma_wait3A] : memref<20000x128xf32, #tpu.memory_space<hbm>> -> memref<640x128xf32, #tpu.memory_space<hbm>>
        %dma_wait3A_36 = arith.constant 9360 : i32
        %dma_wait3A_37 = arith.constant 0 : i32
        %dma_wait3A_38 = tpu.memref_slice %arg12[%dma_wait3A_36, %dma_wait3A_37] : memref<10008x128xf32, #tpu.memory_space<vmem_shared>> -> memref<640x128xf32, #tpu.memory_space<vmem_shared>>
        tpu.wait_dma2 semaphore(%run_scoped3A : memref<!tpu.dma_semaphore, #tpu.memory_space<semaphore_mem>>) src(%dma_wait3A_38 : memref<640x128xf32, #tpu.memory_space<vmem_shared>>) dst(%dma_wait3A_35 : memref<640x128xf32, #tpu.memory_space<hbm>>)
        tpu.yield
      }) : () -> ()
    } else {
    }
    return
  }
}

#map = affine_map<(d0, d1) -> (0, 0)>
module attributes {stable_mosaic.version = 14 : i64} {
  func.func @k(%arg0: i32, %arg1: i32, %arg2: memref<10000x128xf32, #tpu.memory_space<hbm>>, %arg3: memref<1280x128xi32, #tpu.memory_space<hbm>>, %arg4: memref<128x128xf32, #tpu.memory_space<hbm>>, %arg5: memref<20000x128xf32, #tpu.memory_space<hbm>>, %arg6: memref<40x128xi32, #tpu.memory_space<vmem>>, %arg7: memref<128x128xf32, #tpu.memory_space<vmem>>, %arg8: memref<!tpu.dma_semaphore, #tpu.memory_space<semaphore_mem>>, %arg9: memref<10008x128xf32, #tpu.memory_space<vmem_shared>>) attributes {dimension_semantics = [#tpu.dimension_semantics<core_parallel>, #tpu.dimension_semantics<subcore_parallel>], iteration_bounds = array<i64: 2, 16>, scalar_prefetch = 0 : i64, scratch_operands = 4 : i64, tpu.core_type = #tpu.core_type<sc_vector_subcore>, window_params = [{transform_indices = #map}, {transform_indices = #map}, {transform_indices = #map}, {transform_indices = #map}]} {
    %mul3A = arith.constant 2 : i32
    %mul3A_0 = arith.muli %arg1, %mul3A : i32
    %add3A = arith.addi %mul3A_0, %arg0 : i32
    %mul3A_1 = arith.constant 40 : i32
    %mul3A_2 = arith.muli %add3A, %mul3A_1 : i32
    "tpu.region"() ({
      %run_scoped3A = tpu.sem_alloc : memref<!tpu.dma_semaphore, #tpu.memory_space<semaphore_mem>>
      %dma_start3A = arith.constant 0 : i32
      %dma_start3A_31 = tpu.memref_slice %arg3[%mul3A_2, %dma_start3A] : memref<1280x128xi32, #tpu.memory_space<hbm>> -> memref<40x128xi32, #tpu.memory_space<hbm>>
      %dma_start3A_32 = arith.constant 0 : i32
      %dma_start3A_33 = tpu.memref_slice %arg3[%mul3A_2, %dma_start3A_32] : memref<1280x128xi32, #tpu.memory_space<hbm>> -> memref<40x128xi32, #tpu.memory_space<hbm>>
      tpu.enqueue_dma source(%dma_start3A_33 : memref<40x128xi32, #tpu.memory_space<hbm>>) target(%arg6 : memref<40x128xi32, #tpu.memory_space<vmem>>) target_semaphore(%run_scoped3A : memref<!tpu.dma_semaphore, #tpu.memory_space<semaphore_mem>>)
      %dma_wait3A = arith.constant 0 : i32
      %dma_wait3A_34 = tpu.memref_slice %arg3[%mul3A_2, %dma_wait3A] : memref<1280x128xi32, #tpu.memory_space<hbm>> -> memref<40x128xi32, #tpu.memory_space<hbm>>
      %dma_wait3A_35 = arith.constant 0 : i32
      %dma_wait3A_36 = tpu.memref_slice %arg3[%mul3A_2, %dma_wait3A_35] : memref<1280x128xi32, #tpu.memory_space<hbm>> -> memref<40x128xi32, #tpu.memory_space<hbm>>
      tpu.wait_dma2 semaphore(%run_scoped3A : memref<!tpu.dma_semaphore, #tpu.memory_space<semaphore_mem>>) src(%dma_wait3A_36 : memref<40x128xi32, #tpu.memory_space<hbm>>) dst(%arg6 : memref<40x128xi32, #tpu.memory_space<vmem>>)
      tpu.yield
    }) : () -> ()
    "tpu.region"() ({
      %run_scoped3A = tpu.sem_alloc : memref<!tpu.dma_semaphore, #tpu.memory_space<semaphore_mem>>
      tpu.enqueue_dma source(%arg4 : memref<128x128xf32, #tpu.memory_space<hbm>>) target(%arg7 : memref<128x128xf32, #tpu.memory_space<vmem>>) target_semaphore(%run_scoped3A : memref<!tpu.dma_semaphore, #tpu.memory_space<semaphore_mem>>)
      tpu.wait_dma2 semaphore(%run_scoped3A : memref<!tpu.dma_semaphore, #tpu.memory_space<semaphore_mem>>) src(%arg4 : memref<128x128xf32, #tpu.memory_space<hbm>>) dst(%arg7 : memref<128x128xf32, #tpu.memory_space<vmem>>)
      tpu.yield
    }) : () -> ()
    %lt3A = arith.constant 15 : i32
    %lt3A_3 = arith.cmpi slt, %arg1, %lt3A : i32
    %convert_element_type3A = arith.extui %lt3A_3 : i1 to i32
    %cond3A = arith.constant 0 : i32
    %cond3A_4 = arith.cmpi ne, %convert_element_type3A, %cond3A : i32
    scf.if %cond3A_4 {
      %mul3A_31 = arith.constant 624 : i32
      %mul3A_32 = arith.muli %arg1, %mul3A_31 : i32
      %mul3A_33 = arith.constant 624 : i32
      %mul3A_34 = arith.muli %arg1, %mul3A_33 : i32
      "tpu.region"() ({
        %run_scoped3A = tpu.sem_alloc : memref<!tpu.dma_semaphore, #tpu.memory_space<semaphore_mem>>
        %dma_start3A = arith.constant 0 : i32
        %dma_start3A_35 = tpu.memref_slice %arg9[%mul3A_34, %dma_start3A] : memref<10008x128xf32, #tpu.memory_space<vmem_shared>> -> memref<624x128xf32, #tpu.memory_space<vmem_shared>>
        %dma_start3A_36 = arith.constant 0 : i32
        %dma_start3A_37 = tpu.memref_slice %arg2[%mul3A_32, %dma_start3A_36] : memref<10000x128xf32, #tpu.memory_space<hbm>> -> memref<624x128xf32, #tpu.memory_space<hbm>>
        tpu.enqueue_dma source(%dma_start3A_37 : memref<624x128xf32, #tpu.memory_space<hbm>>) target(%dma_start3A_35 : memref<624x128xf32, #tpu.memory_space<vmem_shared>>) target_semaphore(%run_scoped3A : memref<!tpu.dma_semaphore, #tpu.memory_space<semaphore_mem>>)
        %dma_wait3A = arith.constant 0 : i32
        %dma_wait3A_38 = tpu.memref_slice %arg9[%mul3A_34, %dma_wait3A] : memref<10008x128xf32, #tpu.memory_space<vmem_shared>> -> memref<624x128xf32, #tpu.memory_space<vmem_shared>>
        %dma_wait3A_39 = arith.constant 0 : i32
        %dma_wait3A_40 = tpu.memref_slice %arg2[%mul3A_32, %dma_wait3A_39] : memref<10000x128xf32, #tpu.memory_space<hbm>> -> memref<624x128xf32, #tpu.memory_space<hbm>>
        tpu.wait_dma2 semaphore(%run_scoped3A : memref<!tpu.dma_semaphore, #tpu.memory_space<semaphore_mem>>) src(%dma_wait3A_40 : memref<624x128xf32, #tpu.memory_space<hbm>>) dst(%dma_wait3A_38 : memref<624x128xf32, #tpu.memory_space<vmem_shared>>)
        tpu.yield
      }) : () -> ()
    } else {
    }
    %eq3A = arith.constant 15 : i32
    %eq3A_5 = arith.cmpi eq, %arg1, %eq3A : i32
    %convert_element_type3A_6 = arith.extui %eq3A_5 : i1 to i32
    %cond3A_7 = arith.constant 0 : i32
    %cond3A_8 = arith.cmpi ne, %convert_element_type3A_6, %cond3A_7 : i32
    scf.if %cond3A_8 {
      "tpu.region"() ({
        %run_scoped3A = tpu.sem_alloc : memref<!tpu.dma_semaphore, #tpu.memory_space<semaphore_mem>>
        %dma_start3A = arith.constant 9360 : i32
        %dma_start3A_31 = arith.constant 0 : i32
        %dma_start3A_32 = tpu.memref_slice %arg9[%dma_start3A, %dma_start3A_31] : memref<10008x128xf32, #tpu.memory_space<vmem_shared>> -> memref<640x128xf32, #tpu.memory_space<vmem_shared>>
        %dma_start3A_33 = arith.constant 9360 : i32
        %dma_start3A_34 = arith.constant 0 : i32
        %dma_start3A_35 = tpu.memref_slice %arg2[%dma_start3A_33, %dma_start3A_34] : memref<10000x128xf32, #tpu.memory_space<hbm>> -> memref<640x128xf32, #tpu.memory_space<hbm>>
        tpu.enqueue_dma source(%dma_start3A_35 : memref<640x128xf32, #tpu.memory_space<hbm>>) target(%dma_start3A_32 : memref<640x128xf32, #tpu.memory_space<vmem_shared>>) target_semaphore(%run_scoped3A : memref<!tpu.dma_semaphore, #tpu.memory_space<semaphore_mem>>)
        %dma_wait3A = arith.constant 9360 : i32
        %dma_wait3A_36 = arith.constant 0 : i32
        %dma_wait3A_37 = tpu.memref_slice %arg9[%dma_wait3A, %dma_wait3A_36] : memref<10008x128xf32, #tpu.memory_space<vmem_shared>> -> memref<640x128xf32, #tpu.memory_space<vmem_shared>>
        %dma_wait3A_38 = arith.constant 9360 : i32
        %dma_wait3A_39 = arith.constant 0 : i32
        %dma_wait3A_40 = tpu.memref_slice %arg2[%dma_wait3A_38, %dma_wait3A_39] : memref<10000x128xf32, #tpu.memory_space<hbm>> -> memref<640x128xf32, #tpu.memory_space<hbm>>
        tpu.wait_dma2 semaphore(%run_scoped3A : memref<!tpu.dma_semaphore, #tpu.memory_space<semaphore_mem>>) src(%dma_wait3A_40 : memref<640x128xf32, #tpu.memory_space<hbm>>) dst(%dma_wait3A_37 : memref<640x128xf32, #tpu.memory_space<vmem_shared>>)
        tpu.yield
      }) : () -> ()
    } else {
    }
    %barrier3A = arith.constant 0 : index
    tpu.barrier barrier_id(%barrier3A)
    %scan3A = arith.constant 0 : i32
    %scan3A_9 = arith.constant 0 : i32
    %scan3A_10 = arith.constant 40 : i32
    %scan3A_11 = arith.addi %scan3A_9, %scan3A_10 : i32
    %scan3A_12 = arith.constant 1 : i32
    scf.for %scan3A_31 = %scan3A_9 to %scan3A_11 step %scan3A_12  : i32 {
      %dma_start3A = arith.constant 0 : i32
      %dma_start3A_32 = tpu.memref_slice %arg6[%scan3A_31, %dma_start3A] : memref<40x128xi32, #tpu.memory_space<vmem>> -> memref<1x128xi32, #tpu.memory_space<vmem>>
      %dma_start3A_33 = tpu.memref_squeeze %dma_start3A_32 : memref<1x128xi32, #tpu.memory_space<vmem>> -> memref<128xi32, #tpu.memory_space<vmem>>
      %dma_start3A_34 = arith.constant 0 : i32
      %dma_start3A_35 = arith.constant 0 : i32
      %dma_start3A_36 = tpu.memref_slice %arg9[%dma_start3A_34, %dma_start3A_35] : memref<10008x128xf32, #tpu.memory_space<vmem_shared>> -> memref<10008x128xf32, #tpu.memory_space<vmem_shared>>
      tpu.enqueue_indirect_dma source(%arg7 : memref<128x128xf32, #tpu.memory_space<vmem>>) target(%dma_start3A_36 : memref<10008x128xf32, #tpu.memory_space<vmem_shared>>) offsets(%dma_start3A_33 : memref<128xi32, #tpu.memory_space<vmem>>) semaphore(%arg8 : memref<!tpu.dma_semaphore, #tpu.memory_space<semaphore_mem>>) {add = true}
    }
    %scan3A_13 = arith.constant 40 : i32
    %scan3A_14 = arith.constant 0 : i32
    %scan3A_15 = arith.constant 0 : i32
    %scan3A_16 = arith.constant 40 : i32
    %scan3A_17 = arith.addi %scan3A_15, %scan3A_16 : i32
    %scan3A_18 = arith.constant 1 : i32
    scf.for %scan3A_31 = %scan3A_15 to %scan3A_17 step %scan3A_18  : i32 {
      tpu.wait_dma2 semaphore(%arg8 : memref<!tpu.dma_semaphore, #tpu.memory_space<semaphore_mem>>) src(%arg4 : memref<128x128xf32, #tpu.memory_space<hbm>>) dst(%arg7 : memref<128x128xf32, #tpu.memory_space<vmem>>)
    }
    %scan3A_19 = arith.constant 40 : i32
    %barrier3A_20 = arith.constant 0 : index
    tpu.barrier barrier_id(%barrier3A_20)
    %lt3A_21 = arith.constant 15 : i32
    %lt3A_22 = arith.cmpi slt, %arg1, %lt3A_21 : i32
    %convert_element_type3A_23 = arith.extui %lt3A_22 : i1 to i32
    %cond3A_24 = arith.constant 0 : i32
    %cond3A_25 = arith.cmpi ne, %convert_element_type3A_23, %cond3A_24 : i32
    scf.if %cond3A_25 {
      %mul3A_31 = arith.constant 624 : i32
      %mul3A_32 = arith.muli %arg1, %mul3A_31 : i32
      %mul3A_33 = arith.constant 10000 : i32
      %mul3A_34 = arith.muli %arg0, %mul3A_33 : i32
      %mul3A_35 = arith.constant 624 : i32
      %mul3A_36 = arith.muli %arg1, %mul3A_35 : i32
      %add3A_37 = arith.addi %mul3A_34, %mul3A_36 : i32
      "tpu.region"() ({
        %run_scoped3A = tpu.sem_alloc : memref<!tpu.dma_semaphore, #tpu.memory_space<semaphore_mem>>
        %dma_start3A = arith.constant 0 : i32
        %dma_start3A_38 = tpu.memref_slice %arg5[%add3A_37, %dma_start3A] : memref<20000x128xf32, #tpu.memory_space<hbm>> -> memref<624x128xf32, #tpu.memory_space<hbm>>
        %dma_start3A_39 = arith.constant 0 : i32
        %dma_start3A_40 = tpu.memref_slice %arg9[%mul3A_32, %dma_start3A_39] : memref<10008x128xf32, #tpu.memory_space<vmem_shared>> -> memref<624x128xf32, #tpu.memory_space<vmem_shared>>
        tpu.enqueue_dma source(%dma_start3A_40 : memref<624x128xf32, #tpu.memory_space<vmem_shared>>) target(%dma_start3A_38 : memref<624x128xf32, #tpu.memory_space<hbm>>) target_semaphore(%run_scoped3A : memref<!tpu.dma_semaphore, #tpu.memory_space<semaphore_mem>>)
        %dma_wait3A = arith.constant 0 : i32
        %dma_wait3A_41 = tpu.memref_slice %arg5[%add3A_37, %dma_wait3A] : memref<20000x128xf32, #tpu.memory_space<hbm>> -> memref<624x128xf32, #tpu.memory_space<hbm>>
        %dma_wait3A_42 = arith.constant 0 : i32
        %dma_wait3A_43 = tpu.memref_slice %arg9[%mul3A_32, %dma_wait3A_42] : memref<10008x128xf32, #tpu.memory_space<vmem_shared>> -> memref<624x128xf32, #tpu.memory_space<vmem_shared>>
        tpu.wait_dma2 semaphore(%run_scoped3A : memref<!tpu.dma_semaphore, #tpu.memory_space<semaphore_mem>>) src(%dma_wait3A_43 : memref<624x128xf32, #tpu.memory_space<vmem_shared>>) dst(%dma_wait3A_41 : memref<624x128xf32, #tpu.memory_space<hbm>>)
        tpu.yield
      }) : () -> ()
    } else {
    }
    %eq3A_26 = arith.constant 15 : i32
    %eq3A_27 = arith.cmpi eq, %arg1, %eq3A_26 : i32
    %convert_element_type3A_28 = arith.extui %eq3A_27 : i1 to i32
    %cond3A_29 = arith.constant 0 : i32
    %cond3A_30 = arith.cmpi ne, %convert_element_type3A_28, %cond3A_29 : i32
    scf.if %cond3A_30 {
      %mul3A_31 = arith.constant 10000 : i32
      %mul3A_32 = arith.muli %arg0, %mul3A_31 : i32
      %add3A_33 = arith.constant 9360 : i32
      %add3A_34 = arith.addi %mul3A_32, %add3A_33 : i32
      "tpu.region"() ({
        %run_scoped3A = tpu.sem_alloc : memref<!tpu.dma_semaphore, #tpu.memory_space<semaphore_mem>>
        %dma_start3A = arith.constant 0 : i32
        %dma_start3A_35 = tpu.memref_slice %arg5[%add3A_34, %dma_start3A] : memref<20000x128xf32, #tpu.memory_space<hbm>> -> memref<640x128xf32, #tpu.memory_space<hbm>>
        %dma_start3A_36 = arith.constant 9360 : i32
        %dma_start3A_37 = arith.constant 0 : i32
        %dma_start3A_38 = tpu.memref_slice %arg9[%dma_start3A_36, %dma_start3A_37] : memref<10008x128xf32, #tpu.memory_space<vmem_shared>> -> memref<640x128xf32, #tpu.memory_space<vmem_shared>>
        tpu.enqueue_dma source(%dma_start3A_38 : memref<640x128xf32, #tpu.memory_space<vmem_shared>>) target(%dma_start3A_35 : memref<640x128xf32, #tpu.memory_space<hbm>>) target_semaphore(%run_scoped3A : memref<!tpu.dma_semaphore, #tpu.memory_space<semaphore_mem>>)
        %dma_wait3A = arith.constant 0 : i32
        %dma_wait3A_39 = tpu.memref_slice %arg5[%add3A_34, %dma_wait3A] : memref<20000x128xf32, #tpu.memory_space<hbm>> -> memref<640x128xf32, #tpu.memory_space<hbm>>
        %dma_wait3A_40 = arith.constant 9360 : i32
        %dma_wait3A_41 = arith.constant 0 : i32
        %dma_wait3A_42 = tpu.memref_slice %arg9[%dma_wait3A_40, %dma_wait3A_41] : memref<10008x128xf32, #tpu.memory_space<vmem_shared>> -> memref<640x128xf32, #tpu.memory_space<vmem_shared>>
        tpu.wait_dma2 semaphore(%run_scoped3A : memref<!tpu.dma_semaphore, #tpu.memory_space<semaphore_mem>>) src(%dma_wait3A_42 : memref<640x128xf32, #tpu.memory_space<vmem_shared>>) dst(%dma_wait3A_39 : memref<640x128xf32, #tpu.memory_space<hbm>>)
        tpu.yield
      }) : () -> ()
    } else {
    }
    return
  }
}

#map = affine_map<(d0, d1) -> (0, 0)>
module attributes {stable_mosaic.version = 14 : i64} {
  func.func @k(%arg0: i32, %arg1: i32, %arg2: memref<20000x128xf32, #tpu.memory_space<hbm>>, %arg3: memref<2560x128xi32, #tpu.memory_space<hbm>>, %arg4: memref<1280x128xi32, #tpu.memory_space<hbm>>, %arg5: memref<20000x128xf32, #tpu.memory_space<hbm>>, %arg6: memref<16x128xi32, #tpu.memory_space<vmem>>, %arg7: memref<16x128xi32, #tpu.memory_space<vmem>>, %arg8: memref<128x128xf32, #tpu.memory_space<vmem>>, %arg9: memref<128x128xf32, #tpu.memory_space<vmem>>, %arg10: memref<!tpu.dma_semaphore, #tpu.memory_space<semaphore_mem>>, %arg11: memref<!tpu.dma_semaphore, #tpu.memory_space<semaphore_mem>>, %arg12: memref<10008x128xf32, #tpu.memory_space<vmem_shared>>) attributes {dimension_semantics = [#tpu.dimension_semantics<core_parallel>, #tpu.dimension_semantics<subcore_parallel>], iteration_bounds = array<i64: 2, 16>, scalar_prefetch = 0 : i64, scratch_operands = 7 : i64, tpu.core_type = #tpu.core_type<sc_vector_subcore>, window_params = [{transform_indices = #map}, {transform_indices = #map}, {transform_indices = #map}, {transform_indices = #map}]} {
    %lt3A = arith.constant 15 : i32
    %lt3A_0 = arith.cmpi slt, %arg1, %lt3A : i32
    %convert_element_type3A = arith.extui %lt3A_0 : i1 to i32
    %cond3A = arith.constant 0 : i32
    %cond3A_1 = arith.cmpi ne, %convert_element_type3A, %cond3A : i32
    scf.if %cond3A_1 {
      %mul3A_27 = arith.constant 10000 : i32
      %mul3A_28 = arith.muli %arg0, %mul3A_27 : i32
      %mul3A_29 = arith.constant 624 : i32
      %mul3A_30 = arith.muli %arg1, %mul3A_29 : i32
      %add3A_31 = arith.addi %mul3A_28, %mul3A_30 : i32
      %mul3A_32 = arith.constant 624 : i32
      %mul3A_33 = arith.muli %arg1, %mul3A_32 : i32
      "tpu.region"() ({
        %run_scoped3A = tpu.sem_alloc : memref<!tpu.dma_semaphore, #tpu.memory_space<semaphore_mem>>
        %dma_start3A = arith.constant 0 : i32
        %dma_start3A_34 = tpu.memref_slice %arg12[%mul3A_33, %dma_start3A] : memref<10008x128xf32, #tpu.memory_space<vmem_shared>> -> memref<624x128xf32, #tpu.memory_space<vmem_shared>>
        %dma_start3A_35 = arith.constant 0 : i32
        %dma_start3A_36 = tpu.memref_slice %arg2[%add3A_31, %dma_start3A_35] : memref<20000x128xf32, #tpu.memory_space<hbm>> -> memref<624x128xf32, #tpu.memory_space<hbm>>
        tpu.enqueue_dma source(%dma_start3A_36 : memref<624x128xf32, #tpu.memory_space<hbm>>) target(%dma_start3A_34 : memref<624x128xf32, #tpu.memory_space<vmem_shared>>) target_semaphore(%run_scoped3A : memref<!tpu.dma_semaphore, #tpu.memory_space<semaphore_mem>>)
        %dma_wait3A = arith.constant 0 : i32
        %dma_wait3A_37 = tpu.memref_slice %arg12[%mul3A_33, %dma_wait3A] : memref<10008x128xf32, #tpu.memory_space<vmem_shared>> -> memref<624x128xf32, #tpu.memory_space<vmem_shared>>
        %dma_wait3A_38 = arith.constant 0 : i32
        %dma_wait3A_39 = tpu.memref_slice %arg2[%add3A_31, %dma_wait3A_38] : memref<20000x128xf32, #tpu.memory_space<hbm>> -> memref<624x128xf32, #tpu.memory_space<hbm>>
        tpu.wait_dma2 semaphore(%run_scoped3A : memref<!tpu.dma_semaphore, #tpu.memory_space<semaphore_mem>>) src(%dma_wait3A_39 : memref<624x128xf32, #tpu.memory_space<hbm>>) dst(%dma_wait3A_37 : memref<624x128xf32, #tpu.memory_space<vmem_shared>>)
        tpu.yield
      }) : () -> ()
    } else {
    }
    %eq3A = arith.constant 15 : i32
    %eq3A_2 = arith.cmpi eq, %arg1, %eq3A : i32
    %convert_element_type3A_3 = arith.extui %eq3A_2 : i1 to i32
    %cond3A_4 = arith.constant 0 : i32
    %cond3A_5 = arith.cmpi ne, %convert_element_type3A_3, %cond3A_4 : i32
    scf.if %cond3A_5 {
      %mul3A_27 = arith.constant 10000 : i32
      %mul3A_28 = arith.muli %arg0, %mul3A_27 : i32
      %add3A_29 = arith.constant 9360 : i32
      %add3A_30 = arith.addi %mul3A_28, %add3A_29 : i32
      "tpu.region"() ({
        %run_scoped3A = tpu.sem_alloc : memref<!tpu.dma_semaphore, #tpu.memory_space<semaphore_mem>>
        %dma_start3A = arith.constant 9360 : i32
        %dma_start3A_31 = arith.constant 0 : i32
        %dma_start3A_32 = tpu.memref_slice %arg12[%dma_start3A, %dma_start3A_31] : memref<10008x128xf32, #tpu.memory_space<vmem_shared>> -> memref<640x128xf32, #tpu.memory_space<vmem_shared>>
        %dma_start3A_33 = arith.constant 0 : i32
        %dma_start3A_34 = tpu.memref_slice %arg2[%add3A_30, %dma_start3A_33] : memref<20000x128xf32, #tpu.memory_space<hbm>> -> memref<640x128xf32, #tpu.memory_space<hbm>>
        tpu.enqueue_dma source(%dma_start3A_34 : memref<640x128xf32, #tpu.memory_space<hbm>>) target(%dma_start3A_32 : memref<640x128xf32, #tpu.memory_space<vmem_shared>>) target_semaphore(%run_scoped3A : memref<!tpu.dma_semaphore, #tpu.memory_space<semaphore_mem>>)
        %dma_wait3A = arith.constant 9360 : i32
        %dma_wait3A_35 = arith.constant 0 : i32
        %dma_wait3A_36 = tpu.memref_slice %arg12[%dma_wait3A, %dma_wait3A_35] : memref<10008x128xf32, #tpu.memory_space<vmem_shared>> -> memref<640x128xf32, #tpu.memory_space<vmem_shared>>
        %dma_wait3A_37 = arith.constant 0 : i32
        %dma_wait3A_38 = tpu.memref_slice %arg2[%add3A_30, %dma_wait3A_37] : memref<20000x128xf32, #tpu.memory_space<hbm>> -> memref<640x128xf32, #tpu.memory_space<hbm>>
        tpu.wait_dma2 semaphore(%run_scoped3A : memref<!tpu.dma_semaphore, #tpu.memory_space<semaphore_mem>>) src(%dma_wait3A_38 : memref<640x128xf32, #tpu.memory_space<hbm>>) dst(%dma_wait3A_36 : memref<640x128xf32, #tpu.memory_space<vmem_shared>>)
        tpu.yield
      }) : () -> ()
    } else {
    }
    %barrier3A = arith.constant 0 : index
    tpu.barrier barrier_id(%barrier3A)
    %mul3A = arith.constant 16 : i32
    %mul3A_6 = arith.muli %arg0, %mul3A : i32
    %add3A = arith.addi %mul3A_6, %arg1 : i32
    %mul3A_7 = arith.constant 80 : i32
    %mul3A_8 = arith.muli %add3A, %mul3A_7 : i32
    %mul3A_9 = arith.constant 80 : i32
    %mul3A_10 = arith.muli %arg1, %mul3A_9 : i32
    %scan3A = arith.constant 0 : i32
    %scan3A_11 = arith.constant 0 : i32
    %scan3A_12 = arith.constant 5 : i32
    %scan3A_13 = arith.addi %scan3A_11, %scan3A_12 : i32
    %scan3A_14 = arith.constant 1 : i32
    scf.for %scan3A_27 = %scan3A_11 to %scan3A_13 step %scan3A_14  : i32 {
      %mul3A_28 = arith.constant 16 : i32
      %mul3A_29 = arith.muli %scan3A_27, %mul3A_28 : i32
      %add3A_30 = arith.addi %mul3A_8, %mul3A_29 : i32
      "tpu.region"() ({
        %run_scoped3A_65 = tpu.sem_alloc : memref<!tpu.dma_semaphore, #tpu.memory_space<semaphore_mem>>
        %dma_start3A_66 = arith.constant 0 : i32
        %dma_start3A_67 = tpu.memref_slice %arg3[%add3A_30, %dma_start3A_66] : memref<2560x128xi32, #tpu.memory_space<hbm>> -> memref<16x128xi32, #tpu.memory_space<hbm>>
        %dma_start3A_68 = arith.constant 0 : i32
        %dma_start3A_69 = tpu.memref_slice %arg3[%add3A_30, %dma_start3A_68] : memref<2560x128xi32, #tpu.memory_space<hbm>> -> memref<16x128xi32, #tpu.memory_space<hbm>>
        tpu.enqueue_dma source(%dma_start3A_69 : memref<16x128xi32, #tpu.memory_space<hbm>>) target(%arg6 : memref<16x128xi32, #tpu.memory_space<vmem>>) target_semaphore(%run_scoped3A_65 : memref<!tpu.dma_semaphore, #tpu.memory_space<semaphore_mem>>)
        %dma_wait3A_70 = arith.constant 0 : i32
        %dma_wait3A_71 = tpu.memref_slice %arg3[%add3A_30, %dma_wait3A_70] : memref<2560x128xi32, #tpu.memory_space<hbm>> -> memref<16x128xi32, #tpu.memory_space<hbm>>
        %dma_wait3A_72 = arith.constant 0 : i32
        %dma_wait3A_73 = tpu.memref_slice %arg3[%add3A_30, %dma_wait3A_72] : memref<2560x128xi32, #tpu.memory_space<hbm>> -> memref<16x128xi32, #tpu.memory_space<hbm>>
        tpu.wait_dma2 semaphore(%run_scoped3A_65 : memref<!tpu.dma_semaphore, #tpu.memory_space<semaphore_mem>>) src(%dma_wait3A_73 : memref<16x128xi32, #tpu.memory_space<hbm>>) dst(%arg6 : memref<16x128xi32, #tpu.memory_space<vmem>>)
        tpu.yield
      }) : () -> ()
      %mul3A_31 = arith.constant 16 : i32
      %mul3A_32 = arith.muli %scan3A_27, %mul3A_31 : i32
      %add3A_33 = arith.addi %mul3A_10, %mul3A_32 : i32
      "tpu.region"() ({
        %run_scoped3A_65 = tpu.sem_alloc : memref<!tpu.dma_semaphore, #tpu.memory_space<semaphore_mem>>
        %dma_start3A_66 = arith.constant 0 : i32
        %dma_start3A_67 = tpu.memref_slice %arg4[%add3A_33, %dma_start3A_66] : memref<1280x128xi32, #tpu.memory_space<hbm>> -> memref<16x128xi32, #tpu.memory_space<hbm>>
        %dma_start3A_68 = arith.constant 0 : i32
        %dma_start3A_69 = tpu.memref_slice %arg4[%add3A_33, %dma_start3A_68] : memref<1280x128xi32, #tpu.memory_space<hbm>> -> memref<16x128xi32, #tpu.memory_space<hbm>>
        tpu.enqueue_dma source(%dma_start3A_69 : memref<16x128xi32, #tpu.memory_space<hbm>>) target(%arg7 : memref<16x128xi32, #tpu.memory_space<vmem>>) target_semaphore(%run_scoped3A_65 : memref<!tpu.dma_semaphore, #tpu.memory_space<semaphore_mem>>)
        %dma_wait3A_70 = arith.constant 0 : i32
        %dma_wait3A_71 = tpu.memref_slice %arg4[%add3A_33, %dma_wait3A_70] : memref<1280x128xi32, #tpu.memory_space<hbm>> -> memref<16x128xi32, #tpu.memory_space<hbm>>
        %dma_wait3A_72 = arith.constant 0 : i32
        %dma_wait3A_73 = tpu.memref_slice %arg4[%add3A_33, %dma_wait3A_72] : memref<1280x128xi32, #tpu.memory_space<hbm>> -> memref<16x128xi32, #tpu.memory_space<hbm>>
        tpu.wait_dma2 semaphore(%run_scoped3A_65 : memref<!tpu.dma_semaphore, #tpu.memory_space<semaphore_mem>>) src(%dma_wait3A_73 : memref<16x128xi32, #tpu.memory_space<hbm>>) dst(%arg7 : memref<16x128xi32, #tpu.memory_space<vmem>>)
        tpu.yield
      }) : () -> ()
      %dma_start3A = arith.constant 0 : i32
      %dma_start3A_34 = arith.constant 0 : i32
      %dma_start3A_35 = tpu.memref_slice %arg6[%dma_start3A, %dma_start3A_34] : memref<16x128xi32, #tpu.memory_space<vmem>> -> memref<1x128xi32, #tpu.memory_space<vmem>>
      %dma_start3A_36 = tpu.memref_squeeze %dma_start3A_35 : memref<1x128xi32, #tpu.memory_space<vmem>> -> memref<128xi32, #tpu.memory_space<vmem>>
      %dma_start3A_37 = arith.constant 0 : i32
      %dma_start3A_38 = arith.constant 0 : i32
      %dma_start3A_39 = tpu.memref_slice %arg2[%dma_start3A_37, %dma_start3A_38] : memref<20000x128xf32, #tpu.memory_space<hbm>> -> memref<20000x128xf32, #tpu.memory_space<hbm>>
      tpu.enqueue_indirect_dma source(%dma_start3A_39 : memref<20000x128xf32, #tpu.memory_space<hbm>>) target(%arg8 : memref<128x128xf32, #tpu.memory_space<vmem>>) offsets(%dma_start3A_36 : memref<128xi32, #tpu.memory_space<vmem>>) semaphore(%arg10 : memref<!tpu.dma_semaphore, #tpu.memory_space<semaphore_mem>>)
      %scan3A_40 = arith.constant 0 : i32
      %scan3A_41 = arith.constant 0 : i32
      %scan3A_42 = arith.constant 7 : i32
      %scan3A_43 = arith.addi %scan3A_41, %scan3A_42 : i32
      %scan3A_44 = arith.constant 1 : i32
      scf.for %scan3A_65 = %scan3A_41 to %scan3A_43 step %scan3A_44  : i32 {
        %mul3A_66 = arith.constant 2 : i32
        %mul3A_67 = arith.muli %mul3A_66, %scan3A_65 : i32
        %add3A_68 = arith.constant 1 : i32
        %add3A_69 = arith.addi %mul3A_67, %add3A_68 : i32
        %dma_start3A_70 = arith.constant 0 : i32
        %dma_start3A_71 = tpu.memref_slice %arg6[%add3A_69, %dma_start3A_70] : memref<16x128xi32, #tpu.memory_space<vmem>> -> memref<1x128xi32, #tpu.memory_space<vmem>>
        %dma_start3A_72 = tpu.memref_squeeze %dma_start3A_71 : memref<1x128xi32, #tpu.memory_space<vmem>> -> memref<128xi32, #tpu.memory_space<vmem>>
        %dma_start3A_73 = arith.constant 0 : i32
        %dma_start3A_74 = arith.constant 0 : i32
        %dma_start3A_75 = tpu.memref_slice %arg2[%dma_start3A_73, %dma_start3A_74] : memref<20000x128xf32, #tpu.memory_space<hbm>> -> memref<20000x128xf32, #tpu.memory_space<hbm>>
        tpu.enqueue_indirect_dma source(%dma_start3A_75 : memref<20000x128xf32, #tpu.memory_space<hbm>>) target(%arg9 : memref<128x128xf32, #tpu.memory_space<vmem>>) offsets(%dma_start3A_72 : memref<128xi32, #tpu.memory_space<vmem>>) semaphore(%arg11 : memref<!tpu.dma_semaphore, #tpu.memory_space<semaphore_mem>>)
        %dma_wait3A_76 = arith.constant 0 : i32
        %dma_wait3A_77 = arith.constant 0 : i32
        %dma_wait3A_78 = tpu.memref_slice %arg2[%dma_wait3A_76, %dma_wait3A_77] : memref<20000x128xf32, #tpu.memory_space<hbm>> -> memref<128x128xf32, #tpu.memory_space<hbm>>
        %dma_wait3A_79 = arith.constant 0 : i32
        %dma_wait3A_80 = arith.constant 0 : i32
        %dma_wait3A_81 = tpu.memref_slice %arg2[%dma_wait3A_79, %dma_wait3A_80] : memref<20000x128xf32, #tpu.memory_space<hbm>> -> memref<128x128xf32, #tpu.memory_space<hbm>>
        tpu.wait_dma2 semaphore(%arg10 : memref<!tpu.dma_semaphore, #tpu.memory_space<semaphore_mem>>) src(%dma_wait3A_81 : memref<128x128xf32, #tpu.memory_space<hbm>>) dst(%arg8 : memref<128x128xf32, #tpu.memory_space<vmem>>)
        %mul3A_82 = arith.constant 2 : i32
        %mul3A_83 = arith.muli %mul3A_82, %scan3A_65 : i32
        "tpu.region"() ({
          %run_scoped3A_104 = tpu.sem_alloc : memref<!tpu.dma_semaphore, #tpu.memory_space<semaphore_mem>>
          %dma_start3A_105 = arith.constant 0 : i32
          %dma_start3A_106 = tpu.memref_slice %arg7[%mul3A_83, %dma_start3A_105] : memref<16x128xi32, #tpu.memory_space<vmem>> -> memref<1x128xi32, #tpu.memory_space<vmem>>
          %dma_start3A_107 = tpu.memref_squeeze %dma_start3A_106 : memref<1x128xi32, #tpu.memory_space<vmem>> -> memref<128xi32, #tpu.memory_space<vmem>>
          %dma_start3A_108 = arith.constant 0 : i32
          %dma_start3A_109 = arith.constant 0 : i32
          %dma_start3A_110 = tpu.memref_slice %arg12[%dma_start3A_108, %dma_start3A_109] : memref<10008x128xf32, #tpu.memory_space<vmem_shared>> -> memref<10008x128xf32, #tpu.memory_space<vmem_shared>>
          tpu.enqueue_indirect_dma source(%arg8 : memref<128x128xf32, #tpu.memory_space<vmem>>) target(%dma_start3A_110 : memref<10008x128xf32, #tpu.memory_space<vmem_shared>>) offsets(%dma_start3A_107 : memref<128xi32, #tpu.memory_space<vmem>>) semaphore(%run_scoped3A_104 : memref<!tpu.dma_semaphore, #tpu.memory_space<semaphore_mem>>) {add = true}
          %dma_wait3A_111 = arith.constant 0 : i32
          %dma_wait3A_112 = tpu.memref_slice %arg7[%mul3A_83, %dma_wait3A_111] : memref<16x128xi32, #tpu.memory_space<vmem>> -> memref<1x128xi32, #tpu.memory_space<vmem>>
          %dma_wait3A_113 = tpu.memref_squeeze %dma_wait3A_112 : memref<1x128xi32, #tpu.memory_space<vmem>> -> memref<128xi32, #tpu.memory_space<vmem>>
          %dma_wait3A_114 = arith.constant 0 : i32
          %dma_wait3A_115 = arith.constant 0 : i32
          %dma_wait3A_116 = tpu.memref_slice %arg12[%dma_wait3A_114, %dma_wait3A_115] : memref<10008x128xf32, #tpu.memory_space<vmem_shared>> -> memref<10008x128xf32, #tpu.memory_space<vmem_shared>>
          tpu.wait_indirect_dma semaphore(%run_scoped3A_104 : memref<!tpu.dma_semaphore, #tpu.memory_space<semaphore_mem>>) src(%arg8 : memref<128x128xf32, #tpu.memory_space<vmem>>) dst(%dma_wait3A_116 : memref<10008x128xf32, #tpu.memory_space<vmem_shared>>)
          tpu.yield
        }) : () -> ()
        %mul3A_84 = arith.constant 2 : i32
        %mul3A_85 = arith.muli %mul3A_84, %scan3A_65 : i32
        %add3A_86 = arith.constant 2 : i32
        %add3A_87 = arith.addi %mul3A_85, %add3A_86 : i32
        %dma_start3A_88 = arith.constant 0 : i32
        %dma_start3A_89 = tpu.memref_slice %arg6[%add3A_87, %dma_start3A_88] : memref<16x128xi32, #tpu.memory_space<vmem>> -> memref<1x128xi32, #tpu.memory_space<vmem>>
        %dma_start3A_90 = tpu.memref_squeeze %dma_start3A_89 : memref<1x128xi32, #tpu.memory_space<vmem>> -> memref<128xi32, #tpu.memory_space<vmem>>
        %dma_start3A_91 = arith.constant 0 : i32
        %dma_start3A_92 = arith.constant 0 : i32
        %dma_start3A_93 = tpu.memref_slice %arg2[%dma_start3A_91, %dma_start3A_92] : memref<20000x128xf32, #tpu.memory_space<hbm>> -> memref<20000x128xf32, #tpu.memory_space<hbm>>
        tpu.enqueue_indirect_dma source(%dma_start3A_93 : memref<20000x128xf32, #tpu.memory_space<hbm>>) target(%arg8 : memref<128x128xf32, #tpu.memory_space<vmem>>) offsets(%dma_start3A_90 : memref<128xi32, #tpu.memory_space<vmem>>) semaphore(%arg10 : memref<!tpu.dma_semaphore, #tpu.memory_space<semaphore_mem>>)
        %dma_wait3A_94 = arith.constant 0 : i32
        %dma_wait3A_95 = arith.constant 0 : i32
        %dma_wait3A_96 = tpu.memref_slice %arg2[%dma_wait3A_94, %dma_wait3A_95] : memref<20000x128xf32, #tpu.memory_space<hbm>> -> memref<128x128xf32, #tpu.memory_space<hbm>>
        %dma_wait3A_97 = arith.constant 0 : i32
        %dma_wait3A_98 = arith.constant 0 : i32
        %dma_wait3A_99 = tpu.memref_slice %arg2[%dma_wait3A_97, %dma_wait3A_98] : memref<20000x128xf32, #tpu.memory_space<hbm>> -> memref<128x128xf32, #tpu.memory_space<hbm>>
        tpu.wait_dma2 semaphore(%arg11 : memref<!tpu.dma_semaphore, #tpu.memory_space<semaphore_mem>>) src(%dma_wait3A_99 : memref<128x128xf32, #tpu.memory_space<hbm>>) dst(%arg9 : memref<128x128xf32, #tpu.memory_space<vmem>>)
        %mul3A_100 = arith.constant 2 : i32
        %mul3A_101 = arith.muli %mul3A_100, %scan3A_65 : i32
        %add3A_102 = arith.constant 1 : i32
        %add3A_103 = arith.addi %mul3A_101, %add3A_102 : i32
        "tpu.region"() ({
          %run_scoped3A_104 = tpu.sem_alloc : memref<!tpu.dma_semaphore, #tpu.memory_space<semaphore_mem>>
          %dma_start3A_105 = arith.constant 0 : i32
          %dma_start3A_106 = tpu.memref_slice %arg7[%add3A_103, %dma_start3A_105] : memref<16x128xi32, #tpu.memory_space<vmem>> -> memref<1x128xi32, #tpu.memory_space<vmem>>
          %dma_start3A_107 = tpu.memref_squeeze %dma_start3A_106 : memref<1x128xi32, #tpu.memory_space<vmem>> -> memref<128xi32, #tpu.memory_space<vmem>>
          %dma_start3A_108 = arith.constant 0 : i32
          %dma_start3A_109 = arith.constant 0 : i32
          %dma_start3A_110 = tpu.memref_slice %arg12[%dma_start3A_108, %dma_start3A_109] : memref<10008x128xf32, #tpu.memory_space<vmem_shared>> -> memref<10008x128xf32, #tpu.memory_space<vmem_shared>>
          tpu.enqueue_indirect_dma source(%arg9 : memref<128x128xf32, #tpu.memory_space<vmem>>) target(%dma_start3A_110 : memref<10008x128xf32, #tpu.memory_space<vmem_shared>>) offsets(%dma_start3A_107 : memref<128xi32, #tpu.memory_space<vmem>>) semaphore(%run_scoped3A_104 : memref<!tpu.dma_semaphore, #tpu.memory_space<semaphore_mem>>) {add = true}
          %dma_wait3A_111 = arith.constant 0 : i32
          %dma_wait3A_112 = tpu.memref_slice %arg7[%add3A_103, %dma_wait3A_111] : memref<16x128xi32, #tpu.memory_space<vmem>> -> memref<1x128xi32, #tpu.memory_space<vmem>>
          %dma_wait3A_113 = tpu.memref_squeeze %dma_wait3A_112 : memref<1x128xi32, #tpu.memory_space<vmem>> -> memref<128xi32, #tpu.memory_space<vmem>>
          %dma_wait3A_114 = arith.constant 0 : i32
          %dma_wait3A_115 = arith.constant 0 : i32
          %dma_wait3A_116 = tpu.memref_slice %arg12[%dma_wait3A_114, %dma_wait3A_115] : memref<10008x128xf32, #tpu.memory_space<vmem_shared>> -> memref<10008x128xf32, #tpu.memory_space<vmem_shared>>
          tpu.wait_indirect_dma semaphore(%run_scoped3A_104 : memref<!tpu.dma_semaphore, #tpu.memory_space<semaphore_mem>>) src(%arg9 : memref<128x128xf32, #tpu.memory_space<vmem>>) dst(%dma_wait3A_116 : memref<10008x128xf32, #tpu.memory_space<vmem_shared>>)
          tpu.yield
        }) : () -> ()
      }
      %scan3A_45 = arith.constant 7 : i32
      %dma_start3A_46 = arith.constant 15 : i32
      %dma_start3A_47 = arith.constant 0 : i32
      %dma_start3A_48 = tpu.memref_slice %arg6[%dma_start3A_46, %dma_start3A_47] : memref<16x128xi32, #tpu.memory_space<vmem>> -> memref<1x128xi32, #tpu.memory_space<vmem>>
      %dma_start3A_49 = tpu.memref_squeeze %dma_start3A_48 : memref<1x128xi32, #tpu.memory_space<vmem>> -> memref<128xi32, #tpu.memory_space<vmem>>
      %dma_start3A_50 = arith.constant 0 : i32
      %dma_start3A_51 = arith.constant 0 : i32
      %dma_start3A_52 = tpu.memref_slice %arg2[%dma_start3A_50, %dma_start3A_51] : memref<20000x128xf32, #tpu.memory_space<hbm>> -> memref<20000x128xf32, #tpu.memory_space<hbm>>
      tpu.enqueue_indirect_dma source(%dma_start3A_52 : memref<20000x128xf32, #tpu.memory_space<hbm>>) target(%arg9 : memref<128x128xf32, #tpu.memory_space<vmem>>) offsets(%dma_start3A_49 : memref<128xi32, #tpu.memory_space<vmem>>) semaphore(%arg11 : memref<!tpu.dma_semaphore, #tpu.memory_space<semaphore_mem>>)
      %dma_wait3A = arith.constant 0 : i32
      %dma_wait3A_53 = arith.constant 0 : i32
      %dma_wait3A_54 = tpu.memref_slice %arg2[%dma_wait3A, %dma_wait3A_53] : memref<20000x128xf32, #tpu.memory_space<hbm>> -> memref<128x128xf32, #tpu.memory_space<hbm>>
      %dma_wait3A_55 = arith.constant 0 : i32
      %dma_wait3A_56 = arith.constant 0 : i32
      %dma_wait3A_57 = tpu.memref_slice %arg2[%dma_wait3A_55, %dma_wait3A_56] : memref<20000x128xf32, #tpu.memory_space<hbm>> -> memref<128x128xf32, #tpu.memory_space<hbm>>
      tpu.wait_dma2 semaphore(%arg10 : memref<!tpu.dma_semaphore, #tpu.memory_space<semaphore_mem>>) src(%dma_wait3A_57 : memref<128x128xf32, #tpu.memory_space<hbm>>) dst(%arg8 : memref<128x128xf32, #tpu.memory_space<vmem>>)
      %run_scoped3A = arith.constant 14 : i32
      "tpu.region"() ({
        %run_scoped3A_65 = tpu.sem_alloc : memref<!tpu.dma_semaphore, #tpu.memory_space<semaphore_mem>>
        %dma_start3A_66 = arith.constant 0 : i32
        %dma_start3A_67 = tpu.memref_slice %arg7[%run_scoped3A, %dma_start3A_66] : memref<16x128xi32, #tpu.memory_space<vmem>> -> memref<1x128xi32, #tpu.memory_space<vmem>>
        %dma_start3A_68 = tpu.memref_squeeze %dma_start3A_67 : memref<1x128xi32, #tpu.memory_space<vmem>> -> memref<128xi32, #tpu.memory_space<vmem>>
        %dma_start3A_69 = arith.constant 0 : i32
        %dma_start3A_70 = arith.constant 0 : i32
        %dma_start3A_71 = tpu.memref_slice %arg12[%dma_start3A_69, %dma_start3A_70] : memref<10008x128xf32, #tpu.memory_space<vmem_shared>> -> memref<10008x128xf32, #tpu.memory_space<vmem_shared>>
        tpu.enqueue_indirect_dma source(%arg8 : memref<128x128xf32, #tpu.memory_space<vmem>>) target(%dma_start3A_71 : memref<10008x128xf32, #tpu.memory_space<vmem_shared>>) offsets(%dma_start3A_68 : memref<128xi32, #tpu.memory_space<vmem>>) semaphore(%run_scoped3A_65 : memref<!tpu.dma_semaphore, #tpu.memory_space<semaphore_mem>>) {add = true}
        %dma_wait3A_72 = arith.constant 0 : i32
        %dma_wait3A_73 = tpu.memref_slice %arg7[%run_scoped3A, %dma_wait3A_72] : memref<16x128xi32, #tpu.memory_space<vmem>> -> memref<1x128xi32, #tpu.memory_space<vmem>>
        %dma_wait3A_74 = tpu.memref_squeeze %dma_wait3A_73 : memref<1x128xi32, #tpu.memory_space<vmem>> -> memref<128xi32, #tpu.memory_space<vmem>>
        %dma_wait3A_75 = arith.constant 0 : i32
        %dma_wait3A_76 = arith.constant 0 : i32
        %dma_wait3A_77 = tpu.memref_slice %arg12[%dma_wait3A_75, %dma_wait3A_76] : memref<10008x128xf32, #tpu.memory_space<vmem_shared>> -> memref<10008x128xf32, #tpu.memory_space<vmem_shared>>
        tpu.wait_indirect_dma semaphore(%run_scoped3A_65 : memref<!tpu.dma_semaphore, #tpu.memory_space<semaphore_mem>>) src(%arg8 : memref<128x128xf32, #tpu.memory_space<vmem>>) dst(%dma_wait3A_77 : memref<10008x128xf32, #tpu.memory_space<vmem_shared>>)
        tpu.yield
      }) : () -> ()
      %dma_wait3A_58 = arith.constant 0 : i32
      %dma_wait3A_59 = arith.constant 0 : i32
      %dma_wait3A_60 = tpu.memref_slice %arg2[%dma_wait3A_58, %dma_wait3A_59] : memref<20000x128xf32, #tpu.memory_space<hbm>> -> memref<128x128xf32, #tpu.memory_space<hbm>>
      %dma_wait3A_61 = arith.constant 0 : i32
      %dma_wait3A_62 = arith.constant 0 : i32
      %dma_wait3A_63 = tpu.memref_slice %arg2[%dma_wait3A_61, %dma_wait3A_62] : memref<20000x128xf32, #tpu.memory_space<hbm>> -> memref<128x128xf32, #tpu.memory_space<hbm>>
      tpu.wait_dma2 semaphore(%arg11 : memref<!tpu.dma_semaphore, #tpu.memory_space<semaphore_mem>>) src(%dma_wait3A_63 : memref<128x128xf32, #tpu.memory_space<hbm>>) dst(%arg9 : memref<128x128xf32, #tpu.memory_space<vmem>>)
      %run_scoped3A_64 = arith.constant 15 : i32
      "tpu.region"() ({
        %run_scoped3A_65 = tpu.sem_alloc : memref<!tpu.dma_semaphore, #tpu.memory_space<semaphore_mem>>
        %dma_start3A_66 = arith.constant 0 : i32
        %dma_start3A_67 = tpu.memref_slice %arg7[%run_scoped3A_64, %dma_start3A_66] : memref<16x128xi32, #tpu.memory_space<vmem>> -> memref<1x128xi32, #tpu.memory_space<vmem>>
        %dma_start3A_68 = tpu.memref_squeeze %dma_start3A_67 : memref<1x128xi32, #tpu.memory_space<vmem>> -> memref<128xi32, #tpu.memory_space<vmem>>
        %dma_start3A_69 = arith.constant 0 : i32
        %dma_start3A_70 = arith.constant 0 : i32
        %dma_start3A_71 = tpu.memref_slice %arg12[%dma_start3A_69, %dma_start3A_70] : memref<10008x128xf32, #tpu.memory_space<vmem_shared>> -> memref<10008x128xf32, #tpu.memory_space<vmem_shared>>
        tpu.enqueue_indirect_dma source(%arg9 : memref<128x128xf32, #tpu.memory_space<vmem>>) target(%dma_start3A_71 : memref<10008x128xf32, #tpu.memory_space<vmem_shared>>) offsets(%dma_start3A_68 : memref<128xi32, #tpu.memory_space<vmem>>) semaphore(%run_scoped3A_65 : memref<!tpu.dma_semaphore, #tpu.memory_space<semaphore_mem>>) {add = true}
        %dma_wait3A_72 = arith.constant 0 : i32
        %dma_wait3A_73 = tpu.memref_slice %arg7[%run_scoped3A_64, %dma_wait3A_72] : memref<16x128xi32, #tpu.memory_space<vmem>> -> memref<1x128xi32, #tpu.memory_space<vmem>>
        %dma_wait3A_74 = tpu.memref_squeeze %dma_wait3A_73 : memref<1x128xi32, #tpu.memory_space<vmem>> -> memref<128xi32, #tpu.memory_space<vmem>>
        %dma_wait3A_75 = arith.constant 0 : i32
        %dma_wait3A_76 = arith.constant 0 : i32
        %dma_wait3A_77 = tpu.memref_slice %arg12[%dma_wait3A_75, %dma_wait3A_76] : memref<10008x128xf32, #tpu.memory_space<vmem_shared>> -> memref<10008x128xf32, #tpu.memory_space<vmem_shared>>
        tpu.wait_indirect_dma semaphore(%run_scoped3A_65 : memref<!tpu.dma_semaphore, #tpu.memory_space<semaphore_mem>>) src(%arg9 : memref<128x128xf32, #tpu.memory_space<vmem>>) dst(%dma_wait3A_77 : memref<10008x128xf32, #tpu.memory_space<vmem_shared>>)
        tpu.yield
      }) : () -> ()
    }
    %scan3A_15 = arith.constant 5 : i32
    %barrier3A_16 = arith.constant 0 : index
    tpu.barrier barrier_id(%barrier3A_16)
    %lt3A_17 = arith.constant 15 : i32
    %lt3A_18 = arith.cmpi slt, %arg1, %lt3A_17 : i32
    %convert_element_type3A_19 = arith.extui %lt3A_18 : i1 to i32
    %cond3A_20 = arith.constant 0 : i32
    %cond3A_21 = arith.cmpi ne, %convert_element_type3A_19, %cond3A_20 : i32
    scf.if %cond3A_21 {
      %mul3A_27 = arith.constant 624 : i32
      %mul3A_28 = arith.muli %arg1, %mul3A_27 : i32
      %mul3A_29 = arith.constant 10000 : i32
      %mul3A_30 = arith.muli %arg0, %mul3A_29 : i32
      %mul3A_31 = arith.constant 624 : i32
      %mul3A_32 = arith.muli %arg1, %mul3A_31 : i32
      %add3A_33 = arith.addi %mul3A_30, %mul3A_32 : i32
      "tpu.region"() ({
        %run_scoped3A = tpu.sem_alloc : memref<!tpu.dma_semaphore, #tpu.memory_space<semaphore_mem>>
        %dma_start3A = arith.constant 0 : i32
        %dma_start3A_34 = tpu.memref_slice %arg5[%add3A_33, %dma_start3A] : memref<20000x128xf32, #tpu.memory_space<hbm>> -> memref<624x128xf32, #tpu.memory_space<hbm>>
        %dma_start3A_35 = arith.constant 0 : i32
        %dma_start3A_36 = tpu.memref_slice %arg12[%mul3A_28, %dma_start3A_35] : memref<10008x128xf32, #tpu.memory_space<vmem_shared>> -> memref<624x128xf32, #tpu.memory_space<vmem_shared>>
        tpu.enqueue_dma source(%dma_start3A_36 : memref<624x128xf32, #tpu.memory_space<vmem_shared>>) target(%dma_start3A_34 : memref<624x128xf32, #tpu.memory_space<hbm>>) target_semaphore(%run_scoped3A : memref<!tpu.dma_semaphore, #tpu.memory_space<semaphore_mem>>)
        %dma_wait3A = arith.constant 0 : i32
        %dma_wait3A_37 = tpu.memref_slice %arg5[%add3A_33, %dma_wait3A] : memref<20000x128xf32, #tpu.memory_space<hbm>> -> memref<624x128xf32, #tpu.memory_space<hbm>>
        %dma_wait3A_38 = arith.constant 0 : i32
        %dma_wait3A_39 = tpu.memref_slice %arg12[%mul3A_28, %dma_wait3A_38] : memref<10008x128xf32, #tpu.memory_space<vmem_shared>> -> memref<624x128xf32, #tpu.memory_space<vmem_shared>>
        tpu.wait_dma2 semaphore(%run_scoped3A : memref<!tpu.dma_semaphore, #tpu.memory_space<semaphore_mem>>) src(%dma_wait3A_39 : memref<624x128xf32, #tpu.memory_space<vmem_shared>>) dst(%dma_wait3A_37 : memref<624x128xf32, #tpu.memory_space<hbm>>)
        tpu.yield
      }) : () -> ()
    } else {
    }
    %eq3A_22 = arith.constant 15 : i32
    %eq3A_23 = arith.cmpi eq, %arg1, %eq3A_22 : i32
    %convert_element_type3A_24 = arith.extui %eq3A_23 : i1 to i32
    %cond3A_25 = arith.constant 0 : i32
    %cond3A_26 = arith.cmpi ne, %convert_element_type3A_24, %cond3A_25 : i32
    scf.if %cond3A_26 {
      %mul3A_27 = arith.constant 10000 : i32
      %mul3A_28 = arith.muli %arg0, %mul3A_27 : i32
      %add3A_29 = arith.constant 9360 : i32
      %add3A_30 = arith.addi %mul3A_28, %add3A_29 : i32
      "tpu.region"() ({
        %run_scoped3A = tpu.sem_alloc : memref<!tpu.dma_semaphore, #tpu.memory_space<semaphore_mem>>
        %dma_start3A = arith.constant 0 : i32
        %dma_start3A_31 = tpu.memref_slice %arg5[%add3A_30, %dma_start3A] : memref<20000x128xf32, #tpu.memory_space<hbm>> -> memref<640x128xf32, #tpu.memory_space<hbm>>
        %dma_start3A_32 = arith.constant 9360 : i32
        %dma_start3A_33 = arith.constant 0 : i32
        %dma_start3A_34 = tpu.memref_slice %arg12[%dma_start3A_32, %dma_start3A_33] : memref<10008x128xf32, #tpu.memory_space<vmem_shared>> -> memref<640x128xf32, #tpu.memory_space<vmem_shared>>
        tpu.enqueue_dma source(%dma_start3A_34 : memref<640x128xf32, #tpu.memory_space<vmem_shared>>) target(%dma_start3A_31 : memref<640x128xf32, #tpu.memory_space<hbm>>) target_semaphore(%run_scoped3A : memref<!tpu.dma_semaphore, #tpu.memory_space<semaphore_mem>>)
        %dma_wait3A = arith.constant 0 : i32
        %dma_wait3A_35 = tpu.memref_slice %arg5[%add3A_30, %dma_wait3A] : memref<20000x128xf32, #tpu.memory_space<hbm>> -> memref<640x128xf32, #tpu.memory_space<hbm>>
        %dma_wait3A_36 = arith.constant 9360 : i32
        %dma_wait3A_37 = arith.constant 0 : i32
        %dma_wait3A_38 = tpu.memref_slice %arg12[%dma_wait3A_36, %dma_wait3A_37] : memref<10008x128xf32, #tpu.memory_space<vmem_shared>> -> memref<640x128xf32, #tpu.memory_space<vmem_shared>>
        tpu.wait_dma2 semaphore(%run_scoped3A : memref<!tpu.dma_semaphore, #tpu.memory_space<semaphore_mem>>) src(%dma_wait3A_38 : memref<640x128xf32, #tpu.memory_space<vmem_shared>>) dst(%dma_wait3A_35 : memref<640x128xf32, #tpu.memory_space<hbm>>)
        tpu.yield
      }) : () -> ()
    } else {
    }
    return
  }
}

module attributes {stable_mosaic.version = 14 : i64} {
  func.func @_mm1_body(%arg0: i32, %arg1: i32, %arg2: memref<1000x256xf32, #tpu.memory_space<vmem>>, %arg3: memref<1x256x128xf32, #tpu.memory_space<vmem>>, %arg4: memref<1x1000x128xf32, #tpu.memory_space<vmem>>) attributes {dimension_semantics = [#tpu.dimension_semantics<arbitrary>, #tpu.dimension_semantics<arbitrary>], iteration_bounds = array<i64: 2, 10>, scalar_prefetch = 0 : i64, scratch_operands = 0 : i64, tpu.core_type = #tpu.core_type<tc>, window_params = [{transform_indices = @transform_0, window_bounds = array<i64: 1000, 256>}, {transform_indices = @transform_1, window_bounds = array<i64: 1, 256, 128>}, {transform_indices = @transform_2, window_bounds = array<i64: 1, 1000, 128>}]} {
    %get3A = arith.constant 0 : index
    %get3A_0 = arith.constant 0 : index
    %get3A_1 = vector.load %arg2[%get3A, %get3A_0] : memref<1000x256xf32, #tpu.memory_space<vmem>>, vector<1000x256xf32>
    %get3A_2 = arith.constant 0 : index
    %get3A_3 = arith.constant 0 : index
    %get3A_4 = arith.constant 0 : index
    %get3A_5 = vector.load %arg3[%get3A_2, %get3A_3, %get3A_4] : memref<1x256x128xf32, #tpu.memory_space<vmem>>, vector<1x256x128xf32>
    %get3A_6 = vector.shape_cast %get3A_5 : vector<1x256x128xf32> to vector<256x128xf32>
    %dot_general3A = arith.constant dense<0.000000e+00> : vector<1000x128xf32>
    %dot_general3A_7 = tpu.matmul %get3A_1, %get3A_6, %dot_general3A {dimension_numbers = #tpu.dot_dimension_numbers<[1], [0], [0], [1], [0, 0, 1, 1], [], []>, transpose_lhs_hint = false} : vector<1000x256xf32>, vector<256x128xf32>, vector<1000x128xf32> -> vector<1000x128xf32>
    %swap3A = arith.constant 0 : index
    %swap3A_8 = arith.constant 0 : index
    %swap3A_9 = arith.constant 0 : index
    %swap3A_10 = vector.load %arg4[%swap3A, %swap3A_8, %swap3A_9] : memref<1x1000x128xf32, #tpu.memory_space<vmem>>, vector<1x1000x128xf32>
    %swap3A_11 = vector.shape_cast %swap3A_10 : vector<1x1000x128xf32> to vector<1000x128xf32>
    %swap3A_12 = vector.shape_cast %dot_general3A_7 : vector<1000x128xf32> to vector<1x1000x128xf32>
    tpu.vector_store %arg4[%swap3A, %swap3A_8, %swap3A_9], %swap3A_12 {strides = array<i32>} : memref<1x1000x128xf32, #tpu.memory_space<vmem>>, vector<1x1000x128xf32>,
    return
  }
  func.func @transform_0(%arg0: i32, %arg1: i32) -> (i32, i32) {
    %c0_i32 = arith.constant 0 : i32
    %c0_i32_0 = arith.constant 0 : i32
    return %arg1, %c0_i32 : i32, i32
  }
  func.func @transform_1(%arg0: i32, %arg1: i32) -> (i32, i32, i32) {
    %c0_i32 = arith.constant 0 : i32
    %c0_i32_0 = arith.constant 0 : i32
    %c0_i32_1 = arith.constant 0 : i32
    return %arg0, %c0_i32, %c0_i32_0 : i32, i32, i32
  }
  func.func @transform_2(%arg0: i32, %arg1: i32) -> (i32, i32, i32) {
    %c0_i32 = arith.constant 0 : i32
    %c0_i32_0 = arith.constant 0 : i32
    return %arg0, %arg1, %c0_i32 : i32, i32, i32
  }
}

module attributes {stable_mosaic.version = 14 : i64} {
  func.func @_dinv_scale_body(%arg0: i32, %arg1: memref<2x1000x128xf32, #tpu.memory_space<vmem>>, %arg2: memref<2x1000x128xf32, #tpu.memory_space<vmem>>, %arg3: memref<1000x128xf32, #tpu.memory_space<vmem>>, %arg4: memref<2x1000x128xf32, #tpu.memory_space<vmem>>) attributes {dimension_semantics = [#tpu.dimension_semantics<arbitrary>], iteration_bounds = array<i64: 10>, scalar_prefetch = 0 : i64, scratch_operands = 0 : i64, tpu.core_type = #tpu.core_type<tc>, window_params = [{transform_indices = @transform_0, window_bounds = array<i64: 2, 1000, 128>}, {transform_indices = @transform_1, window_bounds = array<i64: 2, 1000, 128>}, {transform_indices = @transform_2, window_bounds = array<i64: 1000, 128>}, {transform_indices = @transform_3, window_bounds = array<i64: 2, 1000, 128>}]} {
    %get3A = arith.constant 0 : index
    %get3A_0 = arith.constant 0 : index
    %get3A_1 = arith.constant 0 : index
    %get3A_2 = vector.load %arg1[%get3A, %get3A_0, %get3A_1] : memref<2x1000x128xf32, #tpu.memory_space<vmem>>, vector<1x1000x128xf32>
    %get3A_3 = vector.shape_cast %get3A_2 : vector<1x1000x128xf32> to vector<1000x128xf32>
    %get3A_4 = arith.constant 1 : index
    %get3A_5 = arith.constant 0 : index
    %get3A_6 = arith.constant 0 : index
    %get3A_7 = vector.load %arg1[%get3A_4, %get3A_5, %get3A_6] : memref<2x1000x128xf32, #tpu.memory_space<vmem>>, vector<1x1000x128xf32>
    %get3A_8 = vector.shape_cast %get3A_7 : vector<1x1000x128xf32> to vector<1000x128xf32>
    %add3A = arith.addf %get3A_3, %get3A_8 : vector<1000x128xf32>
    %sub3A = arith.constant 1.000000e+00 : f32
    %sub3A_9 = vector.broadcast %sub3A : f32 to vector<1000x128xf32>
    %sub3A_10 = arith.subf %add3A, %sub3A_9 : vector<1000x128xf32>
    %rsqrt3A = math.rsqrt %sub3A_10 : vector<1000x128xf32>
    %swap3A = arith.constant 0 : index
    %swap3A_11 = arith.constant 0 : index
    %swap3A_12 = vector.load %arg3[%swap3A, %swap3A_11] : memref<1000x128xf32, #tpu.memory_space<vmem>>, vector<1000x128xf32>
    tpu.vector_store %arg3[%swap3A, %swap3A_11], %rsqrt3A {strides = array<i32>} : memref<1000x128xf32, #tpu.memory_space<vmem>>, vector<1000x128xf32>,
    %get3A_13 = arith.constant 0 : index
    %get3A_14 = arith.constant 0 : index
    %get3A_15 = arith.constant 0 : index
    %get3A_16 = vector.load %arg2[%get3A_13, %get3A_14, %get3A_15] : memref<2x1000x128xf32, #tpu.memory_space<vmem>>, vector<1x1000x128xf32>
    %get3A_17 = vector.shape_cast %get3A_16 : vector<1x1000x128xf32> to vector<1000x128xf32>
    %mul3A = arith.mulf %get3A_17, %rsqrt3A : vector<1000x128xf32>
    %swap3A_18 = arith.constant 0 : index
    %swap3A_19 = arith.constant 0 : index
    %swap3A_20 = arith.constant 0 : index
    %swap3A_21 = vector.load %arg4[%swap3A_18, %swap3A_19, %swap3A_20] : memref<2x1000x128xf32, #tpu.memory_space<vmem>>, vector<1x1000x128xf32>
    %swap3A_22 = vector.shape_cast %swap3A_21 : vector<1x1000x128xf32> to vector<1000x128xf32>
    %swap3A_23 = vector.shape_cast %mul3A : vector<1000x128xf32> to vector<1x1000x128xf32>
    tpu.vector_store %arg4[%swap3A_18, %swap3A_19, %swap3A_20], %swap3A_23 {strides = array<i32>} : memref<2x1000x128xf32, #tpu.memory_space<vmem>>, vector<1x1000x128xf32>,
    %get3A_24 = arith.constant 1 : index
    %get3A_25 = arith.constant 0 : index
    %get3A_26 = arith.constant 0 : index
    %get3A_27 = vector.load %arg2[%get3A_24, %get3A_25, %get3A_26] : memref<2x1000x128xf32, #tpu.memory_space<vmem>>, vector<1x1000x128xf32>
    %get3A_28 = vector.shape_cast %get3A_27 : vector<1x1000x128xf32> to vector<1000x128xf32>
    %mul3A_29 = arith.mulf %get3A_28, %rsqrt3A : vector<1000x128xf32>
    %swap3A_30 = arith.constant 1 : index
    %swap3A_31 = arith.constant 0 : index
    %swap3A_32 = arith.constant 0 : index
    %swap3A_33 = vector.load %arg4[%swap3A_30, %swap3A_31, %swap3A_32] : memref<2x1000x128xf32, #tpu.memory_space<vmem>>, vector<1x1000x128xf32>
    %swap3A_34 = vector.shape_cast %swap3A_33 : vector<1x1000x128xf32> to vector<1000x128xf32>
    %swap3A_35 = vector.shape_cast %mul3A_29 : vector<1000x128xf32> to vector<1x1000x128xf32>
    tpu.vector_store %arg4[%swap3A_30, %swap3A_31, %swap3A_32], %swap3A_35 {strides = array<i32>} : memref<2x1000x128xf32, #tpu.memory_space<vmem>>, vector<1x1000x128xf32>,
    return
  }
  func.func @transform_0(%arg0: i32) -> (i32, i32, i32) {
    %c0_i32 = arith.constant 0 : i32
    %c0_i32_0 = arith.constant 0 : i32
    %c0_i32_1 = arith.constant 0 : i32
    return %c0_i32, %arg0, %c0_i32_0 : i32, i32, i32
  }
  func.func @transform_1(%arg0: i32) -> (i32, i32, i32) {
    %c0_i32 = arith.constant 0 : i32
    %c0_i32_0 = arith.constant 0 : i32
    %c0_i32_1 = arith.constant 0 : i32
    return %c0_i32, %arg0, %c0_i32_0 : i32, i32, i32
  }
  func.func @transform_2(%arg0: i32) -> (i32, i32) {
    %c0_i32 = arith.constant 0 : i32
    %c0_i32_0 = arith.constant 0 : i32
    return %arg0, %c0_i32 : i32, i32
  }
  func.func @transform_3(%arg0: i32) -> (i32, i32, i32) {
    %c0_i32 = arith.constant 0 : i32
    %c0_i32_0 = arith.constant 0 : i32
    %c0_i32_1 = arith.constant 0 : i32
    return %c0_i32, %arg0, %c0_i32_0 : i32, i32, i32
  }
}

module attributes {stable_mosaic.version = 14 : i64} {
  func.func @_mm2_body(%arg0: i32, %arg1: i32, %arg2: memref<2x1000x128xf32, #tpu.memory_space<vmem>>, %arg3: memref<1000x128xf32, #tpu.memory_space<vmem>>, %arg4: memref<2x128xf32, #tpu.memory_space<vmem>>, %arg5: memref<1x256x128xf32, #tpu.memory_space<vmem>>, %arg6: memref<1x1000x128xf32, #tpu.memory_space<vmem>>) attributes {dimension_semantics = [#tpu.dimension_semantics<arbitrary>, #tpu.dimension_semantics<arbitrary>], iteration_bounds = array<i64: 2, 10>, scalar_prefetch = 0 : i64, scratch_operands = 0 : i64, tpu.core_type = #tpu.core_type<tc>, window_params = [{transform_indices = @transform_0, window_bounds = array<i64: 2, 1000, 128>}, {transform_indices = @transform_1, window_bounds = array<i64: 1000, 128>}, {pipeline_mode = #tpu.pipeline_mode<synchronous>, transform_indices = @transform_2, window_bounds = array<i64: 2, 128>}, {transform_indices = @transform_3, window_bounds = array<i64: 1, 256, 128>}, {transform_indices = @transform_4, window_bounds = array<i64: 1, 1000, 128>}]} {
    %get3A = arith.constant 0 : index
    %get3A_0 = arith.constant 0 : index
    %get3A_1 = vector.load %arg3[%get3A, %get3A_0] : memref<1000x128xf32, #tpu.memory_space<vmem>>, vector<1000x128xf32>
    %get3A_2 = arith.constant 0 : index
    %get3A_3 = arith.constant 0 : index
    %get3A_4 = arith.constant 0 : index
    %get3A_5 = vector.load %arg2[%get3A_2, %get3A_3, %get3A_4] : memref<2x1000x128xf32, #tpu.memory_space<vmem>>, vector<1x1000x128xf32>
    %get3A_6 = vector.shape_cast %get3A_5 : vector<1x1000x128xf32> to vector<1000x128xf32>
    %mul3A = arith.mulf %get3A_6, %get3A_1 : vector<1000x128xf32>
    %get3A_7 = arith.constant 0 : index
    %get3A_8 = arith.constant 0 : index
    %get3A_9 = vector.load %arg4[%get3A_7, %get3A_8] : memref<2x128xf32, #tpu.memory_space<vmem>>, vector<1x128xf32>
    %add3A = vector.broadcast %get3A_9 : vector<1x128xf32> to vector<1000x128xf32>
    %add3A_10 = arith.addf %mul3A, %add3A : vector<1000x128xf32>
    %max3A = arith.constant 0.000000e+00 : f32
    %max3A_11 = vector.broadcast %max3A : f32 to vector<1000x128xf32>
    %max3A_12 = arith.maximumf %add3A_10, %max3A_11 : vector<1000x128xf32>
    %get3A_13 = arith.constant 1 : index
    %get3A_14 = arith.constant 0 : index
    %get3A_15 = arith.constant 0 : index
    %get3A_16 = vector.load %arg2[%get3A_13, %get3A_14, %get3A_15] : memref<2x1000x128xf32, #tpu.memory_space<vmem>>, vector<1x1000x128xf32>
    %get3A_17 = vector.shape_cast %get3A_16 : vector<1x1000x128xf32> to vector<1000x128xf32>
    %mul3A_18 = arith.mulf %get3A_17, %get3A_1 : vector<1000x128xf32>
    %get3A_19 = arith.constant 1 : index
    %get3A_20 = arith.constant 0 : index
    %get3A_21 = vector.load %arg4[%get3A_19, %get3A_20] : memref<2x128xf32, #tpu.memory_space<vmem>>, vector<1x128xf32>
    %add3A_22 = vector.broadcast %get3A_21 : vector<1x128xf32> to vector<1000x128xf32>
    %add3A_23 = arith.addf %mul3A_18, %add3A_22 : vector<1000x128xf32>
    %max3A_24 = arith.constant 0.000000e+00 : f32
    %max3A_25 = vector.broadcast %max3A_24 : f32 to vector<1000x128xf32>
    %max3A_26 = arith.maximumf %add3A_23, %max3A_25 : vector<1000x128xf32>
    %concatenate3A = tpu.concatenate %max3A_12, %max3A_26 in 1 : vector<1000x128xf32>, vector<1000x128xf32> -> vector<1000x256xf32>
    %get3A_27 = arith.constant 0 : index
    %get3A_28 = arith.constant 0 : index
    %get3A_29 = arith.constant 0 : index
    %get3A_30 = vector.load %arg5[%get3A_27, %get3A_28, %get3A_29] : memref<1x256x128xf32, #tpu.memory_space<vmem>>, vector<1x256x128xf32>
    %get3A_31 = vector.shape_cast %get3A_30 : vector<1x256x128xf32> to vector<256x128xf32>
    %dot_general3A = arith.constant dense<0.000000e+00> : vector<1000x128xf32>
    %dot_general3A_32 = tpu.matmul %concatenate3A, %get3A_31, %dot_general3A {dimension_numbers = #tpu.dot_dimension_numbers<[1], [0], [0], [1], [0, 0, 1, 1], [], []>, transpose_lhs_hint = false} : vector<1000x256xf32>, vector<256x128xf32>, vector<1000x128xf32> -> vector<1000x128xf32>
    %mul3A_33 = arith.mulf %dot_general3A_32, %get3A_1 : vector<1000x128xf32>
    %swap3A = arith.constant 0 : index
    %swap3A_34 = arith.constant 0 : index
    %swap3A_35 = arith.constant 0 : index
    %swap3A_36 = vector.load %arg6[%swap3A, %swap3A_34, %swap3A_35] : memref<1x1000x128xf32, #tpu.memory_space<vmem>>, vector<1x1000x128xf32>
    %swap3A_37 = vector.shape_cast %swap3A_36 : vector<1x1000x128xf32> to vector<1000x128xf32>
    %swap3A_38 = vector.shape_cast %mul3A_33 : vector<1000x128xf32> to vector<1x1000x128xf32>
    tpu.vector_store %arg6[%swap3A, %swap3A_34, %swap3A_35], %swap3A_38 {strides = array<i32>} : memref<1x1000x128xf32, #tpu.memory_space<vmem>>, vector<1x1000x128xf32>,
    return
  }
  func.func @transform_0(%arg0: i32, %arg1: i32) -> (i32, i32, i32) {
    %c0_i32 = arith.constant 0 : i32
    %c0_i32_0 = arith.constant 0 : i32
    %c0_i32_1 = arith.constant 0 : i32
    return %c0_i32, %arg1, %c0_i32_0 : i32, i32, i32
  }
  func.func @transform_1(%arg0: i32, %arg1: i32) -> (i32, i32) {
    %c0_i32 = arith.constant 0 : i32
    %c0_i32_0 = arith.constant 0 : i32
    return %arg1, %c0_i32 : i32, i32
  }
  func.func @transform_2(%arg0: i32, %arg1: i32) -> (i32, i32) {
    %c0_i32 = arith.constant 0 : i32
    %c0_i32_0 = arith.constant 0 : i32
    %c0_i32_1 = arith.constant 0 : i32
    return %c0_i32, %c0_i32_0 : i32, i32
  }
  func.func @transform_3(%arg0: i32, %arg1: i32) -> (i32, i32, i32) {
    %c0_i32 = arith.constant 0 : i32
    %c0_i32_0 = arith.constant 0 : i32
    %c0_i32_1 = arith.constant 0 : i32
    return %arg0, %c0_i32, %c0_i32_0 : i32, i32, i32
  }
  func.func @transform_4(%arg0: i32, %arg1: i32) -> (i32, i32, i32) {
    %c0_i32 = arith.constant 0 : i32
    %c0_i32_0 = arith.constant 0 : i32
    return %arg0, %arg1, %c0_i32 : i32, i32, i32
  }
}

module attributes {stable_mosaic.version = 14 : i64} {
  func.func @_epi2_body(%arg0: i32, %arg1: memref<2x1000x128xf32, #tpu.memory_space<vmem>>, %arg2: memref<1000x128xf32, #tpu.memory_space<vmem>>, %arg3: memref<2x128xf32, #tpu.memory_space<vmem>>, %arg4: memref<1000x256xf32, #tpu.memory_space<vmem>>) attributes {dimension_semantics = [#tpu.dimension_semantics<arbitrary>], iteration_bounds = array<i64: 10>, scalar_prefetch = 0 : i64, scratch_operands = 0 : i64, tpu.core_type = #tpu.core_type<tc>, window_params = [{transform_indices = @transform_0, window_bounds = array<i64: 2, 1000, 128>}, {transform_indices = @transform_1, window_bounds = array<i64: 1000, 128>}, {pipeline_mode = #tpu.pipeline_mode<synchronous>, transform_indices = @transform_2, window_bounds = array<i64: 2, 128>}, {transform_indices = @transform_3, window_bounds = array<i64: 1000, 256>}]} {
    %get3A = arith.constant 0 : index
    %get3A_0 = arith.constant 0 : index
    %get3A_1 = vector.load %arg2[%get3A, %get3A_0] : memref<1000x128xf32, #tpu.memory_space<vmem>>, vector<1000x128xf32>
    %get3A_2 = arith.constant 0 : index
    %get3A_3 = arith.constant 0 : index
    %get3A_4 = arith.constant 0 : index
    %get3A_5 = vector.load %arg1[%get3A_2, %get3A_3, %get3A_4] : memref<2x1000x128xf32, #tpu.memory_space<vmem>>, vector<1x1000x128xf32>
    %get3A_6 = vector.shape_cast %get3A_5 : vector<1x1000x128xf32> to vector<1000x128xf32>
    %mul3A = arith.mulf %get3A_6, %get3A_1 : vector<1000x128xf32>
    %get3A_7 = arith.constant 0 : index
    %get3A_8 = arith.constant 0 : index
    %get3A_9 = vector.load %arg3[%get3A_7, %get3A_8] : memref<2x128xf32, #tpu.memory_space<vmem>>, vector<1x128xf32>
    %add3A = vector.broadcast %get3A_9 : vector<1x128xf32> to vector<1000x128xf32>
    %add3A_10 = arith.addf %mul3A, %add3A : vector<1000x128xf32>
    %get3A_11 = arith.constant 1 : index
    %get3A_12 = arith.constant 0 : index
    %get3A_13 = arith.constant 0 : index
    %get3A_14 = vector.load %arg1[%get3A_11, %get3A_12, %get3A_13] : memref<2x1000x128xf32, #tpu.memory_space<vmem>>, vector<1x1000x128xf32>
    %get3A_15 = vector.shape_cast %get3A_14 : vector<1x1000x128xf32> to vector<1000x128xf32>
    %mul3A_16 = arith.mulf %get3A_15, %get3A_1 : vector<1000x128xf32>
    %get3A_17 = arith.constant 1 : index
    %get3A_18 = arith.constant 0 : index
    %get3A_19 = vector.load %arg3[%get3A_17, %get3A_18] : memref<2x128xf32, #tpu.memory_space<vmem>>, vector<1x128xf32>
    %add3A_20 = vector.broadcast %get3A_19 : vector<1x128xf32> to vector<1000x128xf32>
    %add3A_21 = arith.addf %mul3A_16, %add3A_20 : vector<1000x128xf32>
    %reduce_max3A = arith.constant dense<0xFF800000> : vector<1000xf32>
    %reduce_max3A_22 = vector.multi_reduction <maximumf>, %add3A_10, %reduce_max3A [1] : vector<1000x128xf32> to vector<1000xf32>
    %broadcast_in_dim3A = vector.shape_cast %reduce_max3A_22 : vector<1000xf32> to vector<1000x1xf32>
    %reduce_max3A_23 = arith.constant dense<0xFF800000> : vector<1000xf32>
    %reduce_max3A_24 = vector.multi_reduction <maximumf>, %add3A_21, %reduce_max3A_23 [1] : vector<1000x128xf32> to vector<1000xf32>
    %broadcast_in_dim3A_25 = vector.shape_cast %reduce_max3A_24 : vector<1000xf32> to vector<1000x1xf32>
    %max3A = arith.maximumf %broadcast_in_dim3A, %broadcast_in_dim3A_25 : vector<1000x1xf32>
    %sub3A = vector.broadcast %max3A : vector<1000x1xf32> to vector<1000x128xf32>
    %sub3A_26 = arith.subf %add3A_10, %sub3A : vector<1000x128xf32>
    %exp3A = math.exp %sub3A_26 : vector<1000x128xf32>
    %reduce_sum3A = arith.constant dense<0.000000e+00> : vector<1000xf32>
    %reduce_sum3A_27 = vector.multi_reduction <add>, %exp3A, %reduce_sum3A [1] : vector<1000x128xf32> to vector<1000xf32>
    %broadcast_in_dim3A_28 = vector.shape_cast %reduce_sum3A_27 : vector<1000xf32> to vector<1000x1xf32>
    %sub3A_29 = vector.broadcast %max3A : vector<1000x1xf32> to vector<1000x128xf32>
    %sub3A_30 = arith.subf %add3A_21, %sub3A_29 : vector<1000x128xf32>
    %exp3A_31 = math.exp %sub3A_30 : vector<1000x128xf32>
    %reduce_sum3A_32 = arith.constant dense<0.000000e+00> : vector<1000xf32>
    %reduce_sum3A_33 = vector.multi_reduction <add>, %exp3A_31, %reduce_sum3A_32 [1] : vector<1000x128xf32> to vector<1000xf32>
    %broadcast_in_dim3A_34 = vector.shape_cast %reduce_sum3A_33 : vector<1000xf32> to vector<1000x1xf32>
    %add3A_35 = arith.addf %broadcast_in_dim3A_28, %broadcast_in_dim3A_34 : vector<1000x1xf32>
    %log3A = math.log %add3A_35 : vector<1000x1xf32>
    %add3A_36 = arith.addf %max3A, %log3A : vector<1000x1xf32>
    %sub3A_37 = vector.broadcast %add3A_36 : vector<1000x1xf32> to vector<1000x128xf32>
    %sub3A_38 = arith.subf %add3A_10, %sub3A_37 : vector<1000x128xf32>
    %swap3A = arith.constant 0 : index
    %swap3A_39 = arith.constant 0 : index
    %swap3A_40 = vector.load %arg4[%swap3A, %swap3A_39] : memref<1000x256xf32, #tpu.memory_space<vmem>>, vector<1000x128xf32>
    tpu.vector_store %arg4[%swap3A, %swap3A_39], %sub3A_38 {strides = array<i32>} : memref<1000x256xf32, #tpu.memory_space<vmem>>, vector<1000x128xf32>,
    %sub3A_41 = vector.broadcast %add3A_36 : vector<1000x1xf32> to vector<1000x128xf32>
    %sub3A_42 = arith.subf %add3A_21, %sub3A_41 : vector<1000x128xf32>
    %swap3A_43 = arith.constant 0 : index
    %swap3A_44 = arith.constant 128 : index
    %swap3A_45 = vector.load %arg4[%swap3A_43, %swap3A_44] : memref<1000x256xf32, #tpu.memory_space<vmem>>, vector<1000x128xf32>
    tpu.vector_store %arg4[%swap3A_43, %swap3A_44], %sub3A_42 {strides = array<i32>} : memref<1000x256xf32, #tpu.memory_space<vmem>>, vector<1000x128xf32>,
    return
  }
  func.func @transform_0(%arg0: i32) -> (i32, i32, i32) {
    %c0_i32 = arith.constant 0 : i32
    %c0_i32_0 = arith.constant 0 : i32
    %c0_i32_1 = arith.constant 0 : i32
    return %c0_i32, %arg0, %c0_i32_0 : i32, i32, i32
  }
  func.func @transform_1(%arg0: i32) -> (i32, i32) {
    %c0_i32 = arith.constant 0 : i32
    %c0_i32_0 = arith.constant 0 : i32
    return %arg0, %c0_i32 : i32, i32
  }
  func.func @transform_2(%arg0: i32) -> (i32, i32) {
    %c0_i32 = arith.constant 0 : i32
    %c0_i32_0 = arith.constant 0 : i32
    %c0_i32_1 = arith.constant 0 : i32
    return %c0_i32, %c0_i32_0 : i32, i32
  }
  func.func @transform_3(%arg0: i32) -> (i32, i32) {
    %c0_i32 = arith.constant 0 : i32
    %c0_i32_0 = arith.constant 0 : i32
    return %arg0, %c0_i32 : i32, i32
  }
}

</mosaic_0001>

<sc_bundles>
// kernel: kernel.12.cloned.1.call-start
scs
__scs_entry_jumppad:
0x0: {  	(pc) =	sbr.rel $0x88, $3  }
0x1: {  	(tag) =	ssettag $0x0;
	lr =	simm.s32 $0x1  }
0x2: {  	[smem:$0x3F9B] =	sst lr;
	_ =	strace $0xD0000000  }
0x3: {  	_ = 	snop  }
0x4: {  	_ = 	snop  }
0x5: {  	_ = 	snop  }
0x6: {  	_ = 	snop  }
0x7: {  	_ = 	snop  }
__scs_overlays_trampoline_lowered:
0x8: {  	[smem:$0x3FAA] =	sst s0  }
0x9: {  	[smem:$0x3FAB] =	sst s1  }
0xa: {  	[smem:$0x3FAC] =	sst s2  }
0xb: {  	[smem:$0x3FAD] =	sst s3  }
0xc: {  	[smem:$0x3FAE] =	sst s4  }
0xd: {  	[smem:$0x3FAF] =	sst s5  }
0xe: {  	[smem:$0x3FB0] =	sst s6  }
0xf: {  	[smem:$0x3FB1] =	sst s7  }
0x10: {  	[smem:$0x3FB2] =	sst s8  }
0x11: {  	[smem:$0x3FB3] =	sst s9;
	s0 =	simm.s32 @!p0 $0x0  }
0x12: {  	s1 =	sld [smem:$0x3F99];
	s0 =	simm.s32 @p0 $0x1  }
0x13: {  	[smem:$0x3FB4] =	sst s0;
	s0 =	simm.s32 @!p1 $0x0  }
0x14: {  	s2 =	sld [smem:$0x3F98];
	s0 =	simm.s32 @p1 $0x1  }
0x15: {  	[smem:$0x3FB5] =	sst s0;
	s0 =	simm.s32 @!p2 $0x0  }
0x16: {  	s3 =	sld [smem:$0x3FDB];
	s0 =	simm.s32 @p2 $0x1  }
0x17: {  	s4 =	simm.s32 $0x1BF5;
	[smem:$0x3FB7] =	sst s0  }
0x18: {  	s0 =	sld [smem:$0x3F9A];
	_ =	swait.ge [sflag:s4], $0x0  }
0x19: {  	s7 =	sld [smem:$0x3F9B]  }
0x1a: {  	s8 =	sadd.s32 $0xFFFFE003, lr  }
0x1b: {  	s9 =	sadd.s32 $0xFFFFFEF7, lr;
	s5 =	simm.s32 $0xFFFFFFFF;
	p2 =	slt.u32 s8, $0xFFFFF086  }
0x1c: {  	p1 =	slt.u32 s9, $0xF7A;
	s5 =	simm.s32 @!p2 $0x0  }
0x1d: {  	s5 =	simm.s32 @p1 $0x1;
	p0 =	seq.s32 s7, s2  }
0x1e: {  	s7 =	smul.u32 @!p0 $0xF7A, s2;
	p2 =	seq.s32 @!p0 s5, $0x0  }
0x1f: {  	s9 =	smul.u32 $0xF7A, s1;
	s8 =	simm.s32 @!p0 $0x1BF5;
	p2 =	por !p2, p0  }
0x20: {  	[sflag:s8] =	ssyncset.s32 @!p0 $0xFFFFF086;
	s6 =	sadd.s32 @!p0 s3, s7;
	s7 =	simm.s32 @!p0 $0x108  }
0x21: {  	s3 =	sadd.s32 s3, s9;
	s6 =	sadd.s32 @!p0 $0x88, s6;
	s7 =	simm.s32 @p2 $0x1082  }
0x22: {  	[simem:s7], [sflag:s8] =	dma.local @!p0 [hbm:s6], $0xF7A  }
0x23: {  	s9 =	sor.u32 $0xD0000000, s2;
	s6 =	simm.s32 $0x108;
	_ =	swait.ge @!p0 [sflag:s8], $0x0  }
0x24: {  	s3 =	sadd.s32 $0x88, s3;
	s6 =	simm.s32 @!p1 $0x1082;
	[sflag:s4] =	ssyncset.s32 $0xFFFFF086  }
0x25: {  	[simem:s6], [sflag:s4] =	dma.local [hbm:s3], $0xF7A  }
0x26: {  	[smem:$0x3F9B] =	sst s1;
	(tag) =	ssettag s2;
	_ =	strace s9  }
0x27: {  	s1 =	sld [smem:$0x3FAB]  }
0x28: {  	s2 =	sld [smem:$0x3FAC]  }
0x29: {  	s4 =	sld [smem:$0x3FAE]  }
0x2a: {  	p0 =	seq.s32 s5, $0x0;
	s5 =	sld [smem:$0x3FAF]  }
0x2b: {  	s6 =	sld [smem:$0x3FB0]  }
0x2c: {  	s7 =	sld [smem:$0x3FB1]  }
0x2d: {  	s3 =	simm.s32 $0x108;
	s8 =	sld [smem:$0x3FB2]  }
0x2e: {  	s3 =	simm.s32 @!p0 $0x1082;
	s9 =	sld [smem:$0x3FB3]  }
0x2f: {  	lr =	sadd.s32 s0, s3;
	s0 =	sld [smem:$0x3FAA]  }
0x30: {  	s3 =	sld [smem:$0x3FAD]  }
0x31: {  	[smem:$0x3FB6] =	sst s10  }
0x32: {  	s10 =	sld [smem:$0x3FB4];
	_ =	sdelay $0x3  }
0x33: {  	p0 =	seq.s32 s10, $0x1;
	s10 =	sld [smem:$0x3FB6];
	_ =	sdelay $0x3  }
0x34: {  	[smem:$0x3FB6] =	sst s10  }
0x35: {  	s10 =	sld [smem:$0x3FB5];
	_ =	sdelay $0x3  }
0x36: {  	p1 =	seq.s32 s10, $0x1;
	s10 =	sld [smem:$0x3FB6];
	_ =	sdelay $0x3  }
0x37: {  	[smem:$0x3FB6] =	sst s10  }
0x38: {  	s10 =	sld [smem:$0x3FB7]  }
0x39: {  	_ = 	snop;
	(pc) =	sbr.ind lr, $3  }
0x3a: {  	_ = 	snop  }
0x3b: {  	_ = 	snop  }
0x3c: {  	p2 =	seq.s32 s10, $0x1;
	s10 =	sld [smem:$0x3FB6]  }
0x3d: {  	_ =	shalt  }
0x3e: {  	_ =	shalt  }
0x3f: {  	_ =	shalt  }
0x40: {  	_ =	shalt  }
0x41: {  	_ =	shalt  }
0x42: {  	_ =	shalt  }
0x43: {  	_ =	shalt  }
0x44: {  	_ =	shalt  }
0x45: {  	_ =	shalt  }
0x46: {  	_ =	shalt  }
0x47: {  	_ =	shalt  }
0x48: {  	_ =	shalt  }
0x49: {  	_ =	shalt  }
0x4a: {  	_ =	shalt  }
0x4b: {  	_ =	shalt  }
0x4c: {  	_ =	shalt  }
0x4d: {  	_ =	shalt  }
0x4e: {  	_ =	shalt  }
0x4f: {  	_ =	shalt  }
0x50: {  	_ =	shalt  }
0x51: {  	_ =	shalt  }
0x52: {  	_ =	shalt  }
0x53: {  	_ =	shalt  }
0x54: {  	_ =	shalt  }
0x55: {  	_ =	shalt  }
0x56: {  	_ =	shalt  }
0x57: {  	_ =	shalt  }
0x58: {  	_ =	shalt  }
0x59: {  	_ =	shalt  }
0x5a: {  	_ =	shalt  }
0x5b: {  	_ =	shalt  }
0x5c: {  	_ =	shalt  }
0x5d: {  	_ =	shalt  }
0x5e: {  	_ =	shalt  }
0x5f: {  	_ =	shalt  }
0x60: {  	_ =	shalt  }
0x61: {  	_ =	shalt  }
0x62: {  	_ =	shalt  }
0x63: {  	_ =	shalt  }
0x64: {  	_ =	shalt  }
0x65: {  	_ =	shalt  }
0x66: {  	_ =	shalt  }
0x67: {  	_ =	shalt  }
0x68: {  	_ =	shalt  }
0x69: {  	_ =	shalt  }
0x6a: {  	_ =	shalt  }
0x6b: {  	_ =	shalt  }
0x6c: {  	_ =	shalt  }
0x6d: {  	_ =	shalt  }
0x6e: {  	_ =	shalt  }
0x6f: {  	_ =	shalt  }
0x70: {  	_ =	shalt  }
0x71: {  	_ =	shalt  }
0x72: {  	_ =	shalt  }
0x73: {  	_ =	shalt  }
0x74: {  	_ =	shalt  }
0x75: {  	_ =	shalt  }
0x76: {  	_ =	shalt  }
0x77: {  	_ =	shalt  }
0x78: {  	_ =	shalt  }
0x79: {  	_ =	shalt  }
0x7a: {  	_ =	shalt  }
0x7b: {  	_ =	shalt  }
0x7c: {  	_ =	shalt  }
0x7d: {  	_ =	shalt  }
0x7e: {  	_ =	shalt  }
0x7f: {  	_ =	shalt  }
0x80: {  	_ =	shalt  }
0x81: {  	_ =	shalt  }
0x82: {  	_ =	shalt  }
0x83: {  	_ =	shalt  }
0x84: {  	_ =	shalt  }
0x85: {  	_ =	shalt  }
0x86: {  	_ =	shalt  }
0x87: {  	_ =	shalt  }
.Lfunc_end0:
.L_simem_size_0:
called_computation.1_lowered:
.L_overlay_start_0:
0x88: {  	s2 =	sld [smem:$0x3FD9]  }
0x89: {  	s3 =	sld [smem:$0x3FFE];
	_ =	sdelay $0x1  }
0x8a: {  	s1 =	srdreg.scid  }
0x8b: {  	s0 =	sand.u32 $0x1, s1  }
0x8c: {  	s17 =	sshll.u32 s0, $0xA;
	s2 =	sadd.s32 s3, s2  }
0x8d: {  	s2 =	sadd.s32 s2, s17  }
0x8e: {  	[smem:$0x3FC2] =	sst s2  }
0x8f: {  	_ = 	snop  }
0x90: {  	s2 =	sld [smem:$0x3FD0];
	(tm) =	ssettm $0x1  }
0x91: {  	s18 =	sld [smem:$0x3FFB];
	_ =	sdelay $0x3  }
0x92: {  	_ =	strace s18  }
0x93: {  	s3 =	sld [smem:$0x3FFC];
	_ =	sdelay $0x3  }
0x94: {  	_ =	strace s3  }
0x95: {  	s3 =	sld [smem:$0x3FFD];
	_ =	sdelay $0x3  }
0x96: {  	_ =	strace s3  }
0x97: {  	_ =	strace $0x8FFFFFFF  }
0x98: {  	s19 =	sld [smem:$0x3FDB];
	_ =	sdelay $0x1  }
0x99: {  	s4 =	simm.s32 $_scs_section_size  }
0x9a: {  	s5 =	simm.s32 $_size__tile_overlayer_lowered;
	s6 =	simm.s32 $_tile_overlayer_lowered  }
0x9b: {  	s22 =	simm.s32 $0x1BFF;
	s21 =	sshll.u32 s6, $0x1;
	s3 =	sadd.s32 s4, s19  }
0x9c: {  	s7 =	simm.s32 $0x0;
	s20 =	sshll.u32 s5, $0x1;
	s5 =	sadd.s32 s21, s3  }
0x9d: {  	[timem:s7], [sflag:s22] =	dma.local [hbm:s5], s20  }
0x9e: {  	_ =	swait.ge [sflag:s22], s20  }
0x9f: {  	s4 =	ssub.s32 $0x0, s20;
	[sflag:s22] =	ssyncset.done $0x0  }
0xa0: {  	[sflag:s22] =	ssyncadd.s32 s4;
	_ =	sdelay $0x1  }
0xa1: {  	s23 =	simm.s32 $0x1B8B  }
0xa2: {  	_ =	swait.ge [sflag:s23], $0x1  }
0xa3: {  	[sflag:s23] =	ssyncset.done $0x0  }
0xa4: {  	s25 =	simm.s32 $0x1B8E;
	s24 =	sld [smem:$0x3FFE];
	[sflag:s23] =	ssyncadd.s32 $0xFFFFFFFF  }
0xa5: {  	s26 =	simm.s32 $execute0_lowered;
	[smem:$0x3FD2] =	sst s25  }
0xa6: {  	s5 =	sshll.u32 s26, $0x1;
	_ =	strace $0x80000049;
	[dreg:$0x1] =	wrdreg $0xFFFFFFFF  }
0xa7: {  	s28 =	simm.s32 $_size_execute0_lowered;
	s3 =	sadd.s32 s3, s5;
	[dreg:$0x0] =	wrdreg $0x0  }
0xa8: {  	s5 =	sshll.u32 s28, $0x1;
	[dreg:$0x2] =	wrdreg s3  }
0xa9: {  	[dreg:$0x3] =	wrdreg s5  }
0xaa: {  	[dreg:$0x4] =	wrdreg $0xC0  }
0xab: {  	_ =	task [dreg:s7], $0x5FFFF  }
0xac: {  	[dreg:$0x1] =	wrdreg $0xFFFFFFFF  }
0xad: {  	[dreg:$0x0] =	wrdreg $0x60  }
0xae: {  	[dreg:$0x2] =	wrdreg s2  }
0xaf: {  	[dreg:$0x3] =	wrdreg s24  }
0xb0: {  	[dreg:$0x4] =	wrdreg $0x90000  }
0xb1: {  	[dreg:$0x5] =	wrdreg $0x9  }
0xb2: {  	_ =	task.clear_ibuf [dreg:s7], $0x6FFFF;
	_ =	strace $0x90000049  }
0xb3: {  	s29 =	simm.s32 $0x9;
	_ =	strace $0x8000004B  }
0xb4: {  	_ =	swait.ge [sflag:s29], $0x1  }
0xb5: {  	[sflag:s29] =	ssyncadd.s32 $0xFFFFFFFF  }
0xb6: {  	_ =	strace $0x9000004B  }
0xb7: {  	_ =	sfence  }
0xb8: {  	s30 =	sld [smem:$0x0];
	_ =	sdelay $0x2  }
0xb9: {  	s31 =	sshll.u32 s1, $0xD;
	s1 =	sshrl.u32 s1, $0x2  }
0xba: {  	s3 =	sand.u32 $0x4000, s31;
	s1 =	sadd.s32 s1, s30  }
0xbb: {  	s0 =	sor.u32 s3, s0;
	s1 =	sshll.u32 s1, $0x11  }
0xbc: {  	s0 =	sor.u32 s1, s0  }
0xbd: {  	s0 =	sadd.s32 $0x8F2B, s0  }
0xbe: {  	[sflag:s0] =	ssyncadd.remote.s32 $0x1  }
0xbf: {  	_ =	sfence.sel $0xFFFF  }
0xc0: {  	[dreg:$0x0] =	wrdreg $0xFFFFFFFF;
	(pc) =	sbr.abs _section_cstart, $3  }
0xc1: {  	[dreg:$0x1] =	wrdreg $0xFFFFFFFF  }
0xc2: {  	_ =	task.clear_ibuf [dreg:s7], $0x2FFFF;
	_ =	strace $0x9FFFFFFF  }
0xc3: {  	(tm) =	ssettm $0x7FFFFFFF  }
tec
execute0_lowered:
.L_overlay_start_1:
0x0: {  	(tag) =	ssettag $0x1  }
0x1: {  	s2 =	rddreg [dreg:$0x0]  }
0x2: {  	s0 =	rddreg [dreg:$0x1]  }
0x3: {  	s3 =	rddreg [dreg:$0x2]  }
0x4: {  	s12 =	stileid.u32;
	s4 =	simm.s32 $0x0;
	s5 =	srdreg.scid  }
0x5: {  	s20 =	simm.s32 $0x100;
	s22 =	simm.s32 $0x880;
	s23 =	simm.s32 $0x180  }
0x6: {  	s24 =	simm.s32 $0x900;
	s25 =	simm.s32 $0x200;
	s26 =	simm.s32 $0x980  }
0x7: {  	s13 =	simm.s32 $0x3;
	s14 =	simm.s32 $0x800;
	s15 =	simm.s32 $0x80  }
0x8: {  	s16 =	simm.s32 $0x1000;
	s28 =	simm.s32 $0xD00;
	s29 =	simm.s32 $0x600  }
0x9: {  	s30 =	simm.s32 $0xD80;
	s1 =	smul.u32 $0x500, s12;
	[smem:$0x7FF] =	sst s4  }
0xa: {  	s6 =	smul.u32 $0x4E000, s12;
	_ =	strace $0x8000004A;
	[dreg:$0x6] =	wrdreg s20  }
0xb: {  	s5 =	sand.u32 $0x1, s5;
	s9 =	smul.u32 $0x2700, s12;
	[dreg:$0x7] =	wrdreg s22  }
0xc: {  	s31 =	simm.s32 $0x680;
	s7 =	smul.u32 $0x27100, s5;
	[dreg:$0x8] =	wrdreg s23  }
0xd: {  	p0 =	seq.s32 s12, $0xF;
	s11 =	smul.u32 $0x138800, s5;
	[dreg:$0x9] =	wrdreg s24  }
0xe: {  	s8 =	ssub.s32 $0x2, s5;
	s5 =	smul.u32 $0x5000, s5;
	[dreg:$0xa] =	wrdreg s25  }
0xf: {  	[dreg:$0xb] =	wrdreg s26;
	s20 =	simm.s32 $0x400;
	s22 =	simm.s32 $0x480  }
0x10: {  	s23 =	simm.s32 $0xC00;
	s24 =	simm.s32 $0x500;
	s25 =	simm.s32 $0xC80  }
0x11: {  	s1 =	sadd.s32 s1, s0;
	s0 =	sadd.s32 $0x7200, s0;
	s10 =	sshrl.u32 s8, $0x1  }
0x12: {  	s7 =	sadd.s32 s9, s7;
	s5 =	sadd.s32 s5, s1;
	s1 =	sadd.s32 $0x2200, s1  }
0x13: {  	s6 =	sshrl.u32 s6, $0x2;
	s18 =	sadd.s32 s2, s7;
	[dreg:$0x5] =	wrdreg s1  }
0x14: {  	s8 =	ssub.s32 s8, s10;
	s7 =	sadd.s32 s0, s7;
	[dreg:$0x12] =	wrdreg s18  }
0x15: {  	s6 =	sadd.s32 s6, s3;
	s5 =	sadd.s32 $0x7CE00, s5;
	[dreg:$0x14] =	wrdreg s7  }
0x16: {  	s10 =	sadd.s32 $0x124800, s3;
	s21 =	smax.u32 s8, $0x1;
	[dreg:$0x4] =	wrdreg s5  }
0x17: {  	s17 =	sshrl.u32 s11, $0x3;
	s1 =	sshrl.u32 @p0 s10, $0x3;
	[dreg:$0x16] =	wrdreg s21  }
0x18: {  	s11 =	sshrl.u32 @!p0 s6, $0x3;
	s6 =	simm.s32 $0x300;
	[dreg:$0x17] =	wrdreg s1  }
0x19: {  	s26 =	simm.s32 $0x580;
	s8 =	simm.s32 $0x380;
	[dreg:$0xe] =	wrdreg s6  }
0x1a: {  	s9 =	sadd.s32 $0x24900, s17;
	s10 =	simm.s32 $0x0;
	[dreg:$0x10] =	wrdreg s8  }
0x1b: {  	s17 =	simm.s32 $0x5000;
	s19 =	sadd.s32 s2, s9;
	[dreg:$0x1a] =	wrdreg s10  }
0x1c: {  	s0 =	sadd.s32 s0, s9;
	s1 =	sshll.u32 @!p0 s12, $0x6;
	[dreg:$0x19] =	wrdreg s11  }
0x1d: {  	s5 =	simm.s32 $0xA00;
	s7 =	simm.s32 $0xA80;
	[dreg:$0x13] =	wrdreg s19  }
0x1e: {  	s9 =	simm.s32 $0xB00;
	s18 =	simm.s32 $0x1;
	[dreg:$0x15] =	wrdreg s0  }
0x1f: {  	s21 =	simm.s32 $0xB80;
	s6 =	simm.s32 $0x780;
	[dreg:$0xd] =	wrdreg s5  }
0x20: {  	s8 =	simm.s32 $0xF80;
	s12 =	sor.u32 @!p0 $0x1C03, s1;
	[dreg:$0xf] =	wrdreg s7  }
0x21: {  	s1 =	simm.s32 $0x280;
	s19 =	simm.s32 $0x2;
	[dreg:$0x11] =	wrdreg s9  }
0x22: {  	s0 =	simm.s32 $0xE00;
	s5 =	simm.s32 $0xE80;
	[dreg:$0xc] =	wrdreg s1  }
0x23: {  	s7 =	simm.s32 $0xF00;
	s1 =	simm.s32 $0x700;
	[dreg:$0x18] =	wrdreg s12  }
.LBB2_1:
0x24: {  	s9 =	rddreg [dreg:$0x13]  }
0x25: {  	s10 =	simm.s32 @p0 $0x1FC3;
	s12 =	rddreg [dreg:$0x17]  }
0x26: {  	[spmem:s12], [sflag:s10] =	dma.local @p0 [hbm:s9], $0x2800  }
0x27: {  	s10 =	simm.s32 @p0 $0x3  }
0x28: {  	_ =	swait.ge @p0 [sflag:s10], $0x2800  }
0x29: {  	[sflag:s10] =	ssyncset.done @p0 $0x0;
	s9 =	rddreg [dreg:$0x12]  }
0x2a: {  	[sflag:s10] =	ssyncadd.s32 @p0 $0xFFFFD800;
	s10 =	rddreg [dreg:$0x18]  }
0x2b: {  	[spmem:s11], [sflag:s10] =	dma.local @!p0 [hbm:s9], $0x2700  }
0x2c: {  	s10 =	simm.s32 @!p0 $0x3  }
0x2d: {  	_ =	swait.ge @!p0 [sflag:s10], $0x2700  }
0x2e: {  	[sflag:s10] =	ssyncset.done @!p0 $0x0  }
0x2f: {  	[sflag:s10] =	ssyncadd.s32 @!p0 $0xFFFFD900  }
0x30: {  	[bflag:$0x0] =	sbarrier.arrive $0xFFFF  }
0x31: {  	s11 =	rddreg [dreg:$0x4]  }
0x32: {  	s10 =	sadd.s32 $0x0, s11  }
0x33: {  	[tilespmem:s4], [sflag:$0x3] =	stream.linear.gather [hbm4b:s10+s4], $0x800, $0x38;
	[tilespmem:$0x1C8C0] =	vst v63  }
0x34: {  	_ =	swait.ge [sflag:s13], $0x800  }
0x35: {  	s12 =	rddreg [dreg:$0x5];
	[sflag:s13] =	ssyncset.done $0x0  }
0x36: {  	[sflag:s13] =	ssyncadd.s32 $0xFFFFF800;
	s10 =	sadd.s32 $0x0, s12  }
0x37: {  	[tilespmem:s14], [sflag:$0x3] =	stream.linear.gather [hbm4b:s10+s4], $0x800, $0x38;
	[tilespmem:$0x1C8C0] =	vst v63  }
0x38: {  	_ =	swait.ge [sflag:s13], $0x800  }
0x39: {  	[sflag:s13] =	ssyncset.done $0x0  }
0x3a: {  	[sflag:s13] =	ssyncadd.s32 $0xFFFFF800  }
0x3b: {  	[tilespmem:s16], [sflag:$0x1] =	stream.indirect.gather [hbm4b:s2+s15], $0x80, s4, s15, $0xb8;
	[tilespmem:$0x1C8C0] =	vst v63  }
0x3c: {  	_ = 	snop  }
0x3d: {  	[tilespmem:s17], [sflag:$0x2] =	stream.indirect.gather [hbm4b:s2+s15], $0x80, s15, s15, $0xb8;
	[tilespmem:$0x1C8C0] =	vst v63  }
0x3e: {  	_ =	swait.ge [sflag:s18], $0x4000  }
0x3f: {  	[sflag:s18] =	ssyncset.done $0x0  }
0x40: {  	[sflag:s18] =	ssyncadd.s32 $0xFFFFC000  }
0x41: {  	[spmem:s3] =	stream.indirect.scatter.add.f32 [tilespmem:s16], [sflag:$0x3], $0x80, s14, s15, $0xb8;
	[tilespmem:$0x1C8C0] =	vst v63  }
0x42: {  	_ =	swait.ge [sflag:s13], $0x4000  }
0x43: {  	[sflag:s13] =	ssyncset.done $0x0  }
0x44: {  	s9 =	rddreg [dreg:$0x6];
	[sflag:s13] =	ssyncadd.s32 $0xFFFFC000  }
0x45: {  	[tilespmem:s16], [sflag:$0x1] =	stream.indirect.gather [hbm4b:s2+s15], $0x80, s9, s15, $0xb8;
	[tilespmem:$0x1C8C0] =	vst v63  }
0x46: {  	_ =	swait.ge [sflag:s19], $0x4000  }
0x47: {  	[sflag:s19] =	ssyncset.done $0x0  }
0x48: {  	s11 =	rddreg [dreg:$0x7];
	[sflag:s19] =	ssyncadd.s32 $0xFFFFC000  }
0x49: {  	[spmem:s3] =	stream.indirect.scatter.add.f32 [tilespmem:s17], [sflag:$0x3], $0x80, s11, s15, $0xb8;
	[tilespmem:$0x1C8C0] =	vst v63  }
0x4a: {  	_ =	swait.ge [sflag:s13], $0x4000  }
0x4b: {  	[sflag:s13] =	ssyncset.done $0x0  }
0x4c: {  	s12 =	rddreg [dreg:$0x8];
	[sflag:s13] =	ssyncadd.s32 $0xFFFFC000  }
0x4d: {  	[tilespmem:s17], [sflag:$0x2] =	stream.indirect.gather [hbm4b:s2+s15], $0x80, s12, s15, $0xb8;
	[tilespmem:$0x1C8C0] =	vst v63  }
0x4e: {  	_ =	swait.ge [sflag:s18], $0x4000  }
0x4f: {  	[sflag:s18] =	ssyncset.done $0x0  }
0x50: {  	s9 =	rddreg [dreg:$0x9];
	[sflag:s18] =	ssyncadd.s32 $0xFFFFC000  }
0x51: {  	[spmem:s3] =	stream.indirect.scatter.add.f32 [tilespmem:s16], [sflag:$0x3], $0x80, s9, s15, $0xb8;
	[tilespmem:$0x1C8C0] =	vst v63  }
0x52: {  	_ =	swait.ge [sflag:s13], $0x4000  }
0x53: {  	[sflag:s13] =	ssyncset.done $0x0  }
0x54: {  	s11 =	rddreg [dreg:$0xa];
	[sflag:s13] =	ssyncadd.s32 $0xFFFFC000  }
0x55: {  	[tilespmem:s16], [sflag:$0x1] =	stream.indirect.gather [hbm4b:s2+s15], $0x80, s11, s15, $0xb8;
	[tilespmem:$0x1C8C0] =	vst v63  }
0x56: {  	_ =	swait.ge [sflag:s19], $0x4000  }
0x57: {  	[sflag:s19] =	ssyncset.done $0x0  }
0x58: {  	s12 =	rddreg [dreg:$0xb];
	[sflag:s19] =	ssyncadd.s32 $0xFFFFC000  }
0x59: {  	[spmem:s3] =	stream.indirect.scatter.add.f32 [tilespmem:s17], [sflag:$0x3], $0x80, s12, s15, $0xb8;
	[tilespmem:$0x1C8C0] =	vst v63  }
0x5a: {  	_ =	swait.ge [sflag:s13], $0x4000  }
0x5b: {  	[sflag:s13] =	ssyncset.done $0x0  }
0x5c: {  	s9 =	rddreg [dreg:$0xc];
	[sflag:s13] =	ssyncadd.s32 $0xFFFFC000  }
0x5d: {  	[tilespmem:s17], [sflag:$0x2] =	stream.indirect.gather [hbm4b:s2+s15], $0x80, s9, s15, $0xb8;
	[tilespmem:$0x1C8C0] =	vst v63  }
0x5e: {  	_ =	swait.ge [sflag:s18], $0x4000  }
0x5f: {  	[sflag:s18] =	ssyncset.done $0x0  }
0x60: {  	s11 =	rddreg [dreg:$0xd];
	[sflag:s18] =	ssyncadd.s32 $0xFFFFC000  }
0x61: {  	[spmem:s3] =	stream.indirect.scatter.add.f32 [tilespmem:s16], [sflag:$0x3], $0x80, s11, s15, $0xb8;
	[tilespmem:$0x1C8C0] =	vst v63  }
0x62: {  	_ =	swait.ge [sflag:s13], $0x4000  }
0x63: {  	[sflag:s13] =	ssyncset.done $0x0  }
0x64: {  	s12 =	rddreg [dreg:$0xe];
	[sflag:s13] =	ssyncadd.s32 $0xFFFFC000  }
0x65: {  	[tilespmem:s16], [sflag:$0x1] =	stream.indirect.gather [hbm4b:s2+s15], $0x80, s12, s15, $0xb8;
	[tilespmem:$0x1C8C0] =	vst v63  }
0x66: {  	_ =	swait.ge [sflag:s19], $0x4000  }
0x67: {  	[sflag:s19] =	ssyncset.done $0x0  }
0x68: {  	s9 =	rddreg [dreg:$0xf];
	[sflag:s19] =	ssyncadd.s32 $0xFFFFC000  }
0x69: {  	[spmem:s3] =	stream.indirect.scatter.add.f32 [tilespmem:s17], [sflag:$0x3], $0x80, s9, s15, $0xb8;
	[tilespmem:$0x1C8C0] =	vst v63  }
0x6a: {  	_ =	swait.ge [sflag:s13], $0x4000  }
0x6b: {  	[sflag:s13] =	ssyncset.done $0x0  }
0x6c: {  	s11 =	rddreg [dreg:$0x10];
	[sflag:s13] =	ssyncadd.s32 $0xFFFFC000  }
0x6d: {  	[tilespmem:s17], [sflag:$0x2] =	stream.indirect.gather [hbm4b:s2+s15], $0x80, s11, s15, $0xb8;
	[tilespmem:$0x1C8C0] =	vst v63  }
0x6e: {  	_ =	swait.ge [sflag:s18], $0x4000  }
0x6f: {  	[sflag:s18] =	ssyncset.done $0x0  }
0x70: {  	s12 =	rddreg [dreg:$0x11];
	[sflag:s18] =	ssyncadd.s32 $0xFFFFC000  }
0x71: {  	[spmem:s3] =	stream.indirect.scatter.add.f32 [tilespmem:s16], [sflag:$0x3], $0x80, s12, s15, $0xb8;
	[tilespmem:$0x1C8C0] =	vst v63  }
0x72: {  	_ =	swait.ge [sflag:s13], $0x4000  }
0x73: {  	[sflag:s13] =	ssyncset.done $0x0  }
0x74: {  	[sflag:s13] =	ssyncadd.s32 $0xFFFFC000  }
0x75: {  	[tilespmem:s16], [sflag:$0x1] =	stream.indirect.gather [hbm4b:s2+s15], $0x80, s20, s15, $0xb8;
	[tilespmem:$0x1C8C0] =	vst v63  }
0x76: {  	_ =	swait.ge [sflag:s19], $0x4000  }
0x77: {  	[sflag:s19] =	ssyncset.done $0x0  }
0x78: {  	[sflag:s19] =	ssyncadd.s32 $0xFFFFC000  }
0x79: {  	[spmem:s3] =	stream.indirect.scatter.add.f32 [tilespmem:s17], [sflag:$0x3], $0x80, s21, s15, $0xb8;
	[tilespmem:$0x1C8C0] =	vst v63  }
0x7a: {  	_ =	swait.ge [sflag:s13], $0x4000  }
0x7b: {  	[sflag:s13] =	ssyncset.done $0x0  }
0x7c: {  	[sflag:s13] =	ssyncadd.s32 $0xFFFFC000  }
0x7d: {  	[tilespmem:s17], [sflag:$0x2] =	stream.indirect.gather [hbm4b:s2+s15], $0x80, s22, s15, $0xb8;
	[tilespmem:$0x1C8C0] =	vst v63  }
0x7e: {  	_ =	swait.ge [sflag:s18], $0x4000  }
0x7f: {  	[sflag:s18] =	ssyncset.done $0x0  }
0x80: {  	[sflag:s18] =	ssyncadd.s32 $0xFFFFC000  }
0x81: {  	[spmem:s3] =	stream.indirect.scatter.add.f32 [tilespmem:s16], [sflag:$0x3], $0x80, s23, s15, $0xb8;
	[tilespmem:$0x1C8C0] =	vst v63  }
0x82: {  	_ =	swait.ge [sflag:s13], $0x4000  }
0x83: {  	[sflag:s13] =	ssyncset.done $0x0  }
0x84: {  	[sflag:s13] =	ssyncadd.s32 $0xFFFFC000  }
0x85: {  	[tilespmem:s16], [sflag:$0x1] =	stream.indirect.gather [hbm4b:s2+s15], $0x80, s24, s15, $0xb8;
	[tilespmem:$0x1C8C0] =	vst v63  }
0x86: {  	_ =	swait.ge [sflag:s19], $0x4000  }
0x87: {  	[sflag:s19] =	ssyncset.done $0x0  }
0x88: {  	[sflag:s19] =	ssyncadd.s32 $0xFFFFC000  }
0x89: {  	[spmem:s3] =	stream.indirect.scatter.add.f32 [tilespmem:s17], [sflag:$0x3], $0x80, s25, s15, $0xb8;
	[tilespmem:$0x1C8C0] =	vst v63  }
0x8a: {  	_ =	swait.ge [sflag:s13], $0x4000  }
0x8b: {  	[sflag:s13] =	ssyncset.done $0x0  }
0x8c: {  	[sflag:s13] =	ssyncadd.s32 $0xFFFFC000  }
0x8d: {  	[tilespmem:s17], [sflag:$0x2] =	stream.indirect.gather [hbm4b:s2+s15], $0x80, s26, s15, $0xb8;
	[tilespmem:$0x1C8C0] =	vst v63  }
0x8e: {  	_ =	swait.ge [sflag:s18], $0x4000  }
0x8f: {  	[sflag:s18] =	ssyncset.done $0x0  }
0x90: {  	[sflag:s18] =	ssyncadd.s32 $0xFFFFC000  }
0x91: {  	[spmem:s3] =	stream.indirect.scatter.add.f32 [tilespmem:s16], [sflag:$0x3], $0x80, s28, s15, $0xb8;
	[tilespmem:$0x1C8C0] =	vst v63  }
0x92: {  	_ =	swait.ge [sflag:s13], $0x4000  }
0x93: {  	[sflag:s13] =	ssyncset.done $0x0  }
0x94: {  	[sflag:s13] =	ssyncadd.s32 $0xFFFFC000  }
0x95: {  	[tilespmem:s16], [sflag:$0x1] =	stream.indirect.gather [hbm4b:s2+s15], $0x80, s29, s15, $0xb8;
	[tilespmem:$0x1C8C0] =	vst v63  }
0x96: {  	_ =	swait.ge [sflag:s19], $0x4000  }
0x97: {  	[sflag:s19] =	ssyncset.done $0x0  }
0x98: {  	[sflag:s19] =	ssyncadd.s32 $0xFFFFC000  }
0x99: {  	[spmem:s3] =	stream.indirect.scatter.add.f32 [tilespmem:s17], [sflag:$0x3], $0x80, s30, s15, $0xb8;
	[tilespmem:$0x1C8C0] =	vst v63  }
0x9a: {  	_ =	swait.ge [sflag:s13], $0x4000  }
0x9b: {  	[sflag:s13] =	ssyncset.done $0x0  }
0x9c: {  	[sflag:s13] =	ssyncadd.s32 $0xFFFFC000  }
0x9d: {  	[tilespmem:s17], [sflag:$0x2] =	stream.indirect.gather [hbm4b:s2+s15], $0x80, s31, s15, $0xb8;
	[tilespmem:$0x1C8C0] =	vst v63  }
0x9e: {  	_ =	swait.ge [sflag:s18], $0x4000  }
0x9f: {  	[sflag:s18] =	ssyncset.done $0x0  }
0xa0: {  	[sflag:s18] =	ssyncadd.s32 $0xFFFFC000  }
0xa1: {  	[spmem:s3] =	stream.indirect.scatter.add.f32 [tilespmem:s16], [sflag:$0x3], $0x80, s0, s15, $0xb8;
	[tilespmem:$0x1C8C0] =	vst v63  }
0xa2: {  	_ =	swait.ge [sflag:s13], $0x4000  }
0xa3: {  	[sflag:s13] =	ssyncset.done $0x0  }
0xa4: {  	[sflag:s13] =	ssyncadd.s32 $0xFFFFC000  }
0xa5: {  	[tilespmem:s16], [sflag:$0x1] =	stream.indirect.gather [hbm4b:s2+s15], $0x80, s1, s15, $0xb8;
	[tilespmem:$0x1C8C0] =	vst v63  }
0xa6: {  	_ =	swait.ge [sflag:s19], $0x4000  }
0xa7: {  	[sflag:s19] =	ssyncset.done $0x0  }
0xa8: {  	[sflag:s19] =	ssyncadd.s32 $0xFFFFC000  }
0xa9: {  	[spmem:s3] =	stream.indirect.scatter.add.f32 [tilespmem:s17], [sflag:$0x3], $0x80, s5, s15, $0xb8;
	[tilespmem:$0x1C8C0] =	vst v63  }
0xaa: {  	_ =	swait.ge [sflag:s13], $0x4000  }
0xab: {  	[sflag:s13] =	ssyncset.done $0x0  }
0xac: {  	[sflag:s13] =	ssyncadd.s32 $0xFFFFC000  }
0xad: {  	[tilespmem:s17], [sflag:$0x2] =	stream.indirect.gather [hbm4b:s2+s15], $0x80, s6, s15, $0xb8;
	[tilespmem:$0x1C8C0] =	vst v63  }
0xae: {  	_ =	swait.ge [sflag:s18], $0x4000  }
0xaf: {  	[sflag:s18] =	ssyncset.done $0x0  }
0xb0: {  	[sflag:s18] =	ssyncadd.s32 $0xFFFFC000  }
0xb1: {  	[spmem:s3] =	stream.indirect.scatter.add.f32 [tilespmem:s16], [sflag:$0x3], $0x80, s7, s15, $0xb8;
	[tilespmem:$0x1C8C0] =	vst v63  }
0xb2: {  	_ =	swait.ge [sflag:s13], $0x4000  }
0xb3: {  	[sflag:s13] =	ssyncset.done $0x0  }
0xb4: {  	[sflag:s13] =	ssyncadd.s32 $0xFFFFC000  }
0xb5: {  	_ =	swait.ge [sflag:s19], $0x4000  }
0xb6: {  	[sflag:s19] =	ssyncset.done $0x0  }
0xb7: {  	[sflag:s19] =	ssyncadd.s32 $0xFFFFC000  }
0xb8: {  	[spmem:s3] =	stream.indirect.scatter.add.f32 [tilespmem:s17], [sflag:$0x3], $0x80, s8, s15, $0xb8;
	[tilespmem:$0x1C8C0] =	vst v63  }
0xb9: {  	s10 =	simm.s32 $0x100;
	_ =	swait.ge [sflag:s13], $0x4000  }
0xba: {  	s11 =	simm.s32 $0x200;
	s12 =	rddreg [dreg:$0x4];
	[sflag:s13] =	ssyncset.done $0x0  }
.LBB2_2:
0xbb: {  	[sflag:s13] =	ssyncadd.s32 $0xFFFFC000;
	s12 =	sadd.s32 s10, s12  }
0xbc: {  	[tilespmem:s4], [sflag:$0x3] =	stream.linear.gather [hbm4b:s12+s4], $0x800, $0x38;
	[tilespmem:$0x1C8C0] =	vst v63  }
0xbd: {  	_ =	swait.ge [sflag:s13], $0x800  }
0xbe: {  	s12 =	rddreg [dreg:$0x5];
	[sflag:s13] =	ssyncset.done $0x0  }
0xbf: {  	[sflag:s13] =	ssyncadd.s32 $0xFFFFF800;
	s12 =	sadd.s32 s10, s12  }
0xc0: {  	[tilespmem:s14], [sflag:$0x3] =	stream.linear.gather [hbm4b:s12+s4], $0x800, $0x38;
	[tilespmem:$0x1C8C0] =	vst v63  }
0xc1: {  	_ =	swait.ge [sflag:s13], $0x800  }
0xc2: {  	[sflag:s13] =	ssyncset.done $0x0  }
0xc3: {  	[sflag:s13] =	ssyncadd.s32 $0xFFFFF800  }
0xc4: {  	[tilespmem:s16], [sflag:$0x1] =	stream.indirect.gather [hbm4b:s2+s15], $0x80, s4, s15, $0xb8;
	[tilespmem:$0x1C8C0] =	vst v63  }
0xc5: {  	_ = 	snop  }
0xc6: {  	[tilespmem:s17], [sflag:$0x2] =	stream.indirect.gather [hbm4b:s2+s15], $0x80, s15, s15, $0xb8;
	[tilespmem:$0x1C8C0] =	vst v63  }
0xc7: {  	_ =	swait.ge [sflag:s18], $0x4000  }
0xc8: {  	[sflag:s18] =	ssyncset.done $0x0  }
0xc9: {  	[sflag:s18] =	ssyncadd.s32 $0xFFFFC000  }
0xca: {  	[spmem:s3] =	stream.indirect.scatter.add.f32 [tilespmem:s16], [sflag:$0x3], $0x80, s14, s15, $0xb8;
	[tilespmem:$0x1C8C0] =	vst v63  }
0xcb: {  	_ =	swait.ge [sflag:s13], $0x4000  }
0xcc: {  	[sflag:s13] =	ssyncset.done $0x0  }
0xcd: {  	s12 =	rddreg [dreg:$0x6];
	[sflag:s13] =	ssyncadd.s32 $0xFFFFC000  }
0xce: {  	[tilespmem:s16], [sflag:$0x1] =	stream.indirect.gather [hbm4b:s2+s15], $0x80, s12, s15, $0xb8;
	[tilespmem:$0x1C8C0] =	vst v63  }
0xcf: {  	_ =	swait.ge [sflag:s19], $0x4000  }
0xd0: {  	[sflag:s19] =	ssyncset.done $0x0  }
0xd1: {  	s12 =	rddreg [dreg:$0x7];
	[sflag:s19] =	ssyncadd.s32 $0xFFFFC000  }
0xd2: {  	[spmem:s3] =	stream.indirect.scatter.add.f32 [tilespmem:s17], [sflag:$0x3], $0x80, s12, s15, $0xb8;
	[tilespmem:$0x1C8C0] =	vst v63  }
0xd3: {  	_ =	swait.ge [sflag:s13], $0x4000  }
0xd4: {  	[sflag:s13] =	ssyncset.done $0x0  }
0xd5: {  	s12 =	rddreg [dreg:$0x8];
	[sflag:s13] =	ssyncadd.s32 $0xFFFFC000  }
0xd6: {  	[tilespmem:s17], [sflag:$0x2] =	stream.indirect.gather [hbm4b:s2+s15], $0x80, s12, s15, $0xb8;
	[tilespmem:$0x1C8C0] =	vst v63  }
0xd7: {  	_ =	swait.ge [sflag:s18], $0x4000  }
0xd8: {  	[sflag:s18] =	ssyncset.done $0x0  }
0xd9: {  	s12 =	rddreg [dreg:$0x9];
	[sflag:s18] =	ssyncadd.s32 $0xFFFFC000  }
0xda: {  	[spmem:s3] =	stream.indirect.scatter.add.f32 [tilespmem:s16], [sflag:$0x3], $0x80, s12, s15, $0xb8;
	[tilespmem:$0x1C8C0] =	vst v63  }
0xdb: {  	_ =	swait.ge [sflag:s13], $0x4000  }
0xdc: {  	[sflag:s13] =	ssyncset.done $0x0  }
0xdd: {  	s12 =	rddreg [dreg:$0xa];
	[sflag:s13] =	ssyncadd.s32 $0xFFFFC000  }
0xde: {  	[tilespmem:s16], [sflag:$0x1] =	stream.indirect.gather [hbm4b:s2+s15], $0x80, s12, s15, $0xb8;
	[tilespmem:$0x1C8C0] =	vst v63  }
0xdf: {  	_ =	swait.ge [sflag:s19], $0x4000  }
0xe0: {  	[sflag:s19] =	ssyncset.done $0x0  }
0xe1: {  	s12 =	rddreg [dreg:$0xb];
	[sflag:s19] =	ssyncadd.s32 $0xFFFFC000  }
0xe2: {  	[spmem:s3] =	stream.indirect.scatter.add.f32 [tilespmem:s17], [sflag:$0x3], $0x80, s12, s15, $0xb8;
	[tilespmem:$0x1C8C0] =	vst v63  }
0xe3: {  	_ =	swait.ge [sflag:s13], $0x4000  }
0xe4: {  	[sflag:s13] =	ssyncset.done $0x0  }
0xe5: {  	s12 =	rddreg [dreg:$0xc];
	[sflag:s13] =	ssyncadd.s32 $0xFFFFC000  }
0xe6: {  	[tilespmem:s17], [sflag:$0x2] =	stream.indirect.gather [hbm4b:s2+s15], $0x80, s12, s15, $0xb8;
	[tilespmem:$0x1C8C0] =	vst v63  }
0xe7: {  	_ =	swait.ge [sflag:s18], $0x4000  }
0xe8: {  	[sflag:s18] =	ssyncset.done $0x0  }
0xe9: {  	s12 =	rddreg [dreg:$0xd];
	[sflag:s18] =	ssyncadd.s32 $0xFFFFC000  }
0xea: {  	[spmem:s3] =	stream.indirect.scatter.add.f32 [tilespmem:s16], [sflag:$0x3], $0x80, s12, s15, $0xb8;
	[tilespmem:$0x1C8C0] =	vst v63  }
0xeb: {  	_ =	swait.ge [sflag:s13], $0x4000  }
0xec: {  	[sflag:s13] =	ssyncset.done $0x0  }
0xed: {  	s12 =	rddreg [dreg:$0xe];
	[sflag:s13] =	ssyncadd.s32 $0xFFFFC000  }
0xee: {  	[tilespmem:s16], [sflag:$0x1] =	stream.indirect.gather [hbm4b:s2+s15], $0x80, s12, s15, $0xb8;
	[tilespmem:$0x1C8C0] =	vst v63  }
0xef: {  	_ =	swait.ge [sflag:s19], $0x4000  }
0xf0: {  	[sflag:s19] =	ssyncset.done $0x0  }
0xf1: {  	s12 =	rddreg [dreg:$0xf];
	[sflag:s19] =	ssyncadd.s32 $0xFFFFC000  }
0xf2: {  	[spmem:s3] =	stream.indirect.scatter.add.f32 [tilespmem:s17], [sflag:$0x3], $0x80, s12, s15, $0xb8;
	[tilespmem:$0x1C8C0] =	vst v63  }
0xf3: {  	_ =	swait.ge [sflag:s13], $0x4000  }
0xf4: {  	[sflag:s13] =	ssyncset.done $0x0  }
0xf5: {  	s12 =	rddreg [dreg:$0x10];
	[sflag:s13] =	ssyncadd.s32 $0xFFFFC000  }
0xf6: {  	[tilespmem:s17], [sflag:$0x2] =	stream.indirect.gather [hbm4b:s2+s15], $0x80, s12, s15, $0xb8;
	[tilespmem:$0x1C8C0] =	vst v63  }
0xf7: {  	_ =	swait.ge [sflag:s18], $0x4000  }
0xf8: {  	[sflag:s18] =	ssyncset.done $0x0  }
0xf9: {  	s12 =	rddreg [dreg:$0x11];
	[sflag:s18] =	ssyncadd.s32 $0xFFFFC000  }
0xfa: {  	[spmem:s3] =	stream.indirect.scatter.add.f32 [tilespmem:s16], [sflag:$0x3], $0x80, s12, s15, $0xb8;
	[tilespmem:$0x1C8C0] =	vst v63  }
0xfb: {  	_ =	swait.ge [sflag:s13], $0x4000  }
0xfc: {  	[sflag:s13] =	ssyncset.done $0x0  }
0xfd: {  	[sflag:s13] =	ssyncadd.s32 $0xFFFFC000  }
0xfe: {  	[tilespmem:s16], [sflag:$0x1] =	stream.indirect.gather [hbm4b:s2+s15], $0x80, s20, s15, $0xb8;
	[tilespmem:$0x1C8C0] =	vst v63  }
0xff: {  	_ =	swait.ge [sflag:s19], $0x4000  }
0x100: {  	[sflag:s19] =	ssyncset.done $0x0  }
0x101: {  	[sflag:s19] =	ssyncadd.s32 $0xFFFFC000  }
0x102: {  	[spmem:s3] =	stream.indirect.scatter.add.f32 [tilespmem:s17], [sflag:$0x3], $0x80, s21, s15, $0xb8;
	[tilespmem:$0x1C8C0] =	vst v63  }
0x103: {  	_ =	swait.ge [sflag:s13], $0x4000  }
0x104: {  	[sflag:s13] =	ssyncset.done $0x0  }
0x105: {  	[sflag:s13] =	ssyncadd.s32 $0xFFFFC000  }
0x106: {  	[tilespmem:s17], [sflag:$0x2] =	stream.indirect.gather [hbm4b:s2+s15], $0x80, s22, s15, $0xb8;
	[tilespmem:$0x1C8C0] =	vst v63  }
0x107: {  	_ =	swait.ge [sflag:s18], $0x4000  }
0x108: {  	[sflag:s18] =	ssyncset.done $0x0  }
0x109: {  	[sflag:s18] =	ssyncadd.s32 $0xFFFFC000  }
0x10a: {  	[spmem:s3] =	stream.indirect.scatter.add.f32 [tilespmem:s16], [sflag:$0x3], $0x80, s23, s15, $0xb8;
	[tilespmem:$0x1C8C0] =	vst v63  }
0x10b: {  	_ =	swait.ge [sflag:s13], $0x4000  }
0x10c: {  	[sflag:s13] =	ssyncset.done $0x0  }
0x10d: {  	[sflag:s13] =	ssyncadd.s32 $0xFFFFC000  }
0x10e: {  	[tilespmem:s16], [sflag:$0x1] =	stream.indirect.gather [hbm4b:s2+s15], $0x80, s24, s15, $0xb8;
	[tilespmem:$0x1C8C0] =	vst v63  }
0x10f: {  	_ =	swait.ge [sflag:s19], $0x4000  }
0x110: {  	[sflag:s19] =	ssyncset.done $0x0  }
0x111: {  	[sflag:s19] =	ssyncadd.s32 $0xFFFFC000  }
0x112: {  	[spmem:s3] =	stream.indirect.scatter.add.f32 [tilespmem:s17], [sflag:$0x3], $0x80, s25, s15, $0xb8;
	[tilespmem:$0x1C8C0] =	vst v63  }
0x113: {  	_ =	swait.ge [sflag:s13], $0x4000  }
0x114: {  	[sflag:s13] =	ssyncset.done $0x0  }
0x115: {  	[sflag:s13] =	ssyncadd.s32 $0xFFFFC000  }
0x116: {  	[tilespmem:s17], [sflag:$0x2] =	stream.indirect.gather [hbm4b:s2+s15], $0x80, s26, s15, $0xb8;
	[tilespmem:$0x1C8C0] =	vst v63  }
0x117: {  	_ =	swait.ge [sflag:s18], $0x4000  }
0x118: {  	[sflag:s18] =	ssyncset.done $0x0  }
0x119: {  	[sflag:s18] =	ssyncadd.s32 $0xFFFFC000  }
0x11a: {  	[spmem:s3] =	stream.indirect.scatter.add.f32 [tilespmem:s16], [sflag:$0x3], $0x80, s28, s15, $0xb8;
	[tilespmem:$0x1C8C0] =	vst v63  }
0x11b: {  	_ =	swait.ge [sflag:s13], $0x4000  }
0x11c: {  	[sflag:s13] =	ssyncset.done $0x0  }
0x11d: {  	[sflag:s13] =	ssyncadd.s32 $0xFFFFC000  }
0x11e: {  	[tilespmem:s16], [sflag:$0x1] =	stream.indirect.gather [hbm4b:s2+s15], $0x80, s29, s15, $0xb8;
	[tilespmem:$0x1C8C0] =	vst v63  }
0x11f: {  	_ =	swait.ge [sflag:s19], $0x4000  }
0x120: {  	[sflag:s19] =	ssyncset.done $0x0  }
0x121: {  	[sflag:s19] =	ssyncadd.s32 $0xFFFFC000  }
0x122: {  	[spmem:s3] =	stream.indirect.scatter.add.f32 [tilespmem:s17], [sflag:$0x3], $0x80, s30, s15, $0xb8;
	[tilespmem:$0x1C8C0] =	vst v63  }
0x123: {  	_ =	swait.ge [sflag:s13], $0x4000  }
0x124: {  	[sflag:s13] =	ssyncset.done $0x0  }
0x125: {  	[sflag:s13] =	ssyncadd.s32 $0xFFFFC000  }
0x126: {  	[tilespmem:s17], [sflag:$0x2] =	stream.indirect.gather [hbm4b:s2+s15], $0x80, s31, s15, $0xb8;
	[tilespmem:$0x1C8C0] =	vst v63  }
0x127: {  	_ =	swait.ge [sflag:s18], $0x4000  }
0x128: {  	[sflag:s18] =	ssyncset.done $0x0  }
0x129: {  	[sflag:s18] =	ssyncadd.s32 $0xFFFFC000  }
0x12a: {  	[spmem:s3] =	stream.indirect.scatter.add.f32 [tilespmem:s16], [sflag:$0x3], $0x80, s0, s15, $0xb8;
	[tilespmem:$0x1C8C0] =	vst v63  }
0x12b: {  	_ =	swait.ge [sflag:s13], $0x4000  }
0x12c: {  	[sflag:s13] =	ssyncset.done $0x0  }
0x12d: {  	[sflag:s13] =	ssyncadd.s32 $0xFFFFC000  }
0x12e: {  	[tilespmem:s16], [sflag:$0x1] =	stream.indirect.gather [hbm4b:s2+s15], $0x80, s1, s15, $0xb8;
	[tilespmem:$0x1C8C0] =	vst v63  }
0x12f: {  	_ =	swait.ge [sflag:s19], $0x4000  }
0x130: {  	[sflag:s19] =	ssyncset.done $0x0  }
0x131: {  	[sflag:s19] =	ssyncadd.s32 $0xFFFFC000  }
0x132: {  	[spmem:s3] =	stream.indirect.scatter.add.f32 [tilespmem:s17], [sflag:$0x3], $0x80, s5, s15, $0xb8;
	[tilespmem:$0x1C8C0] =	vst v63  }
0x133: {  	_ =	swait.ge [sflag:s13], $0x4000  }
0x134: {  	[sflag:s13] =	ssyncset.done $0x0  }
0x135: {  	[sflag:s13] =	ssyncadd.s32 $0xFFFFC000  }
0x136: {  	[tilespmem:s17], [sflag:$0x2] =	stream.indirect.gather [hbm4b:s2+s15], $0x80, s6, s15, $0xb8;
	[tilespmem:$0x1C8C0] =	vst v63  }
0x137: {  	_ =	swait.ge [sflag:s18], $0x4000  }
0x138: {  	[sflag:s18] =	ssyncset.done $0x0  }
0x139: {  	[sflag:s18] =	ssyncadd.s32 $0xFFFFC000  }
0x13a: {  	[spmem:s3] =	stream.indirect.scatter.add.f32 [tilespmem:s16], [sflag:$0x3], $0x80, s7, s15, $0xb8;
	[tilespmem:$0x1C8C0] =	vst v63  }
0x13b: {  	_ =	swait.ge [sflag:s13], $0x4000  }
0x13c: {  	[sflag:s13] =	ssyncset.done $0x0  }
0x13d: {  	[sflag:s13] =	ssyncadd.s32 $0xFFFFC000  }
0x13e: {  	p1 =	sne.s32 s11, $0x400;
	_ =	swait.ge [sflag:s19], $0x4000  }
.Ltmp0:
0x13f: {  	[sflag:s19] =	ssyncset.done $0x0;
	(pc) =	sbr.rel @p1 .LBB2_2-.Ltmp0, $4  }
0x140: {  	[sflag:s19] =	ssyncadd.s32 $0xFFFFC000  }
0x141: {  	[spmem:s3] =	stream.indirect.scatter.add.f32 [tilespmem:s17], [sflag:$0x3], $0x80, s8, s15, $0xb8;
	[tilespmem:$0x1C8C0] =	vst v63  }
0x142: {  	s9 =	smov.u32 s11;
	s11 =	sadd.s32 $0x100, s11;
	_ =	swait.ge [sflag:s13], $0x4000  }
0x143: {  	s10 =	smov.u32 s9;
	s12 =	rddreg [dreg:$0x4];
	[sflag:s13] =	ssyncset.done $0x0  }
0x144: {  	[sflag:s13] =	ssyncadd.s32 $0xFFFFC000;
	s9 =	sadd.s32 s10, s12  }
0x145: {  	[tilespmem:s4], [sflag:$0x3] =	stream.linear.gather [hbm4b:s9+s4], $0x800, $0x38;
	[tilespmem:$0x1C8C0] =	vst v63  }
0x146: {  	_ =	swait.ge [sflag:s13], $0x800  }
0x147: {  	s11 =	rddreg [dreg:$0x5];
	[sflag:s13] =	ssyncset.done $0x0  }
0x148: {  	s9 =	sadd.s32 s10, s11;
	[sflag:s13] =	ssyncadd.s32 $0xFFFFF800  }
0x149: {  	[tilespmem:s14], [sflag:$0x3] =	stream.linear.gather [hbm4b:s9+s4], $0x800, $0x38;
	[tilespmem:$0x1C8C0] =	vst v63  }
0x14a: {  	_ =	swait.ge [sflag:s13], $0x800  }
0x14b: {  	[sflag:s13] =	ssyncset.done $0x0  }
0x14c: {  	[sflag:s13] =	ssyncadd.s32 $0xFFFFF800  }
0x14d: {  	[tilespmem:s16], [sflag:$0x1] =	stream.indirect.gather [hbm4b:s2+s15], $0x80, s4, s15, $0xb8;
	[tilespmem:$0x1C8C0] =	vst v63  }
0x14e: {  	_ = 	snop  }
0x14f: {  	[tilespmem:s17], [sflag:$0x2] =	stream.indirect.gather [hbm4b:s2+s15], $0x80, s15, s15, $0xb8;
	[tilespmem:$0x1C8C0] =	vst v63  }
0x150: {  	_ =	swait.ge [sflag:s18], $0x4000  }
0x151: {  	[sflag:s18] =	ssyncset.done $0x0  }
0x152: {  	[sflag:s18] =	ssyncadd.s32 $0xFFFFC000  }
0x153: {  	[spmem:s3] =	stream.indirect.scatter.add.f32 [tilespmem:s16], [sflag:$0x3], $0x80, s14, s15, $0xb8;
	[tilespmem:$0x1C8C0] =	vst v63  }
0x154: {  	_ =	swait.ge [sflag:s13], $0x4000  }
0x155: {  	[sflag:s13] =	ssyncset.done $0x0  }
0x156: {  	s12 =	rddreg [dreg:$0x6];
	[sflag:s13] =	ssyncadd.s32 $0xFFFFC000  }
0x157: {  	[tilespmem:s16], [sflag:$0x1] =	stream.indirect.gather [hbm4b:s2+s15], $0x80, s12, s15, $0xb8;
	[tilespmem:$0x1C8C0] =	vst v63  }
0x158: {  	_ =	swait.ge [sflag:s19], $0x4000  }
0x159: {  	[sflag:s19] =	ssyncset.done $0x0  }
0x15a: {  	s10 =	rddreg [dreg:$0x7];
	[sflag:s19] =	ssyncadd.s32 $0xFFFFC000  }
0x15b: {  	[spmem:s3] =	stream.indirect.scatter.add.f32 [tilespmem:s17], [sflag:$0x3], $0x80, s10, s15, $0xb8;
	[tilespmem:$0x1C8C0] =	vst v63  }
0x15c: {  	_ =	swait.ge [sflag:s13], $0x4000  }
0x15d: {  	[sflag:s13] =	ssyncset.done $0x0  }
0x15e: {  	s11 =	rddreg [dreg:$0x8];
	[sflag:s13] =	ssyncadd.s32 $0xFFFFC000  }
0x15f: {  	[tilespmem:s17], [sflag:$0x2] =	stream.indirect.gather [hbm4b:s2+s15], $0x80, s11, s15, $0xb8;
	[tilespmem:$0x1C8C0] =	vst v63  }
0x160: {  	_ =	swait.ge [sflag:s18], $0x4000  }
0x161: {  	[sflag:s18] =	ssyncset.done $0x0  }
0x162: {  	s12 =	rddreg [dreg:$0x9];
	[sflag:s18] =	ssyncadd.s32 $0xFFFFC000  }
0x163: {  	[spmem:s3] =	stream.indirect.scatter.add.f32 [tilespmem:s16], [sflag:$0x3], $0x80, s12, s15, $0xb8;
	[tilespmem:$0x1C8C0] =	vst v63  }
0x164: {  	_ =	swait.ge [sflag:s13], $0x4000  }
0x165: {  	[sflag:s13] =	ssyncset.done $0x0  }
0x166: {  	s10 =	rddreg [dreg:$0xa];
	[sflag:s13] =	ssyncadd.s32 $0xFFFFC000  }
0x167: {  	[tilespmem:s16], [sflag:$0x1] =	stream.indirect.gather [hbm4b:s2+s15], $0x80, s10, s15, $0xb8;
	[tilespmem:$0x1C8C0] =	vst v63  }
0x168: {  	_ =	swait.ge [sflag:s19], $0x4000  }
0x169: {  	[sflag:s19] =	ssyncset.done $0x0  }
0x16a: {  	s11 =	rddreg [dreg:$0xb];
	[sflag:s19] =	ssyncadd.s32 $0xFFFFC000  }
0x16b: {  	[spmem:s3] =	stream.indirect.scatter.add.f32 [tilespmem:s17], [sflag:$0x3], $0x80, s11, s15, $0xb8;
	[tilespmem:$0x1C8C0] =	vst v63  }
0x16c: {  	_ =	swait.ge [sflag:s13], $0x4000  }
0x16d: {  	[sflag:s13] =	ssyncset.done $0x0  }
0x16e: {  	s12 =	rddreg [dreg:$0xc];
	[sflag:s13] =	ssyncadd.s32 $0xFFFFC000  }
0x16f: {  	[tilespmem:s17], [sflag:$0x2] =	stream.indirect.gather [hbm4b:s2+s15], $0x80, s12, s15, $0xb8;
	[tilespmem:$0x1C8C0] =	vst v63  }
0x170: {  	_ =	swait.ge [sflag:s18], $0x4000  }
0x171: {  	[sflag:s18] =	ssyncset.done $0x0  }
0x172: {  	s10 =	rddreg [dreg:$0xd];
	[sflag:s18] =	ssyncadd.s32 $0xFFFFC000  }
0x173: {  	[spmem:s3] =	stream.indirect.scatter.add.f32 [tilespmem:s16], [sflag:$0x3], $0x80, s10, s15, $0xb8;
	[tilespmem:$0x1C8C0] =	vst v63  }
0x174: {  	_ =	swait.ge [sflag:s13], $0x4000  }
0x175: {  	[sflag:s13] =	ssyncset.done $0x0  }
0x176: {  	s11 =	rddreg [dreg:$0xe];
	[sflag:s13] =	ssyncadd.s32 $0xFFFFC000  }
0x177: {  	[tilespmem:s16], [sflag:$0x1] =	stream.indirect.gather [hbm4b:s2+s15], $0x80, s11, s15, $0xb8;
	[tilespmem:$0x1C8C0] =	vst v63  }
0x178: {  	_ =	swait.ge [sflag:s19], $0x4000  }
0x179: {  	[sflag:s19] =	ssyncset.done $0x0  }
0x17a: {  	s12 =	rddreg [dreg:$0xf];
	[sflag:s19] =	ssyncadd.s32 $0xFFFFC000  }
0x17b: {  	[spmem:s3] =	stream.indirect.scatter.add.f32 [tilespmem:s17], [sflag:$0x3], $0x80, s12, s15, $0xb8;
	[tilespmem:$0x1C8C0] =	vst v63  }
0x17c: {  	_ =	swait.ge [sflag:s13], $0x4000  }
0x17d: {  	[sflag:s13] =	ssyncset.done $0x0  }
0x17e: {  	s10 =	rddreg [dreg:$0x10];
	[sflag:s13] =	ssyncadd.s32 $0xFFFFC000  }
0x17f: {  	[tilespmem:s17], [sflag:$0x2] =	stream.indirect.gather [hbm4b:s2+s15], $0x80, s10, s15, $0xb8;
	[tilespmem:$0x1C8C0] =	vst v63  }
0x180: {  	_ =	swait.ge [sflag:s18], $0x4000  }
0x181: {  	[sflag:s18] =	ssyncset.done $0x0  }
0x182: {  	s11 =	rddreg [dreg:$0x11];
	[sflag:s18] =	ssyncadd.s32 $0xFFFFC000  }
0x183: {  	[spmem:s3] =	stream.indirect.scatter.add.f32 [tilespmem:s16], [sflag:$0x3], $0x80, s11, s15, $0xb8;
	[tilespmem:$0x1C8C0] =	vst v63  }
0x184: {  	_ =	swait.ge [sflag:s13], $0x4000  }
0x185: {  	[sflag:s13] =	ssyncset.done $0x0  }
0x186: {  	[sflag:s13] =	ssyncadd.s32 $0xFFFFC000  }
0x187: {  	[tilespmem:s16], [sflag:$0x1] =	stream.indirect.gather [hbm4b:s2+s15], $0x80, s20, s15, $0xb8;
	[tilespmem:$0x1C8C0] =	vst v63  }
0x188: {  	_ =	swait.ge [sflag:s19], $0x4000  }
0x189: {  	[sflag:s19] =	ssyncset.done $0x0  }
0x18a: {  	[sflag:s19] =	ssyncadd.s32 $0xFFFFC000  }
0x18b: {  	[spmem:s3] =	stream.indirect.scatter.add.f32 [tilespmem:s17], [sflag:$0x3], $0x80, s21, s15, $0xb8;
	[tilespmem:$0x1C8C0] =	vst v63  }
0x18c: {  	_ =	swait.ge [sflag:s13], $0x4000  }
0x18d: {  	[sflag:s13] =	ssyncset.done $0x0  }
0x18e: {  	[sflag:s13] =	ssyncadd.s32 $0xFFFFC000  }
0x18f: {  	[tilespmem:s17], [sflag:$0x2] =	stream.indirect.gather [hbm4b:s2+s15], $0x80, s22, s15, $0xb8;
	[tilespmem:$0x1C8C0] =	vst v63  }
0x190: {  	_ =	swait.ge [sflag:s18], $0x4000  }
0x191: {  	[sflag:s18] =	ssyncset.done $0x0  }
0x192: {  	[sflag:s18] =	ssyncadd.s32 $0xFFFFC000  }
0x193: {  	[spmem:s3] =	stream.indirect.scatter.add.f32 [tilespmem:s16], [sflag:$0x3], $0x80, s23, s15, $0xb8;
	[tilespmem:$0x1C8C0] =	vst v63  }
0x194: {  	_ =	swait.ge [sflag:s13], $0x4000  }
0x195: {  	[sflag:s13] =	ssyncset.done $0x0  }
0x196: {  	[sflag:s13] =	ssyncadd.s32 $0xFFFFC000  }
0x197: {  	[tilespmem:s16], [sflag:$0x1] =	stream.indirect.gather [hbm4b:s2+s15], $0x80, s24, s15, $0xb8;
	[tilespmem:$0x1C8C0] =	vst v63  }
0x198: {  	_ =	swait.ge [sflag:s19], $0x4000  }
0x199: {  	[sflag:s19] =	ssyncset.done $0x0  }
0x19a: {  	[sflag:s19] =	ssyncadd.s32 $0xFFFFC000  }
0x19b: {  	[spmem:s3] =	stream.indirect.scatter.add.f32 [tilespmem:s17], [sflag:$0x3], $0x80, s25, s15, $0xb8;
	[tilespmem:$0x1C8C0] =	vst v63  }
0x19c: {  	_ =	swait.ge [sflag:s13], $0x4000  }
0x19d: {  	[sflag:s13] =	ssyncset.done $0x0  }
0x19e: {  	[sflag:s13] =	ssyncadd.s32 $0xFFFFC000  }
0x19f: {  	[tilespmem:s17], [sflag:$0x2] =	stream.indirect.gather [hbm4b:s2+s15], $0x80, s26, s15, $0xb8;
	[tilespmem:$0x1C8C0] =	vst v63  }
0x1a0: {  	_ =	swait.ge [sflag:s18], $0x4000  }
0x1a1: {  	[sflag:s18] =	ssyncset.done $0x0  }
0x1a2: {  	[sflag:s18] =	ssyncadd.s32 $0xFFFFC000  }
0x1a3: {  	[spmem:s3] =	stream.indirect.scatter.add.f32 [tilespmem:s16], [sflag:$0x3], $0x80, s28, s15, $0xb8;
	[tilespmem:$0x1C8C0] =	vst v63  }
0x1a4: {  	_ =	swait.ge [sflag:s13], $0x4000  }
0x1a5: {  	[sflag:s13] =	ssyncset.done $0x0  }
0x1a6: {  	[sflag:s13] =	ssyncadd.s32 $0xFFFFC000  }
0x1a7: {  	[tilespmem:s16], [sflag:$0x1] =	stream.indirect.gather [hbm4b:s2+s15], $0x80, s29, s15, $0xb8;
	[tilespmem:$0x1C8C0] =	vst v63  }
0x1a8: {  	_ =	swait.ge [sflag:s19], $0x4000  }
0x1a9: {  	[sflag:s19] =	ssyncset.done $0x0  }
0x1aa: {  	[sflag:s19] =	ssyncadd.s32 $0xFFFFC000  }
0x1ab: {  	[spmem:s3] =	stream.indirect.scatter.add.f32 [tilespmem:s17], [sflag:$0x3], $0x80, s30, s15, $0xb8;
	[tilespmem:$0x1C8C0] =	vst v63  }
0x1ac: {  	_ =	swait.ge [sflag:s13], $0x4000  }
0x1ad: {  	[sflag:s13] =	ssyncset.done $0x0  }
0x1ae: {  	[sflag:s13] =	ssyncadd.s32 $0xFFFFC000  }
0x1af: {  	[tilespmem:s17], [sflag:$0x2] =	stream.indirect.gather [hbm4b:s2+s15], $0x80, s31, s15, $0xb8;
	[tilespmem:$0x1C8C0] =	vst v63  }
0x1b0: {  	_ =	swait.ge [sflag:s18], $0x4000  }
0x1b1: {  	[sflag:s18] =	ssyncset.done $0x0  }
0x1b2: {  	[sflag:s18] =	ssyncadd.s32 $0xFFFFC000  }
0x1b3: {  	[spmem:s3] =	stream.indirect.scatter.add.f32 [tilespmem:s16], [sflag:$0x3], $0x80, s0, s15, $0xb8;
	[tilespmem:$0x1C8C0] =	vst v63  }
0x1b4: {  	_ =	swait.ge [sflag:s13], $0x4000  }
0x1b5: {  	[sflag:s13] =	ssyncset.done $0x0  }
0x1b6: {  	[sflag:s13] =	ssyncadd.s32 $0xFFFFC000  }
0x1b7: {  	[tilespmem:s16], [sflag:$0x1] =	stream.indirect.gather [hbm4b:s2+s15], $0x80, s1, s15, $0xb8;
	[tilespmem:$0x1C8C0] =	vst v63  }
0x1b8: {  	_ =	swait.ge [sflag:s19], $0x4000  }
0x1b9: {  	[sflag:s19] =	ssyncset.done $0x0  }
0x1ba: {  	[sflag:s19] =	ssyncadd.s32 $0xFFFFC000  }
0x1bb: {  	[spmem:s3] =	stream.indirect.scatter.add.f32 [tilespmem:s17], [sflag:$0x3], $0x80, s5, s15, $0xb8;
	[tilespmem:$0x1C8C0] =	vst v63  }
0x1bc: {  	_ =	swait.ge [sflag:s13], $0x4000  }
0x1bd: {  	[sflag:s13] =	ssyncset.done $0x0  }
0x1be: {  	[sflag:s13] =	ssyncadd.s32 $0xFFFFC000  }
0x1bf: {  	[tilespmem:s17], [sflag:$0x2] =	stream.indirect.gather [hbm4b:s2+s15], $0x80, s6, s15, $0xb8;
	[tilespmem:$0x1C8C0] =	vst v63  }
0x1c0: {  	_ =	swait.ge [sflag:s18], $0x4000  }
0x1c1: {  	[sflag:s18] =	ssyncset.done $0x0  }
0x1c2: {  	[sflag:s18] =	ssyncadd.s32 $0xFFFFC000  }
0x1c3: {  	[spmem:s3] =	stream.indirect.scatter.add.f32 [tilespmem:s16], [sflag:$0x3], $0x80, s7, s15, $0xb8;
	[tilespmem:$0x1C8C0] =	vst v63  }
0x1c4: {  	_ =	swait.ge [sflag:s13], $0x4000  }
0x1c5: {  	[sflag:s13] =	ssyncset.done $0x0  }
0x1c6: {  	[sflag:s13] =	ssyncadd.s32 $0xFFFFC000  }
0x1c7: {  	_ =	swait.ge [sflag:s19], $0x4000  }
0x1c8: {  	[sflag:s19] =	ssyncset.done $0x0  }
0x1c9: {  	[sflag:s19] =	ssyncadd.s32 $0xFFFFC000  }
0x1ca: {  	[spmem:s3] =	stream.indirect.scatter.add.f32 [tilespmem:s17], [sflag:$0x3], $0x80, s8, s15, $0xb8;
	[tilespmem:$0x1C8C0] =	vst v63  }
0x1cb: {  	_ =	swait.ge [sflag:s13], $0x4000  }
0x1cc: {  	[sflag:s13] =	ssyncset.done $0x0  }
0x1cd: {  	[sflag:s13] =	ssyncadd.s32 $0xFFFFC000  }
0x1ce: {  	[bflag:$0x0] =	sbarrier.arrive $0xFFFF  }
0x1cf: {  	s10 =	rddreg [dreg:$0x15]  }
0x1d0: {  	s9 =	simm.s32 @p0 $0x1FC3;
	s11 =	rddreg [dreg:$0x17]  }
0x1d1: {  	[hbm:s10], [sflag:s9] =	dma.local @p0 [spmem:s11], $0x2800  }
0x1d2: {  	s9 =	simm.s32 @p0 $0x3  }
0x1d3: {  	_ =	swait.ge @p0 [sflag:s9], $0x2800  }
0x1d4: {  	s12 =	rddreg [dreg:$0x18]  }
0x1d5: {  	[sflag:s9] =	ssyncset.done @p0 $0x0;
	s11 =	rddreg [dreg:$0x19]  }
0x1d6: {  	s10 =	simm.s32 @!p0 $0x3;
	[sflag:s9] =	ssyncadd.s32 @p0 $0xFFFFD800;
	s9 =	rddreg [dreg:$0x14]  }
0x1d7: {  	[hbm:s9], [sflag:s12] =	dma.local @!p0 [spmem:s11], $0x2700  }
0x1d8: {  	_ =	swait.ge @!p0 [sflag:s10], $0x2700  }
0x1d9: {  	s12 =	rddreg [dreg:$0x1a]  }
0x1da: {  	s9 =	sadd.s32 $0x1, s12;
	s12 =	rddreg [dreg:$0x16]  }
0x1db: {  	p1 =	sne.s32 s9, s12  }
.Ltmp1:
0x1dc: {  	_ = 	snop;
	(pc) =	sbr.rel @p1 .LBB2_1-.Ltmp1, $3  }
0x1dd: {  	_ =	sdelay $0x1  }
0x1de: {  	[sflag:s10] =	ssyncset.done @!p0 $0x0;
	[dreg:$0x1a] =	wrdreg s9;
	s9 =	simm.s32 @!p0 $0x3  }
0x1df: {  	[sflag:s9] =	ssyncadd.s32 @!p0 $0xFFFFD900  }
0x1e0: {  	_ =	sfence.sel $0x180000  }
0x1e1: {  	[bflag:$0x0] =	sbarrier.arrive $0xFFFF  }
0x1e2: {  	_ =	strace $0x9000004A  }
0x1e3: {  	s0 =	stileid.u32;
	[bflag:$0x2] =	sbarrier.arrive $0xFFFF  }
0x1e4: {  	p0 =	sne.s32 s0, $0x0;
	s0 =	rddreg [dreg:$0x3]  }
0x1e5: {  	s0 =	sadd.s32 @!p0 $0x100000, s0  }
0x1e6: {  	[sflag:s0] =	ssyncadd.tile.s32 @!p0 $0x1;
	_ =	shalt  }
.Lfunc_end2:
_tile_overlayer_lowered:
.L_overlay_start_2:
0x1e7: {  	(tag) =	ssettag $0x2  }
0x1e8: {  	s0 =	rddreg [dreg:$0x0];
	s2 =	stileid.u32  }
0x1e9: {  	s1 =	rddreg [dreg:$0x1];
	p0 =	sne.s32 s2, $0x0  }
0x1ea: {  	s3 =	rddreg [dreg:$0x2];
	[bflag:$0x3] =	sbarrier.arrive $0xFFFF;
	s2 =	simm.s32 @!p0 $0x1C03  }
0x1eb: {  	[timem:s3], [sflag:s2] =	dma.local @!p0 [hbm:s0], s1  }
0x1ec: {  	s0 =	simm.s32 @!p0 $0x3  }
0x1ed: {  	_ =	swait.ge @!p0 [sflag:s0], s1  }
0x1ee: {  	s1 =	ssub.s32 @!p0 $0x0, s1;
	[sflag:s0] =	ssyncset.done @!p0 $0x0  }
0x1ef: {  	[sflag:s0] =	ssyncadd.s32 @!p0 s1  }
0x1f0: {  	[bflag:$0x3] =	sbarrier.arrive $0xFFFF  }
0x1f1: {  	_ =	shalt  }

// kernel: kernel.15.cloned.1.call-start
scs
__scs_entry_jumppad:
0x0: {  	(pc) =	sbr.rel $0x88, $3  }
0x1: {  	(tag) =	ssettag $0x0;
	lr =	simm.s32 $0x1  }
0x2: {  	[smem:$0x3F9B] =	sst lr;
	_ =	strace $0xD0000000  }
0x3: {  	_ = 	snop  }
0x4: {  	_ = 	snop  }
0x5: {  	_ = 	snop  }
0x6: {  	_ = 	snop  }
0x7: {  	_ = 	snop  }
__scs_overlays_trampoline_lowered:
0x8: {  	[smem:$0x3FAA] =	sst s0  }
0x9: {  	[smem:$0x3FAB] =	sst s1  }
0xa: {  	[smem:$0x3FAC] =	sst s2  }
0xb: {  	[smem:$0x3FAD] =	sst s3  }
0xc: {  	[smem:$0x3FAE] =	sst s4  }
0xd: {  	[smem:$0x3FAF] =	sst s5  }
0xe: {  	[smem:$0x3FB0] =	sst s6  }
0xf: {  	[smem:$0x3FB1] =	sst s7  }
0x10: {  	[smem:$0x3FB2] =	sst s8  }
0x11: {  	[smem:$0x3FB3] =	sst s9;
	s0 =	simm.s32 @!p0 $0x0  }
0x12: {  	s1 =	sld [smem:$0x3F99];
	s0 =	simm.s32 @p0 $0x1  }
0x13: {  	[smem:$0x3FB4] =	sst s0;
	s0 =	simm.s32 @!p1 $0x0  }
0x14: {  	s2 =	sld [smem:$0x3F98];
	s0 =	simm.s32 @p1 $0x1  }
0x15: {  	[smem:$0x3FB5] =	sst s0;
	s0 =	simm.s32 @!p2 $0x0  }
0x16: {  	s3 =	sld [smem:$0x3FDB];
	s0 =	simm.s32 @p2 $0x1  }
0x17: {  	s4 =	simm.s32 $0x1BF5;
	[smem:$0x3FB7] =	sst s0  }
0x18: {  	s0 =	sld [smem:$0x3F9A];
	_ =	swait.ge [sflag:s4], $0x0  }
0x19: {  	s7 =	sld [smem:$0x3F9B]  }
0x1a: {  	s8 =	sadd.s32 $0xFFFFE003, lr  }
0x1b: {  	s9 =	sadd.s32 $0xFFFFFEF7, lr;
	s5 =	simm.s32 $0xFFFFFFFF;
	p2 =	slt.u32 s8, $0xFFFFF086  }
0x1c: {  	p1 =	slt.u32 s9, $0xF7A;
	s5 =	simm.s32 @!p2 $0x0  }
0x1d: {  	s5 =	simm.s32 @p1 $0x1;
	p0 =	seq.s32 s7, s2  }
0x1e: {  	s7 =	smul.u32 @!p0 $0xF7A, s2;
	p2 =	seq.s32 @!p0 s5, $0x0  }
0x1f: {  	s9 =	smul.u32 $0xF7A, s1;
	s8 =	simm.s32 @!p0 $0x1BF5;
	p2 =	por !p2, p0  }
0x20: {  	[sflag:s8] =	ssyncset.s32 @!p0 $0xFFFFF086;
	s6 =	sadd.s32 @!p0 s3, s7;
	s7 =	simm.s32 @!p0 $0x108  }
0x21: {  	s3 =	sadd.s32 s3, s9;
	s6 =	sadd.s32 @!p0 $0x88, s6;
	s7 =	simm.s32 @p2 $0x1082  }
0x22: {  	[simem:s7], [sflag:s8] =	dma.local @!p0 [hbm:s6], $0xF7A  }
0x23: {  	s9 =	sor.u32 $0xD0000000, s2;
	s6 =	simm.s32 $0x108;
	_ =	swait.ge @!p0 [sflag:s8], $0x0  }
0x24: {  	s3 =	sadd.s32 $0x88, s3;
	s6 =	simm.s32 @!p1 $0x1082;
	[sflag:s4] =	ssyncset.s32 $0xFFFFF086  }
0x25: {  	[simem:s6], [sflag:s4] =	dma.local [hbm:s3], $0xF7A  }
0x26: {  	[smem:$0x3F9B] =	sst s1;
	(tag) =	ssettag s2;
	_ =	strace s9  }
0x27: {  	s1 =	sld [smem:$0x3FAB]  }
0x28: {  	s2 =	sld [smem:$0x3FAC]  }
0x29: {  	s4 =	sld [smem:$0x3FAE]  }
0x2a: {  	p0 =	seq.s32 s5, $0x0;
	s5 =	sld [smem:$0x3FAF]  }
0x2b: {  	s6 =	sld [smem:$0x3FB0]  }
0x2c: {  	s7 =	sld [smem:$0x3FB1]  }
0x2d: {  	s3 =	simm.s32 $0x108;
	s8 =	sld [smem:$0x3FB2]  }
0x2e: {  	s3 =	simm.s32 @!p0 $0x1082;
	s9 =	sld [smem:$0x3FB3]  }
0x2f: {  	lr =	sadd.s32 s0, s3;
	s0 =	sld [smem:$0x3FAA]  }
0x30: {  	s3 =	sld [smem:$0x3FAD]  }
0x31: {  	[smem:$0x3FB6] =	sst s10  }
0x32: {  	s10 =	sld [smem:$0x3FB4];
	_ =	sdelay $0x3  }
0x33: {  	p0 =	seq.s32 s10, $0x1;
	s10 =	sld [smem:$0x3FB6];
	_ =	sdelay $0x3  }
0x34: {  	[smem:$0x3FB6] =	sst s10  }
0x35: {  	s10 =	sld [smem:$0x3FB5];
	_ =	sdelay $0x3  }
0x36: {  	p1 =	seq.s32 s10, $0x1;
	s10 =	sld [smem:$0x3FB6];
	_ =	sdelay $0x3  }
0x37: {  	[smem:$0x3FB6] =	sst s10  }
0x38: {  	s10 =	sld [smem:$0x3FB7]  }
0x39: {  	_ = 	snop;
	(pc) =	sbr.ind lr, $3  }
0x3a: {  	_ = 	snop  }
0x3b: {  	_ = 	snop  }
0x3c: {  	p2 =	seq.s32 s10, $0x1;
	s10 =	sld [smem:$0x3FB6]  }
0x3d: {  	_ =	shalt  }
0x3e: {  	_ =	shalt  }
0x3f: {  	_ =	shalt  }
0x40: {  	_ =	shalt  }
0x41: {  	_ =	shalt  }
0x42: {  	_ =	shalt  }
0x43: {  	_ =	shalt  }
0x44: {  	_ =	shalt  }
0x45: {  	_ =	shalt  }
0x46: {  	_ =	shalt  }
0x47: {  	_ =	shalt  }
0x48: {  	_ =	shalt  }
0x49: {  	_ =	shalt  }
0x4a: {  	_ =	shalt  }
0x4b: {  	_ =	shalt  }
0x4c: {  	_ =	shalt  }
0x4d: {  	_ =	shalt  }
0x4e: {  	_ =	shalt  }
0x4f: {  	_ =	shalt  }
0x50: {  	_ =	shalt  }
0x51: {  	_ =	shalt  }
0x52: {  	_ =	shalt  }
0x53: {  	_ =	shalt  }
0x54: {  	_ =	shalt  }
0x55: {  	_ =	shalt  }
0x56: {  	_ =	shalt  }
0x57: {  	_ =	shalt  }
0x58: {  	_ =	shalt  }
0x59: {  	_ =	shalt  }
0x5a: {  	_ =	shalt  }
0x5b: {  	_ =	shalt  }
0x5c: {  	_ =	shalt  }
0x5d: {  	_ =	shalt  }
0x5e: {  	_ =	shalt  }
0x5f: {  	_ =	shalt  }
0x60: {  	_ =	shalt  }
0x61: {  	_ =	shalt  }
0x62: {  	_ =	shalt  }
0x63: {  	_ =	shalt  }
0x64: {  	_ =	shalt  }
0x65: {  	_ =	shalt  }
0x66: {  	_ =	shalt  }
0x67: {  	_ =	shalt  }
0x68: {  	_ =	shalt  }
0x69: {  	_ =	shalt  }
0x6a: {  	_ =	shalt  }
0x6b: {  	_ =	shalt  }
0x6c: {  	_ =	shalt  }
0x6d: {  	_ =	shalt  }
0x6e: {  	_ =	shalt  }
0x6f: {  	_ =	shalt  }
0x70: {  	_ =	shalt  }
0x71: {  	_ =	shalt  }
0x72: {  	_ =	shalt  }
0x73: {  	_ =	shalt  }
0x74: {  	_ =	shalt  }
0x75: {  	_ =	shalt  }
0x76: {  	_ =	shalt  }
0x77: {  	_ =	shalt  }
0x78: {  	_ =	shalt  }
0x79: {  	_ =	shalt  }
0x7a: {  	_ =	shalt  }
0x7b: {  	_ =	shalt  }
0x7c: {  	_ =	shalt  }
0x7d: {  	_ =	shalt  }
0x7e: {  	_ =	shalt  }
0x7f: {  	_ =	shalt  }
0x80: {  	_ =	shalt  }
0x81: {  	_ =	shalt  }
0x82: {  	_ =	shalt  }
0x83: {  	_ =	shalt  }
0x84: {  	_ =	shalt  }
0x85: {  	_ =	shalt  }
0x86: {  	_ =	shalt  }
0x87: {  	_ =	shalt  }
.Lfunc_end0:
.L_simem_size_0:
called_computation.2_lowered:
.L_overlay_start_0:
0x88: {  	s2 =	sld [smem:$0x3FD9]  }
0x89: {  	s3 =	sld [smem:$0x3FFE];
	_ =	sdelay $0x1  }
0x8a: {  	s1 =	srdreg.scid  }
0x8b: {  	s0 =	sand.u32 $0x1, s1  }
0x8c: {  	s17 =	sshll.u32 s0, $0xA;
	s2 =	sadd.s32 s3, s2  }
0x8d: {  	s2 =	sadd.s32 s2, s17  }
0x8e: {  	[smem:$0x3FC2] =	sst s2  }
0x8f: {  	_ = 	snop  }
0x90: {  	s2 =	sld [smem:$0x3FD0];
	(tm) =	ssettm $0x1  }
0x91: {  	s18 =	sld [smem:$0x3FFB];
	_ =	sdelay $0x3  }
0x92: {  	_ =	strace s18  }
0x93: {  	s3 =	sld [smem:$0x3FFC];
	_ =	sdelay $0x3  }
0x94: {  	_ =	strace s3  }
0x95: {  	s3 =	sld [smem:$0x3FFD];
	_ =	sdelay $0x3  }
0x96: {  	_ =	strace s3  }
0x97: {  	_ =	strace $0x8FFFFFFF  }
0x98: {  	s19 =	sld [smem:$0x3FDB];
	_ =	sdelay $0x1  }
0x99: {  	s4 =	simm.s32 $_scs_section_size  }
0x9a: {  	s5 =	simm.s32 $_size__tile_overlayer_lowered;
	s6 =	simm.s32 $_tile_overlayer_lowered  }
0x9b: {  	s22 =	simm.s32 $0x1BFF;
	s21 =	sshll.u32 s6, $0x1;
	s3 =	sadd.s32 s4, s19  }
0x9c: {  	s7 =	simm.s32 $0x0;
	s20 =	sshll.u32 s5, $0x1;
	s5 =	sadd.s32 s21, s3  }
0x9d: {  	[timem:s7], [sflag:s22] =	dma.local [hbm:s5], s20  }
0x9e: {  	_ =	swait.ge [sflag:s22], s20  }
0x9f: {  	s4 =	ssub.s32 $0x0, s20;
	[sflag:s22] =	ssyncset.done $0x0  }
0xa0: {  	[sflag:s22] =	ssyncadd.s32 s4;
	_ =	sdelay $0x1  }
0xa1: {  	s23 =	simm.s32 $0x1B8B  }
0xa2: {  	_ =	swait.ge [sflag:s23], $0x1  }
0xa3: {  	[sflag:s23] =	ssyncset.done $0x0  }
0xa4: {  	s25 =	simm.s32 $0x1B8E;
	s24 =	sld [smem:$0x3FFE];
	[sflag:s23] =	ssyncadd.s32 $0xFFFFFFFF  }
0xa5: {  	s26 =	simm.s32 $execute0_lowered;
	[smem:$0x3FD2] =	sst s25  }
0xa6: {  	s5 =	sshll.u32 s26, $0x1;
	_ =	strace $0x8000004C;
	[dreg:$0x1] =	wrdreg $0xFFFFFFFF  }
0xa7: {  	s28 =	simm.s32 $_size_execute0_lowered;
	s3 =	sadd.s32 s3, s5;
	[dreg:$0x0] =	wrdreg $0x0  }
0xa8: {  	s5 =	sshll.u32 s28, $0x1;
	[dreg:$0x2] =	wrdreg s3  }
0xa9: {  	[dreg:$0x3] =	wrdreg s5  }
0xaa: {  	[dreg:$0x4] =	wrdreg $0xC0  }
0xab: {  	_ =	task [dreg:s7], $0x5FFFF  }
0xac: {  	[dreg:$0x1] =	wrdreg $0xFFFFFFFF  }
0xad: {  	[dreg:$0x0] =	wrdreg $0x60  }
0xae: {  	[dreg:$0x2] =	wrdreg s2  }
0xaf: {  	[dreg:$0x3] =	wrdreg s24  }
0xb0: {  	[dreg:$0x4] =	wrdreg $0x90000  }
0xb1: {  	[dreg:$0x5] =	wrdreg $0x9  }
0xb2: {  	_ =	task.clear_ibuf [dreg:s7], $0x6FFFF;
	_ =	strace $0x9000004C  }
0xb3: {  	s29 =	simm.s32 $0x9;
	_ =	strace $0x8000004E  }
0xb4: {  	_ =	swait.ge [sflag:s29], $0x1  }
0xb5: {  	[sflag:s29] =	ssyncadd.s32 $0xFFFFFFFF  }
0xb6: {  	_ =	strace $0x9000004E  }
0xb7: {  	_ =	sfence  }
0xb8: {  	s30 =	sld [smem:$0x0];
	_ =	sdelay $0x2  }
0xb9: {  	s31 =	sshll.u32 s1, $0xD;
	s1 =	sshrl.u32 s1, $0x2  }
0xba: {  	s3 =	sand.u32 $0x4000, s31;
	s1 =	sadd.s32 s1, s30  }
0xbb: {  	s0 =	sor.u32 s3, s0;
	s1 =	sshll.u32 s1, $0x11  }
0xbc: {  	s0 =	sor.u32 s1, s0  }
0xbd: {  	s0 =	sadd.s32 $0x8F2B, s0  }
0xbe: {  	[sflag:s0] =	ssyncadd.remote.s32 $0x1  }
0xbf: {  	_ =	sfence.sel $0xFFFF  }
0xc0: {  	[dreg:$0x0] =	wrdreg $0xFFFFFFFF;
	(pc) =	sbr.abs _section_cstart, $3  }
0xc1: {  	[dreg:$0x1] =	wrdreg $0xFFFFFFFF  }
0xc2: {  	_ =	task.clear_ibuf [dreg:s7], $0x2FFFF;
	_ =	strace $0x9FFFFFFF  }
0xc3: {  	(tm) =	ssettm $0x7FFFFFFF  }
tec
execute0_lowered:
.L_overlay_start_1:
0x0: {  	(tag) =	ssettag $0x1  }
0x1: {  	s2 =	rddreg [dreg:$0x0]  }
0x2: {  	s0 =	rddreg [dreg:$0x1]  }
0x3: {  	s3 =	rddreg [dreg:$0x2]  }
0x4: {  	s12 =	stileid.u32;
	s4 =	simm.s32 $0x0;
	s5 =	srdreg.scid  }
0x5: {  	s20 =	simm.s32 $0x100;
	s22 =	simm.s32 $0x880;
	s23 =	simm.s32 $0x180  }
0x6: {  	s24 =	simm.s32 $0x900;
	s25 =	simm.s32 $0x200;
	s26 =	simm.s32 $0x980  }
0x7: {  	s13 =	simm.s32 $0x3;
	s14 =	simm.s32 $0x800;
	s15 =	simm.s32 $0x80  }
0x8: {  	s16 =	simm.s32 $0x1000;
	s28 =	simm.s32 $0xD00;
	s29 =	simm.s32 $0x600  }
0x9: {  	s30 =	simm.s32 $0xD80;
	s1 =	smul.u32 $0x500, s12;
	[smem:$0x7FF] =	sst s4  }
0xa: {  	s6 =	smul.u32 $0x4E000, s12;
	_ =	strace $0x8000004D;
	[dreg:$0x6] =	wrdreg s20  }
0xb: {  	s5 =	sand.u32 $0x1, s5;
	s9 =	smul.u32 $0x2700, s12;
	[dreg:$0x7] =	wrdreg s22  }
0xc: {  	s31 =	simm.s32 $0x680;
	s7 =	smul.u32 $0x27100, s5;
	[dreg:$0x8] =	wrdreg s23  }
0xd: {  	p0 =	seq.s32 s12, $0xF;
	s11 =	smul.u32 $0x138800, s5;
	[dreg:$0x9] =	wrdreg s24  }
0xe: {  	s8 =	ssub.s32 $0x2, s5;
	s5 =	smul.u32 $0x5000, s5;
	[dreg:$0xa] =	wrdreg s25  }
0xf: {  	[dreg:$0xb] =	wrdreg s26;
	s20 =	simm.s32 $0x400;
	s22 =	simm.s32 $0x480  }
0x10: {  	s23 =	simm.s32 $0xC00;
	s24 =	simm.s32 $0x500;
	s25 =	simm.s32 $0xC80  }
0x11: {  	s1 =	sadd.s32 s1, s0;
	s0 =	sadd.s32 $0x7200, s0;
	s10 =	sshrl.u32 s8, $0x1  }
0x12: {  	s7 =	sadd.s32 s9, s7;
	s5 =	sadd.s32 s5, s1;
	s1 =	sadd.s32 $0x2200, s1  }
0x13: {  	s6 =	sshrl.u32 s6, $0x2;
	s18 =	sadd.s32 s2, s7;
	[dreg:$0x5] =	wrdreg s1  }
0x14: {  	s8 =	ssub.s32 s8, s10;
	s7 =	sadd.s32 s0, s7;
	[dreg:$0x12] =	wrdreg s18  }
0x15: {  	s6 =	sadd.s32 s6, s3;
	s5 =	sadd.s32 $0x7CE00, s5;
	[dreg:$0x14] =	wrdreg s7  }
0x16: {  	s10 =	sadd.s32 $0x124800, s3;
	s21 =	smax.u32 s8, $0x1;
	[dreg:$0x4] =	wrdreg s5  }
0x17: {  	s17 =	sshrl.u32 s11, $0x3;
	s1 =	sshrl.u32 @p0 s10, $0x3;
	[dreg:$0x16] =	wrdreg s21  }
0x18: {  	s11 =	sshrl.u32 @!p0 s6, $0x3;
	s6 =	simm.s32 $0x300;
	[dreg:$0x17] =	wrdreg s1  }
0x19: {  	s26 =	simm.s32 $0x580;
	s8 =	simm.s32 $0x380;
	[dreg:$0xe] =	wrdreg s6  }
0x1a: {  	s9 =	sadd.s32 $0x24900, s17;
	s10 =	simm.s32 $0x0;
	[dreg:$0x10] =	wrdreg s8  }
0x1b: {  	s17 =	simm.s32 $0x5000;
	s19 =	sadd.s32 s2, s9;
	[dreg:$0x1a] =	wrdreg s10  }
0x1c: {  	s0 =	sadd.s32 s0, s9;
	s1 =	sshll.u32 @!p0 s12, $0x6;
	[dreg:$0x19] =	wrdreg s11  }
0x1d: {  	s5 =	simm.s32 $0xA00;
	s7 =	simm.s32 $0xA80;
	[dreg:$0x13] =	wrdreg s19  }
0x1e: {  	s9 =	simm.s32 $0xB00;
	s18 =	simm.s32 $0x1;
	[dreg:$0x15] =	wrdreg s0  }
0x1f: {  	s21 =	simm.s32 $0xB80;
	s6 =	simm.s32 $0x780;
	[dreg:$0xd] =	wrdreg s5  }
0x20: {  	s8 =	simm.s32 $0xF80;
	s12 =	sor.u32 @!p0 $0x1C03, s1;
	[dreg:$0xf] =	wrdreg s7  }
0x21: {  	s1 =	simm.s32 $0x280;
	s19 =	simm.s32 $0x2;
	[dreg:$0x11] =	wrdreg s9  }
0x22: {  	s0 =	simm.s32 $0xE00;
	s5 =	simm.s32 $0xE80;
	[dreg:$0xc] =	wrdreg s1  }
0x23: {  	s7 =	simm.s32 $0xF00;
	s1 =	simm.s32 $0x700;
	[dreg:$0x18] =	wrdreg s12  }
.LBB2_1:
0x24: {  	s9 =	rddreg [dreg:$0x13]  }
0x25: {  	s10 =	simm.s32 @p0 $0x1FC3;
	s12 =	rddreg [dreg:$0x17]  }
0x26: {  	[spmem:s12], [sflag:s10] =	dma.local @p0 [hbm:s9], $0x2800  }
0x27: {  	s10 =	simm.s32 @p0 $0x3  }
0x28: {  	_ =	swait.ge @p0 [sflag:s10], $0x2800  }
0x29: {  	[sflag:s10] =	ssyncset.done @p0 $0x0;
	s9 =	rddreg [dreg:$0x12]  }
0x2a: {  	[sflag:s10] =	ssyncadd.s32 @p0 $0xFFFFD800;
	s10 =	rddreg [dreg:$0x18]  }
0x2b: {  	[spmem:s11], [sflag:s10] =	dma.local @!p0 [hbm:s9], $0x2700  }
0x2c: {  	s10 =	simm.s32 @!p0 $0x3  }
0x2d: {  	_ =	swait.ge @!p0 [sflag:s10], $0x2700  }
0x2e: {  	[sflag:s10] =	ssyncset.done @!p0 $0x0  }
0x2f: {  	[sflag:s10] =	ssyncadd.s32 @!p0 $0xFFFFD900  }
0x30: {  	[bflag:$0x0] =	sbarrier.arrive $0xFFFF  }
0x31: {  	s11 =	rddreg [dreg:$0x4]  }
0x32: {  	s10 =	sadd.s32 $0x0, s11  }
0x33: {  	[tilespmem:s4], [sflag:$0x3] =	stream.linear.gather [hbm4b:s10+s4], $0x800, $0x38;
	[tilespmem:$0x1C8C0] =	vst v63  }
0x34: {  	_ =	swait.ge [sflag:s13], $0x800  }
0x35: {  	s12 =	rddreg [dreg:$0x5];
	[sflag:s13] =	ssyncset.done $0x0  }
0x36: {  	[sflag:s13] =	ssyncadd.s32 $0xFFFFF800;
	s10 =	sadd.s32 $0x0, s12  }
0x37: {  	[tilespmem:s14], [sflag:$0x3] =	stream.linear.gather [hbm4b:s10+s4], $0x800, $0x38;
	[tilespmem:$0x1C8C0] =	vst v63  }
0x38: {  	_ =	swait.ge [sflag:s13], $0x800  }
0x39: {  	[sflag:s13] =	ssyncset.done $0x0  }
0x3a: {  	[sflag:s13] =	ssyncadd.s32 $0xFFFFF800  }
0x3b: {  	[tilespmem:s16], [sflag:$0x1] =	stream.indirect.gather [hbm4b:s2+s15], $0x80, s4, s15, $0xb8;
	[tilespmem:$0x1C8C0] =	vst v63  }
0x3c: {  	_ = 	snop  }
0x3d: {  	[tilespmem:s17], [sflag:$0x2] =	stream.indirect.gather [hbm4b:s2+s15], $0x80, s15, s15, $0xb8;
	[tilespmem:$0x1C8C0] =	vst v63  }
0x3e: {  	_ =	swait.ge [sflag:s18], $0x4000  }
0x3f: {  	[sflag:s18] =	ssyncset.done $0x0  }
0x40: {  	[sflag:s18] =	ssyncadd.s32 $0xFFFFC000  }
0x41: {  	[spmem:s3] =	stream.indirect.scatter.add.f32 [tilespmem:s16], [sflag:$0x3], $0x80, s14, s15, $0xb8;
	[tilespmem:$0x1C8C0] =	vst v63  }
0x42: {  	_ =	swait.ge [sflag:s13], $0x4000  }
0x43: {  	[sflag:s13] =	ssyncset.done $0x0  }
0x44: {  	s9 =	rddreg [dreg:$0x6];
	[sflag:s13] =	ssyncadd.s32 $0xFFFFC000  }
0x45: {  	[tilespmem:s16], [sflag:$0x1] =	stream.indirect.gather [hbm4b:s2+s15], $0x80, s9, s15, $0xb8;
	[tilespmem:$0x1C8C0] =	vst v63  }
0x46: {  	_ =	swait.ge [sflag:s19], $0x4000  }
0x47: {  	[sflag:s19] =	ssyncset.done $0x0  }
0x48: {  	s11 =	rddreg [dreg:$0x7];
	[sflag:s19] =	ssyncadd.s32 $0xFFFFC000  }
0x49: {  	[spmem:s3] =	stream.indirect.scatter.add.f32 [tilespmem:s17], [sflag:$0x3], $0x80, s11, s15, $0xb8;
	[tilespmem:$0x1C8C0] =	vst v63  }
0x4a: {  	_ =	swait.ge [sflag:s13], $0x4000  }
0x4b: {  	[sflag:s13] =	ssyncset.done $0x0  }
0x4c: {  	s12 =	rddreg [dreg:$0x8];
	[sflag:s13] =	ssyncadd.s32 $0xFFFFC000  }
0x4d: {  	[tilespmem:s17], [sflag:$0x2] =	stream.indirect.gather [hbm4b:s2+s15], $0x80, s12, s15, $0xb8;
	[tilespmem:$0x1C8C0] =	vst v63  }
0x4e: {  	_ =	swait.ge [sflag:s18], $0x4000  }
0x4f: {  	[sflag:s18] =	ssyncset.done $0x0  }
0x50: {  	s9 =	rddreg [dreg:$0x9];
	[sflag:s18] =	ssyncadd.s32 $0xFFFFC000  }
0x51: {  	[spmem:s3] =	stream.indirect.scatter.add.f32 [tilespmem:s16], [sflag:$0x3], $0x80, s9, s15, $0xb8;
	[tilespmem:$0x1C8C0] =	vst v63  }
0x52: {  	_ =	swait.ge [sflag:s13], $0x4000  }
0x53: {  	[sflag:s13] =	ssyncset.done $0x0  }
0x54: {  	s11 =	rddreg [dreg:$0xa];
	[sflag:s13] =	ssyncadd.s32 $0xFFFFC000  }
0x55: {  	[tilespmem:s16], [sflag:$0x1] =	stream.indirect.gather [hbm4b:s2+s15], $0x80, s11, s15, $0xb8;
	[tilespmem:$0x1C8C0] =	vst v63  }
0x56: {  	_ =	swait.ge [sflag:s19], $0x4000  }
0x57: {  	[sflag:s19] =	ssyncset.done $0x0  }
0x58: {  	s12 =	rddreg [dreg:$0xb];
	[sflag:s19] =	ssyncadd.s32 $0xFFFFC000  }
0x59: {  	[spmem:s3] =	stream.indirect.scatter.add.f32 [tilespmem:s17], [sflag:$0x3], $0x80, s12, s15, $0xb8;
	[tilespmem:$0x1C8C0] =	vst v63  }
0x5a: {  	_ =	swait.ge [sflag:s13], $0x4000  }
0x5b: {  	[sflag:s13] =	ssyncset.done $0x0  }
0x5c: {  	s9 =	rddreg [dreg:$0xc];
	[sflag:s13] =	ssyncadd.s32 $0xFFFFC000  }
0x5d: {  	[tilespmem:s17], [sflag:$0x2] =	stream.indirect.gather [hbm4b:s2+s15], $0x80, s9, s15, $0xb8;
	[tilespmem:$0x1C8C0] =	vst v63  }
0x5e: {  	_ =	swait.ge [sflag:s18], $0x4000  }
0x5f: {  	[sflag:s18] =	ssyncset.done $0x0  }
0x60: {  	s11 =	rddreg [dreg:$0xd];
	[sflag:s18] =	ssyncadd.s32 $0xFFFFC000  }
0x61: {  	[spmem:s3] =	stream.indirect.scatter.add.f32 [tilespmem:s16], [sflag:$0x3], $0x80, s11, s15, $0xb8;
	[tilespmem:$0x1C8C0] =	vst v63  }
0x62: {  	_ =	swait.ge [sflag:s13], $0x4000  }
0x63: {  	[sflag:s13] =	ssyncset.done $0x0  }
0x64: {  	s12 =	rddreg [dreg:$0xe];
	[sflag:s13] =	ssyncadd.s32 $0xFFFFC000  }
0x65: {  	[tilespmem:s16], [sflag:$0x1] =	stream.indirect.gather [hbm4b:s2+s15], $0x80, s12, s15, $0xb8;
	[tilespmem:$0x1C8C0] =	vst v63  }
0x66: {  	_ =	swait.ge [sflag:s19], $0x4000  }
0x67: {  	[sflag:s19] =	ssyncset.done $0x0  }
0x68: {  	s9 =	rddreg [dreg:$0xf];
	[sflag:s19] =	ssyncadd.s32 $0xFFFFC000  }
0x69: {  	[spmem:s3] =	stream.indirect.scatter.add.f32 [tilespmem:s17], [sflag:$0x3], $0x80, s9, s15, $0xb8;
	[tilespmem:$0x1C8C0] =	vst v63  }
0x6a: {  	_ =	swait.ge [sflag:s13], $0x4000  }
0x6b: {  	[sflag:s13] =	ssyncset.done $0x0  }
0x6c: {  	s11 =	rddreg [dreg:$0x10];
	[sflag:s13] =	ssyncadd.s32 $0xFFFFC000  }
0x6d: {  	[tilespmem:s17], [sflag:$0x2] =	stream.indirect.gather [hbm4b:s2+s15], $0x80, s11, s15, $0xb8;
	[tilespmem:$0x1C8C0] =	vst v63  }
0x6e: {  	_ =	swait.ge [sflag:s18], $0x4000  }
0x6f: {  	[sflag:s18] =	ssyncset.done $0x0  }
0x70: {  	s12 =	rddreg [dreg:$0x11];
	[sflag:s18] =	ssyncadd.s32 $0xFFFFC000  }
0x71: {  	[spmem:s3] =	stream.indirect.scatter.add.f32 [tilespmem:s16], [sflag:$0x3], $0x80, s12, s15, $0xb8;
	[tilespmem:$0x1C8C0] =	vst v63  }
0x72: {  	_ =	swait.ge [sflag:s13], $0x4000  }
0x73: {  	[sflag:s13] =	ssyncset.done $0x0  }
0x74: {  	[sflag:s13] =	ssyncadd.s32 $0xFFFFC000  }
0x75: {  	[tilespmem:s16], [sflag:$0x1] =	stream.indirect.gather [hbm4b:s2+s15], $0x80, s20, s15, $0xb8;
	[tilespmem:$0x1C8C0] =	vst v63  }
0x76: {  	_ =	swait.ge [sflag:s19], $0x4000  }
0x77: {  	[sflag:s19] =	ssyncset.done $0x0  }
0x78: {  	[sflag:s19] =	ssyncadd.s32 $0xFFFFC000  }
0x79: {  	[spmem:s3] =	stream.indirect.scatter.add.f32 [tilespmem:s17], [sflag:$0x3], $0x80, s21, s15, $0xb8;
	[tilespmem:$0x1C8C0] =	vst v63  }
0x7a: {  	_ =	swait.ge [sflag:s13], $0x4000  }
0x7b: {  	[sflag:s13] =	ssyncset.done $0x0  }
0x7c: {  	[sflag:s13] =	ssyncadd.s32 $0xFFFFC000  }
0x7d: {  	[tilespmem:s17], [sflag:$0x2] =	stream.indirect.gather [hbm4b:s2+s15], $0x80, s22, s15, $0xb8;
	[tilespmem:$0x1C8C0] =	vst v63  }
0x7e: {  	_ =	swait.ge [sflag:s18], $0x4000  }
0x7f: {  	[sflag:s18] =	ssyncset.done $0x0  }
0x80: {  	[sflag:s18] =	ssyncadd.s32 $0xFFFFC000  }
0x81: {  	[spmem:s3] =	stream.indirect.scatter.add.f32 [tilespmem:s16], [sflag:$0x3], $0x80, s23, s15, $0xb8;
	[tilespmem:$0x1C8C0] =	vst v63  }
0x82: {  	_ =	swait.ge [sflag:s13], $0x4000  }
0x83: {  	[sflag:s13] =	ssyncset.done $0x0  }
0x84: {  	[sflag:s13] =	ssyncadd.s32 $0xFFFFC000  }
0x85: {  	[tilespmem:s16], [sflag:$0x1] =	stream.indirect.gather [hbm4b:s2+s15], $0x80, s24, s15, $0xb8;
	[tilespmem:$0x1C8C0] =	vst v63  }
0x86: {  	_ =	swait.ge [sflag:s19], $0x4000  }
0x87: {  	[sflag:s19] =	ssyncset.done $0x0  }
0x88: {  	[sflag:s19] =	ssyncadd.s32 $0xFFFFC000  }
0x89: {  	[spmem:s3] =	stream.indirect.scatter.add.f32 [tilespmem:s17], [sflag:$0x3], $0x80, s25, s15, $0xb8;
	[tilespmem:$0x1C8C0] =	vst v63  }
0x8a: {  	_ =	swait.ge [sflag:s13], $0x4000  }
0x8b: {  	[sflag:s13] =	ssyncset.done $0x0  }
0x8c: {  	[sflag:s13] =	ssyncadd.s32 $0xFFFFC000  }
0x8d: {  	[tilespmem:s17], [sflag:$0x2] =	stream.indirect.gather [hbm4b:s2+s15], $0x80, s26, s15, $0xb8;
	[tilespmem:$0x1C8C0] =	vst v63  }
0x8e: {  	_ =	swait.ge [sflag:s18], $0x4000  }
0x8f: {  	[sflag:s18] =	ssyncset.done $0x0  }
0x90: {  	[sflag:s18] =	ssyncadd.s32 $0xFFFFC000  }
0x91: {  	[spmem:s3] =	stream.indirect.scatter.add.f32 [tilespmem:s16], [sflag:$0x3], $0x80, s28, s15, $0xb8;
	[tilespmem:$0x1C8C0] =	vst v63  }
0x92: {  	_ =	swait.ge [sflag:s13], $0x4000  }
0x93: {  	[sflag:s13] =	ssyncset.done $0x0  }
0x94: {  	[sflag:s13] =	ssyncadd.s32 $0xFFFFC000  }
0x95: {  	[tilespmem:s16], [sflag:$0x1] =	stream.indirect.gather [hbm4b:s2+s15], $0x80, s29, s15, $0xb8;
	[tilespmem:$0x1C8C0] =	vst v63  }
0x96: {  	_ =	swait.ge [sflag:s19], $0x4000  }
0x97: {  	[sflag:s19] =	ssyncset.done $0x0  }
0x98: {  	[sflag:s19] =	ssyncadd.s32 $0xFFFFC000  }
0x99: {  	[spmem:s3] =	stream.indirect.scatter.add.f32 [tilespmem:s17], [sflag:$0x3], $0x80, s30, s15, $0xb8;
	[tilespmem:$0x1C8C0] =	vst v63  }
0x9a: {  	_ =	swait.ge [sflag:s13], $0x4000  }
0x9b: {  	[sflag:s13] =	ssyncset.done $0x0  }
0x9c: {  	[sflag:s13] =	ssyncadd.s32 $0xFFFFC000  }
0x9d: {  	[tilespmem:s17], [sflag:$0x2] =	stream.indirect.gather [hbm4b:s2+s15], $0x80, s31, s15, $0xb8;
	[tilespmem:$0x1C8C0] =	vst v63  }
0x9e: {  	_ =	swait.ge [sflag:s18], $0x4000  }
0x9f: {  	[sflag:s18] =	ssyncset.done $0x0  }
0xa0: {  	[sflag:s18] =	ssyncadd.s32 $0xFFFFC000  }
0xa1: {  	[spmem:s3] =	stream.indirect.scatter.add.f32 [tilespmem:s16], [sflag:$0x3], $0x80, s0, s15, $0xb8;
	[tilespmem:$0x1C8C0] =	vst v63  }
0xa2: {  	_ =	swait.ge [sflag:s13], $0x4000  }
0xa3: {  	[sflag:s13] =	ssyncset.done $0x0  }
0xa4: {  	[sflag:s13] =	ssyncadd.s32 $0xFFFFC000  }
0xa5: {  	[tilespmem:s16], [sflag:$0x1] =	stream.indirect.gather [hbm4b:s2+s15], $0x80, s1, s15, $0xb8;
	[tilespmem:$0x1C8C0] =	vst v63  }
0xa6: {  	_ =	swait.ge [sflag:s19], $0x4000  }
0xa7: {  	[sflag:s19] =	ssyncset.done $0x0  }
0xa8: {  	[sflag:s19] =	ssyncadd.s32 $0xFFFFC000  }
0xa9: {  	[spmem:s3] =	stream.indirect.scatter.add.f32 [tilespmem:s17], [sflag:$0x3], $0x80, s5, s15, $0xb8;
	[tilespmem:$0x1C8C0] =	vst v63  }
0xaa: {  	_ =	swait.ge [sflag:s13], $0x4000  }
0xab: {  	[sflag:s13] =	ssyncset.done $0x0  }
0xac: {  	[sflag:s13] =	ssyncadd.s32 $0xFFFFC000  }
0xad: {  	[tilespmem:s17], [sflag:$0x2] =	stream.indirect.gather [hbm4b:s2+s15], $0x80, s6, s15, $0xb8;
	[tilespmem:$0x1C8C0] =	vst v63  }
0xae: {  	_ =	swait.ge [sflag:s18], $0x4000  }
0xaf: {  	[sflag:s18] =	ssyncset.done $0x0  }
0xb0: {  	[sflag:s18] =	ssyncadd.s32 $0xFFFFC000  }
0xb1: {  	[spmem:s3] =	stream.indirect.scatter.add.f32 [tilespmem:s16], [sflag:$0x3], $0x80, s7, s15, $0xb8;
	[tilespmem:$0x1C8C0] =	vst v63  }
0xb2: {  	_ =	swait.ge [sflag:s13], $0x4000  }
0xb3: {  	[sflag:s13] =	ssyncset.done $0x0  }
0xb4: {  	[sflag:s13] =	ssyncadd.s32 $0xFFFFC000  }
0xb5: {  	_ =	swait.ge [sflag:s19], $0x4000  }
0xb6: {  	[sflag:s19] =	ssyncset.done $0x0  }
0xb7: {  	[sflag:s19] =	ssyncadd.s32 $0xFFFFC000  }
0xb8: {  	[spmem:s3] =	stream.indirect.scatter.add.f32 [tilespmem:s17], [sflag:$0x3], $0x80, s8, s15, $0xb8;
	[tilespmem:$0x1C8C0] =	vst v63  }
0xb9: {  	s10 =	simm.s32 $0x100;
	_ =	swait.ge [sflag:s13], $0x4000  }
0xba: {  	s11 =	simm.s32 $0x200;
	s12 =	rddreg [dreg:$0x4];
	[sflag:s13] =	ssyncset.done $0x0  }
.LBB2_2:
0xbb: {  	[sflag:s13] =	ssyncadd.s32 $0xFFFFC000;
	s12 =	sadd.s32 s10, s12  }
0xbc: {  	[tilespmem:s4], [sflag:$0x3] =	stream.linear.gather [hbm4b:s12+s4], $0x800, $0x38;
	[tilespmem:$0x1C8C0] =	vst v63  }
0xbd: {  	_ =	swait.ge [sflag:s13], $0x800  }
0xbe: {  	s12 =	rddreg [dreg:$0x5];
	[sflag:s13] =	ssyncset.done $0x0  }
0xbf: {  	[sflag:s13] =	ssyncadd.s32 $0xFFFFF800;
	s12 =	sadd.s32 s10, s12  }
0xc0: {  	[tilespmem:s14], [sflag:$0x3] =	stream.linear.gather [hbm4b:s12+s4], $0x800, $0x38;
	[tilespmem:$0x1C8C0] =	vst v63  }
0xc1: {  	_ =	swait.ge [sflag:s13], $0x800  }
0xc2: {  	[sflag:s13] =	ssyncset.done $0x0  }
0xc3: {  	[sflag:s13] =	ssyncadd.s32 $0xFFFFF800  }
0xc4: {  	[tilespmem:s16], [sflag:$0x1] =	stream.indirect.gather [hbm4b:s2+s15], $0x80, s4, s15, $0xb8;
	[tilespmem:$0x1C8C0] =	vst v63  }
0xc5: {  	_ = 	snop  }
0xc6: {  	[tilespmem:s17], [sflag:$0x2] =	stream.indirect.gather [hbm4b:s2+s15], $0x80, s15, s15, $0xb8;
	[tilespmem:$0x1C8C0] =	vst v63  }
0xc7: {  	_ =	swait.ge [sflag:s18], $0x4000  }
0xc8: {  	[sflag:s18] =	ssyncset.done $0x0  }
0xc9: {  	[sflag:s18] =	ssyncadd.s32 $0xFFFFC000  }
0xca: {  	[spmem:s3] =	stream.indirect.scatter.add.f32 [tilespmem:s16], [sflag:$0x3], $0x80, s14, s15, $0xb8;
	[tilespmem:$0x1C8C0] =	vst v63  }
0xcb: {  	_ =	swait.ge [sflag:s13], $0x4000  }
0xcc: {  	[sflag:s13] =	ssyncset.done $0x0  }
0xcd: {  	s12 =	rddreg [dreg:$0x6];
	[sflag:s13] =	ssyncadd.s32 $0xFFFFC000  }
0xce: {  	[tilespmem:s16], [sflag:$0x1] =	stream.indirect.gather [hbm4b:s2+s15], $0x80, s12, s15, $0xb8;
	[tilespmem:$0x1C8C0] =	vst v63  }
0xcf: {  	_ =	swait.ge [sflag:s19], $0x4000  }
0xd0: {  	[sflag:s19] =	ssyncset.done $0x0  }
0xd1: {  	s12 =	rddreg [dreg:$0x7];
	[sflag:s19] =	ssyncadd.s32 $0xFFFFC000  }
0xd2: {  	[spmem:s3] =	stream.indirect.scatter.add.f32 [tilespmem:s17], [sflag:$0x3], $0x80, s12, s15, $0xb8;
	[tilespmem:$0x1C8C0] =	vst v63  }
0xd3: {  	_ =	swait.ge [sflag:s13], $0x4000  }
0xd4: {  	[sflag:s13] =	ssyncset.done $0x0  }
0xd5: {  	s12 =	rddreg [dreg:$0x8];
	[sflag:s13] =	ssyncadd.s32 $0xFFFFC000  }
0xd6: {  	[tilespmem:s17], [sflag:$0x2] =	stream.indirect.gather [hbm4b:s2+s15], $0x80, s12, s15, $0xb8;
	[tilespmem:$0x1C8C0] =	vst v63  }
0xd7: {  	_ =	swait.ge [sflag:s18], $0x4000  }
0xd8: {  	[sflag:s18] =	ssyncset.done $0x0  }
0xd9: {  	s12 =	rddreg [dreg:$0x9];
	[sflag:s18] =	ssyncadd.s32 $0xFFFFC000  }
0xda: {  	[spmem:s3] =	stream.indirect.scatter.add.f32 [tilespmem:s16], [sflag:$0x3], $0x80, s12, s15, $0xb8;
	[tilespmem:$0x1C8C0] =	vst v63  }
0xdb: {  	_ =	swait.ge [sflag:s13], $0x4000  }
0xdc: {  	[sflag:s13] =	ssyncset.done $0x0  }
0xdd: {  	s12 =	rddreg [dreg:$0xa];
	[sflag:s13] =	ssyncadd.s32 $0xFFFFC000  }
0xde: {  	[tilespmem:s16], [sflag:$0x1] =	stream.indirect.gather [hbm4b:s2+s15], $0x80, s12, s15, $0xb8;
	[tilespmem:$0x1C8C0] =	vst v63  }
0xdf: {  	_ =	swait.ge [sflag:s19], $0x4000  }
0xe0: {  	[sflag:s19] =	ssyncset.done $0x0  }
0xe1: {  	s12 =	rddreg [dreg:$0xb];
	[sflag:s19] =	ssyncadd.s32 $0xFFFFC000  }
0xe2: {  	[spmem:s3] =	stream.indirect.scatter.add.f32 [tilespmem:s17], [sflag:$0x3], $0x80, s12, s15, $0xb8;
	[tilespmem:$0x1C8C0] =	vst v63  }
0xe3: {  	_ =	swait.ge [sflag:s13], $0x4000  }
0xe4: {  	[sflag:s13] =	ssyncset.done $0x0  }
0xe5: {  	s12 =	rddreg [dreg:$0xc];
	[sflag:s13] =	ssyncadd.s32 $0xFFFFC000  }
0xe6: {  	[tilespmem:s17], [sflag:$0x2] =	stream.indirect.gather [hbm4b:s2+s15], $0x80, s12, s15, $0xb8;
	[tilespmem:$0x1C8C0] =	vst v63  }
0xe7: {  	_ =	swait.ge [sflag:s18], $0x4000  }
0xe8: {  	[sflag:s18] =	ssyncset.done $0x0  }
0xe9: {  	s12 =	rddreg [dreg:$0xd];
	[sflag:s18] =	ssyncadd.s32 $0xFFFFC000  }
0xea: {  	[spmem:s3] =	stream.indirect.scatter.add.f32 [tilespmem:s16], [sflag:$0x3], $0x80, s12, s15, $0xb8;
	[tilespmem:$0x1C8C0] =	vst v63  }
0xeb: {  	_ =	swait.ge [sflag:s13], $0x4000  }
0xec: {  	[sflag:s13] =	ssyncset.done $0x0  }
0xed: {  	s12 =	rddreg [dreg:$0xe];
	[sflag:s13] =	ssyncadd.s32 $0xFFFFC000  }
0xee: {  	[tilespmem:s16], [sflag:$0x1] =	stream.indirect.gather [hbm4b:s2+s15], $0x80, s12, s15, $0xb8;
	[tilespmem:$0x1C8C0] =	vst v63  }
0xef: {  	_ =	swait.ge [sflag:s19], $0x4000  }
0xf0: {  	[sflag:s19] =	ssyncset.done $0x0  }
0xf1: {  	s12 =	rddreg [dreg:$0xf];
	[sflag:s19] =	ssyncadd.s32 $0xFFFFC000  }
0xf2: {  	[spmem:s3] =	stream.indirect.scatter.add.f32 [tilespmem:s17], [sflag:$0x3], $0x80, s12, s15, $0xb8;
	[tilespmem:$0x1C8C0] =	vst v63  }
0xf3: {  	_ =	swait.ge [sflag:s13], $0x4000  }
0xf4: {  	[sflag:s13] =	ssyncset.done $0x0  }
0xf5: {  	s12 =	rddreg [dreg:$0x10];
	[sflag:s13] =	ssyncadd.s32 $0xFFFFC000  }
0xf6: {  	[tilespmem:s17], [sflag:$0x2] =	stream.indirect.gather [hbm4b:s2+s15], $0x80, s12, s15, $0xb8;
	[tilespmem:$0x1C8C0] =	vst v63  }
0xf7: {  	_ =	swait.ge [sflag:s18], $0x4000  }
0xf8: {  	[sflag:s18] =	ssyncset.done $0x0  }
0xf9: {  	s12 =	rddreg [dreg:$0x11];
	[sflag:s18] =	ssyncadd.s32 $0xFFFFC000  }
0xfa: {  	[spmem:s3] =	stream.indirect.scatter.add.f32 [tilespmem:s16], [sflag:$0x3], $0x80, s12, s15, $0xb8;
	[tilespmem:$0x1C8C0] =	vst v63  }
0xfb: {  	_ =	swait.ge [sflag:s13], $0x4000  }
0xfc: {  	[sflag:s13] =	ssyncset.done $0x0  }
0xfd: {  	[sflag:s13] =	ssyncadd.s32 $0xFFFFC000  }
0xfe: {  	[tilespmem:s16], [sflag:$0x1] =	stream.indirect.gather [hbm4b:s2+s15], $0x80, s20, s15, $0xb8;
	[tilespmem:$0x1C8C0] =	vst v63  }
0xff: {  	_ =	swait.ge [sflag:s19], $0x4000  }
0x100: {  	[sflag:s19] =	ssyncset.done $0x0  }
0x101: {  	[sflag:s19] =	ssyncadd.s32 $0xFFFFC000  }
0x102: {  	[spmem:s3] =	stream.indirect.scatter.add.f32 [tilespmem:s17], [sflag:$0x3], $0x80, s21, s15, $0xb8;
	[tilespmem:$0x1C8C0] =	vst v63  }
0x103: {  	_ =	swait.ge [sflag:s13], $0x4000  }
0x104: {  	[sflag:s13] =	ssyncset.done $0x0  }
0x105: {  	[sflag:s13] =	ssyncadd.s32 $0xFFFFC000  }
0x106: {  	[tilespmem:s17], [sflag:$0x2] =	stream.indirect.gather [hbm4b:s2+s15], $0x80, s22, s15, $0xb8;
	[tilespmem:$0x1C8C0] =	vst v63  }
0x107: {  	_ =	swait.ge [sflag:s18], $0x4000  }
0x108: {  	[sflag:s18] =	ssyncset.done $0x0  }
0x109: {  	[sflag:s18] =	ssyncadd.s32 $0xFFFFC000  }
0x10a: {  	[spmem:s3] =	stream.indirect.scatter.add.f32 [tilespmem:s16], [sflag:$0x3], $0x80, s23, s15, $0xb8;
	[tilespmem:$0x1C8C0] =	vst v63  }
0x10b: {  	_ =	swait.ge [sflag:s13], $0x4000  }
0x10c: {  	[sflag:s13] =	ssyncset.done $0x0  }
0x10d: {  	[sflag:s13] =	ssyncadd.s32 $0xFFFFC000  }
0x10e: {  	[tilespmem:s16], [sflag:$0x1] =	stream.indirect.gather [hbm4b:s2+s15], $0x80, s24, s15, $0xb8;
	[tilespmem:$0x1C8C0] =	vst v63  }
0x10f: {  	_ =	swait.ge [sflag:s19], $0x4000  }
0x110: {  	[sflag:s19] =	ssyncset.done $0x0  }
0x111: {  	[sflag:s19] =	ssyncadd.s32 $0xFFFFC000  }
0x112: {  	[spmem:s3] =	stream.indirect.scatter.add.f32 [tilespmem:s17], [sflag:$0x3], $0x80, s25, s15, $0xb8;
	[tilespmem:$0x1C8C0] =	vst v63  }
0x113: {  	_ =	swait.ge [sflag:s13], $0x4000  }
0x114: {  	[sflag:s13] =	ssyncset.done $0x0  }
0x115: {  	[sflag:s13] =	ssyncadd.s32 $0xFFFFC000  }
0x116: {  	[tilespmem:s17], [sflag:$0x2] =	stream.indirect.gather [hbm4b:s2+s15], $0x80, s26, s15, $0xb8;
	[tilespmem:$0x1C8C0] =	vst v63  }
0x117: {  	_ =	swait.ge [sflag:s18], $0x4000  }
0x118: {  	[sflag:s18] =	ssyncset.done $0x0  }
0x119: {  	[sflag:s18] =	ssyncadd.s32 $0xFFFFC000  }
0x11a: {  	[spmem:s3] =	stream.indirect.scatter.add.f32 [tilespmem:s16], [sflag:$0x3], $0x80, s28, s15, $0xb8;
	[tilespmem:$0x1C8C0] =	vst v63  }
0x11b: {  	_ =	swait.ge [sflag:s13], $0x4000  }
0x11c: {  	[sflag:s13] =	ssyncset.done $0x0  }
0x11d: {  	[sflag:s13] =	ssyncadd.s32 $0xFFFFC000  }
0x11e: {  	[tilespmem:s16], [sflag:$0x1] =	stream.indirect.gather [hbm4b:s2+s15], $0x80, s29, s15, $0xb8;
	[tilespmem:$0x1C8C0] =	vst v63  }
0x11f: {  	_ =	swait.ge [sflag:s19], $0x4000  }
0x120: {  	[sflag:s19] =	ssyncset.done $0x0  }
0x121: {  	[sflag:s19] =	ssyncadd.s32 $0xFFFFC000  }
0x122: {  	[spmem:s3] =	stream.indirect.scatter.add.f32 [tilespmem:s17], [sflag:$0x3], $0x80, s30, s15, $0xb8;
	[tilespmem:$0x1C8C0] =	vst v63  }
0x123: {  	_ =	swait.ge [sflag:s13], $0x4000  }
0x124: {  	[sflag:s13] =	ssyncset.done $0x0  }
0x125: {  	[sflag:s13] =	ssyncadd.s32 $0xFFFFC000  }
0x126: {  	[tilespmem:s17], [sflag:$0x2] =	stream.indirect.gather [hbm4b:s2+s15], $0x80, s31, s15, $0xb8;
	[tilespmem:$0x1C8C0] =	vst v63  }
0x127: {  	_ =	swait.ge [sflag:s18], $0x4000  }
0x128: {  	[sflag:s18] =	ssyncset.done $0x0  }
0x129: {  	[sflag:s18] =	ssyncadd.s32 $0xFFFFC000  }
0x12a: {  	[spmem:s3] =	stream.indirect.scatter.add.f32 [tilespmem:s16], [sflag:$0x3], $0x80, s0, s15, $0xb8;
	[tilespmem:$0x1C8C0] =	vst v63  }
0x12b: {  	_ =	swait.ge [sflag:s13], $0x4000  }
0x12c: {  	[sflag:s13] =	ssyncset.done $0x0  }
0x12d: {  	[sflag:s13] =	ssyncadd.s32 $0xFFFFC000  }
0x12e: {  	[tilespmem:s16], [sflag:$0x1] =	stream.indirect.gather [hbm4b:s2+s15], $0x80, s1, s15, $0xb8;
	[tilespmem:$0x1C8C0] =	vst v63  }
0x12f: {  	_ =	swait.ge [sflag:s19], $0x4000  }
0x130: {  	[sflag:s19] =	ssyncset.done $0x0  }
0x131: {  	[sflag:s19] =	ssyncadd.s32 $0xFFFFC000  }
0x132: {  	[spmem:s3] =	stream.indirect.scatter.add.f32 [tilespmem:s17], [sflag:$0x3], $0x80, s5, s15, $0xb8;
	[tilespmem:$0x1C8C0] =	vst v63  }
0x133: {  	_ =	swait.ge [sflag:s13], $0x4000  }
0x134: {  	[sflag:s13] =	ssyncset.done $0x0  }
0x135: {  	[sflag:s13] =	ssyncadd.s32 $0xFFFFC000  }
0x136: {  	[tilespmem:s17], [sflag:$0x2] =	stream.indirect.gather [hbm4b:s2+s15], $0x80, s6, s15, $0xb8;
	[tilespmem:$0x1C8C0] =	vst v63  }
0x137: {  	_ =	swait.ge [sflag:s18], $0x4000  }
0x138: {  	[sflag:s18] =	ssyncset.done $0x0  }
0x139: {  	[sflag:s18] =	ssyncadd.s32 $0xFFFFC000  }
0x13a: {  	[spmem:s3] =	stream.indirect.scatter.add.f32 [tilespmem:s16], [sflag:$0x3], $0x80, s7, s15, $0xb8;
	[tilespmem:$0x1C8C0] =	vst v63  }
0x13b: {  	_ =	swait.ge [sflag:s13], $0x4000  }
0x13c: {  	[sflag:s13] =	ssyncset.done $0x0  }
0x13d: {  	[sflag:s13] =	ssyncadd.s32 $0xFFFFC000  }
0x13e: {  	p1 =	sne.s32 s11, $0x400;
	_ =	swait.ge [sflag:s19], $0x4000  }
.Ltmp0:
0x13f: {  	[sflag:s19] =	ssyncset.done $0x0;
	(pc) =	sbr.rel @p1 .LBB2_2-.Ltmp0, $4  }
0x140: {  	[sflag:s19] =	ssyncadd.s32 $0xFFFFC000  }
0x141: {  	[spmem:s3] =	stream.indirect.scatter.add.f32 [tilespmem:s17], [sflag:$0x3], $0x80, s8, s15, $0xb8;
	[tilespmem:$0x1C8C0] =	vst v63  }
0x142: {  	s9 =	smov.u32 s11;
	s11 =	sadd.s32 $0x100, s11;
	_ =	swait.ge [sflag:s13], $0x4000  }
0x143: {  	s10 =	smov.u32 s9;
	s12 =	rddreg [dreg:$0x4];
	[sflag:s13] =	ssyncset.done $0x0  }
0x144: {  	[sflag:s13] =	ssyncadd.s32 $0xFFFFC000;
	s9 =	sadd.s32 s10, s12  }
0x145: {  	[tilespmem:s4], [sflag:$0x3] =	stream.linear.gather [hbm4b:s9+s4], $0x800, $0x38;
	[tilespmem:$0x1C8C0] =	vst v63  }
0x146: {  	_ =	swait.ge [sflag:s13], $0x800  }
0x147: {  	s11 =	rddreg [dreg:$0x5];
	[sflag:s13] =	ssyncset.done $0x0  }
0x148: {  	s9 =	sadd.s32 s10, s11;
	[sflag:s13] =	ssyncadd.s32 $0xFFFFF800  }
0x149: {  	[tilespmem:s14], [sflag:$0x3] =	stream.linear.gather [hbm4b:s9+s4], $0x800, $0x38;
	[tilespmem:$0x1C8C0] =	vst v63  }
0x14a: {  	_ =	swait.ge [sflag:s13], $0x800  }
0x14b: {  	[sflag:s13] =	ssyncset.done $0x0  }
0x14c: {  	[sflag:s13] =	ssyncadd.s32 $0xFFFFF800  }
0x14d: {  	[tilespmem:s16], [sflag:$0x1] =	stream.indirect.gather [hbm4b:s2+s15], $0x80, s4, s15, $0xb8;
	[tilespmem:$0x1C8C0] =	vst v63  }
0x14e: {  	_ = 	snop  }
0x14f: {  	[tilespmem:s17], [sflag:$0x2] =	stream.indirect.gather [hbm4b:s2+s15], $0x80, s15, s15, $0xb8;
	[tilespmem:$0x1C8C0] =	vst v63  }
0x150: {  	_ =	swait.ge [sflag:s18], $0x4000  }
0x151: {  	[sflag:s18] =	ssyncset.done $0x0  }
0x152: {  	[sflag:s18] =	ssyncadd.s32 $0xFFFFC000  }
0x153: {  	[spmem:s3] =	stream.indirect.scatter.add.f32 [tilespmem:s16], [sflag:$0x3], $0x80, s14, s15, $0xb8;
	[tilespmem:$0x1C8C0] =	vst v63  }
0x154: {  	_ =	swait.ge [sflag:s13], $0x4000  }
0x155: {  	[sflag:s13] =	ssyncset.done $0x0  }
0x156: {  	s12 =	rddreg [dreg:$0x6];
	[sflag:s13] =	ssyncadd.s32 $0xFFFFC000  }
0x157: {  	[tilespmem:s16], [sflag:$0x1] =	stream.indirect.gather [hbm4b:s2+s15], $0x80, s12, s15, $0xb8;
	[tilespmem:$0x1C8C0] =	vst v63  }
0x158: {  	_ =	swait.ge [sflag:s19], $0x4000  }
0x159: {  	[sflag:s19] =	ssyncset.done $0x0  }
0x15a: {  	s10 =	rddreg [dreg:$0x7];
	[sflag:s19] =	ssyncadd.s32 $0xFFFFC000  }
0x15b: {  	[spmem:s3] =	stream.indirect.scatter.add.f32 [tilespmem:s17], [sflag:$0x3], $0x80, s10, s15, $0xb8;
	[tilespmem:$0x1C8C0] =	vst v63  }
0x15c: {  	_ =	swait.ge [sflag:s13], $0x4000  }
0x15d: {  	[sflag:s13] =	ssyncset.done $0x0  }
0x15e: {  	s11 =	rddreg [dreg:$0x8];
	[sflag:s13] =	ssyncadd.s32 $0xFFFFC000  }
0x15f: {  	[tilespmem:s17], [sflag:$0x2] =	stream.indirect.gather [hbm4b:s2+s15], $0x80, s11, s15, $0xb8;
	[tilespmem:$0x1C8C0] =	vst v63  }
0x160: {  	_ =	swait.ge [sflag:s18], $0x4000  }
0x161: {  	[sflag:s18] =	ssyncset.done $0x0  }
0x162: {  	s12 =	rddreg [dreg:$0x9];
	[sflag:s18] =	ssyncadd.s32 $0xFFFFC000  }
0x163: {  	[spmem:s3] =	stream.indirect.scatter.add.f32 [tilespmem:s16], [sflag:$0x3], $0x80, s12, s15, $0xb8;
	[tilespmem:$0x1C8C0] =	vst v63  }
0x164: {  	_ =	swait.ge [sflag:s13], $0x4000  }
0x165: {  	[sflag:s13] =	ssyncset.done $0x0  }
0x166: {  	s10 =	rddreg [dreg:$0xa];
	[sflag:s13] =	ssyncadd.s32 $0xFFFFC000  }
0x167: {  	[tilespmem:s16], [sflag:$0x1] =	stream.indirect.gather [hbm4b:s2+s15], $0x80, s10, s15, $0xb8;
	[tilespmem:$0x1C8C0] =	vst v63  }
0x168: {  	_ =	swait.ge [sflag:s19], $0x4000  }
0x169: {  	[sflag:s19] =	ssyncset.done $0x0  }
0x16a: {  	s11 =	rddreg [dreg:$0xb];
	[sflag:s19] =	ssyncadd.s32 $0xFFFFC000  }
0x16b: {  	[spmem:s3] =	stream.indirect.scatter.add.f32 [tilespmem:s17], [sflag:$0x3], $0x80, s11, s15, $0xb8;
	[tilespmem:$0x1C8C0] =	vst v63  }
0x16c: {  	_ =	swait.ge [sflag:s13], $0x4000  }
0x16d: {  	[sflag:s13] =	ssyncset.done $0x0  }
0x16e: {  	s12 =	rddreg [dreg:$0xc];
	[sflag:s13] =	ssyncadd.s32 $0xFFFFC000  }
0x16f: {  	[tilespmem:s17], [sflag:$0x2] =	stream.indirect.gather [hbm4b:s2+s15], $0x80, s12, s15, $0xb8;
	[tilespmem:$0x1C8C0] =	vst v63  }
0x170: {  	_ =	swait.ge [sflag:s18], $0x4000  }
0x171: {  	[sflag:s18] =	ssyncset.done $0x0  }
0x172: {  	s10 =	rddreg [dreg:$0xd];
	[sflag:s18] =	ssyncadd.s32 $0xFFFFC000  }
0x173: {  	[spmem:s3] =	stream.indirect.scatter.add.f32 [tilespmem:s16], [sflag:$0x3], $0x80, s10, s15, $0xb8;
	[tilespmem:$0x1C8C0] =	vst v63  }
0x174: {  	_ =	swait.ge [sflag:s13], $0x4000  }
0x175: {  	[sflag:s13] =	ssyncset.done $0x0  }
0x176: {  	s11 =	rddreg [dreg:$0xe];
	[sflag:s13] =	ssyncadd.s32 $0xFFFFC000  }
0x177: {  	[tilespmem:s16], [sflag:$0x1] =	stream.indirect.gather [hbm4b:s2+s15], $0x80, s11, s15, $0xb8;
	[tilespmem:$0x1C8C0] =	vst v63  }
0x178: {  	_ =	swait.ge [sflag:s19], $0x4000  }
0x179: {  	[sflag:s19] =	ssyncset.done $0x0  }
0x17a: {  	s12 =	rddreg [dreg:$0xf];
	[sflag:s19] =	ssyncadd.s32 $0xFFFFC000  }
0x17b: {  	[spmem:s3] =	stream.indirect.scatter.add.f32 [tilespmem:s17], [sflag:$0x3], $0x80, s12, s15, $0xb8;
	[tilespmem:$0x1C8C0] =	vst v63  }
0x17c: {  	_ =	swait.ge [sflag:s13], $0x4000  }
0x17d: {  	[sflag:s13] =	ssyncset.done $0x0  }
0x17e: {  	s10 =	rddreg [dreg:$0x10];
	[sflag:s13] =	ssyncadd.s32 $0xFFFFC000  }
0x17f: {  	[tilespmem:s17], [sflag:$0x2] =	stream.indirect.gather [hbm4b:s2+s15], $0x80, s10, s15, $0xb8;
	[tilespmem:$0x1C8C0] =	vst v63  }
0x180: {  	_ =	swait.ge [sflag:s18], $0x4000  }
0x181: {  	[sflag:s18] =	ssyncset.done $0x0  }
0x182: {  	s11 =	rddreg [dreg:$0x11];
	[sflag:s18] =	ssyncadd.s32 $0xFFFFC000  }
0x183: {  	[spmem:s3] =	stream.indirect.scatter.add.f32 [tilespmem:s16], [sflag:$0x3], $0x80, s11, s15, $0xb8;
	[tilespmem:$0x1C8C0] =	vst v63  }
0x184: {  	_ =	swait.ge [sflag:s13], $0x4000  }
0x185: {  	[sflag:s13] =	ssyncset.done $0x0  }
0x186: {  	[sflag:s13] =	ssyncadd.s32 $0xFFFFC000  }
0x187: {  	[tilespmem:s16], [sflag:$0x1] =	stream.indirect.gather [hbm4b:s2+s15], $0x80, s20, s15, $0xb8;
	[tilespmem:$0x1C8C0] =	vst v63  }
0x188: {  	_ =	swait.ge [sflag:s19], $0x4000  }
0x189: {  	[sflag:s19] =	ssyncset.done $0x0  }
0x18a: {  	[sflag:s19] =	ssyncadd.s32 $0xFFFFC000  }
0x18b: {  	[spmem:s3] =	stream.indirect.scatter.add.f32 [tilespmem:s17], [sflag:$0x3], $0x80, s21, s15, $0xb8;
	[tilespmem:$0x1C8C0] =	vst v63  }
0x18c: {  	_ =	swait.ge [sflag:s13], $0x4000  }
0x18d: {  	[sflag:s13] =	ssyncset.done $0x0  }
0x18e: {  	[sflag:s13] =	ssyncadd.s32 $0xFFFFC000  }
0x18f: {  	[tilespmem:s17], [sflag:$0x2] =	stream.indirect.gather [hbm4b:s2+s15], $0x80, s22, s15, $0xb8;
	[tilespmem:$0x1C8C0] =	vst v63  }
0x190: {  	_ =	swait.ge [sflag:s18], $0x4000  }
0x191: {  	[sflag:s18] =	ssyncset.done $0x0  }
0x192: {  	[sflag:s18] =	ssyncadd.s32 $0xFFFFC000  }
0x193: {  	[spmem:s3] =	stream.indirect.scatter.add.f32 [tilespmem:s16], [sflag:$0x3], $0x80, s23, s15, $0xb8;
	[tilespmem:$0x1C8C0] =	vst v63  }
0x194: {  	_ =	swait.ge [sflag:s13], $0x4000  }
0x195: {  	[sflag:s13] =	ssyncset.done $0x0  }
0x196: {  	[sflag:s13] =	ssyncadd.s32 $0xFFFFC000  }
0x197: {  	[tilespmem:s16], [sflag:$0x1] =	stream.indirect.gather [hbm4b:s2+s15], $0x80, s24, s15, $0xb8;
	[tilespmem:$0x1C8C0] =	vst v63  }
0x198: {  	_ =	swait.ge [sflag:s19], $0x4000  }
0x199: {  	[sflag:s19] =	ssyncset.done $0x0  }
0x19a: {  	[sflag:s19] =	ssyncadd.s32 $0xFFFFC000  }
0x19b: {  	[spmem:s3] =	stream.indirect.scatter.add.f32 [tilespmem:s17], [sflag:$0x3], $0x80, s25, s15, $0xb8;
	[tilespmem:$0x1C8C0] =	vst v63  }
0x19c: {  	_ =	swait.ge [sflag:s13], $0x4000  }
0x19d: {  	[sflag:s13] =	ssyncset.done $0x0  }
0x19e: {  	[sflag:s13] =	ssyncadd.s32 $0xFFFFC000  }
0x19f: {  	[tilespmem:s17], [sflag:$0x2] =	stream.indirect.gather [hbm4b:s2+s15], $0x80, s26, s15, $0xb8;
	[tilespmem:$0x1C8C0] =	vst v63  }
0x1a0: {  	_ =	swait.ge [sflag:s18], $0x4000  }
0x1a1: {  	[sflag:s18] =	ssyncset.done $0x0  }
0x1a2: {  	[sflag:s18] =	ssyncadd.s32 $0xFFFFC000  }
0x1a3: {  	[spmem:s3] =	stream.indirect.scatter.add.f32 [tilespmem:s16], [sflag:$0x3], $0x80, s28, s15, $0xb8;
	[tilespmem:$0x1C8C0] =	vst v63  }
0x1a4: {  	_ =	swait.ge [sflag:s13], $0x4000  }
0x1a5: {  	[sflag:s13] =	ssyncset.done $0x0  }
0x1a6: {  	[sflag:s13] =	ssyncadd.s32 $0xFFFFC000  }
0x1a7: {  	[tilespmem:s16], [sflag:$0x1] =	stream.indirect.gather [hbm4b:s2+s15], $0x80, s29, s15, $0xb8;
	[tilespmem:$0x1C8C0] =	vst v63  }
0x1a8: {  	_ =	swait.ge [sflag:s19], $0x4000  }
0x1a9: {  	[sflag:s19] =	ssyncset.done $0x0  }
0x1aa: {  	[sflag:s19] =	ssyncadd.s32 $0xFFFFC000  }
0x1ab: {  	[spmem:s3] =	stream.indirect.scatter.add.f32 [tilespmem:s17], [sflag:$0x3], $0x80, s30, s15, $0xb8;
	[tilespmem:$0x1C8C0] =	vst v63  }
0x1ac: {  	_ =	swait.ge [sflag:s13], $0x4000  }
0x1ad: {  	[sflag:s13] =	ssyncset.done $0x0  }
0x1ae: {  	[sflag:s13] =	ssyncadd.s32 $0xFFFFC000  }
0x1af: {  	[tilespmem:s17], [sflag:$0x2] =	stream.indirect.gather [hbm4b:s2+s15], $0x80, s31, s15, $0xb8;
	[tilespmem:$0x1C8C0] =	vst v63  }
0x1b0: {  	_ =	swait.ge [sflag:s18], $0x4000  }
0x1b1: {  	[sflag:s18] =	ssyncset.done $0x0  }
0x1b2: {  	[sflag:s18] =	ssyncadd.s32 $0xFFFFC000  }
0x1b3: {  	[spmem:s3] =	stream.indirect.scatter.add.f32 [tilespmem:s16], [sflag:$0x3], $0x80, s0, s15, $0xb8;
	[tilespmem:$0x1C8C0] =	vst v63  }
0x1b4: {  	_ =	swait.ge [sflag:s13], $0x4000  }
0x1b5: {  	[sflag:s13] =	ssyncset.done $0x0  }
0x1b6: {  	[sflag:s13] =	ssyncadd.s32 $0xFFFFC000  }
0x1b7: {  	[tilespmem:s16], [sflag:$0x1] =	stream.indirect.gather [hbm4b:s2+s15], $0x80, s1, s15, $0xb8;
	[tilespmem:$0x1C8C0] =	vst v63  }
0x1b8: {  	_ =	swait.ge [sflag:s19], $0x4000  }
0x1b9: {  	[sflag:s19] =	ssyncset.done $0x0  }
0x1ba: {  	[sflag:s19] =	ssyncadd.s32 $0xFFFFC000  }
0x1bb: {  	[spmem:s3] =	stream.indirect.scatter.add.f32 [tilespmem:s17], [sflag:$0x3], $0x80, s5, s15, $0xb8;
	[tilespmem:$0x1C8C0] =	vst v63  }
0x1bc: {  	_ =	swait.ge [sflag:s13], $0x4000  }
0x1bd: {  	[sflag:s13] =	ssyncset.done $0x0  }
0x1be: {  	[sflag:s13] =	ssyncadd.s32 $0xFFFFC000  }
0x1bf: {  	[tilespmem:s17], [sflag:$0x2] =	stream.indirect.gather [hbm4b:s2+s15], $0x80, s6, s15, $0xb8;
	[tilespmem:$0x1C8C0] =	vst v63  }
0x1c0: {  	_ =	swait.ge [sflag:s18], $0x4000  }
0x1c1: {  	[sflag:s18] =	ssyncset.done $0x0  }
0x1c2: {  	[sflag:s18] =	ssyncadd.s32 $0xFFFFC000  }
0x1c3: {  	[spmem:s3] =	stream.indirect.scatter.add.f32 [tilespmem:s16], [sflag:$0x3], $0x80, s7, s15, $0xb8;
	[tilespmem:$0x1C8C0] =	vst v63  }
0x1c4: {  	_ =	swait.ge [sflag:s13], $0x4000  }
0x1c5: {  	[sflag:s13] =	ssyncset.done $0x0  }
0x1c6: {  	[sflag:s13] =	ssyncadd.s32 $0xFFFFC000  }
0x1c7: {  	_ =	swait.ge [sflag:s19], $0x4000  }
0x1c8: {  	[sflag:s19] =	ssyncset.done $0x0  }
0x1c9: {  	[sflag:s19] =	ssyncadd.s32 $0xFFFFC000  }
0x1ca: {  	[spmem:s3] =	stream.indirect.scatter.add.f32 [tilespmem:s17], [sflag:$0x3], $0x80, s8, s15, $0xb8;
	[tilespmem:$0x1C8C0] =	vst v63  }
0x1cb: {  	_ =	swait.ge [sflag:s13], $0x4000  }
0x1cc: {  	[sflag:s13] =	ssyncset.done $0x0  }
0x1cd: {  	[sflag:s13] =	ssyncadd.s32 $0xFFFFC000  }
0x1ce: {  	[bflag:$0x0] =	sbarrier.arrive $0xFFFF  }
0x1cf: {  	s10 =	rddreg [dreg:$0x15]  }
0x1d0: {  	s9 =	simm.s32 @p0 $0x1FC3;
	s11 =	rddreg [dreg:$0x17]  }
0x1d1: {  	[hbm:s10], [sflag:s9] =	dma.local @p0 [spmem:s11], $0x2800  }
0x1d2: {  	s9 =	simm.s32 @p0 $0x3  }
0x1d3: {  	_ =	swait.ge @p0 [sflag:s9], $0x2800  }
0x1d4: {  	s12 =	rddreg [dreg:$0x18]  }
0x1d5: {  	[sflag:s9] =	ssyncset.done @p0 $0x0;
	s11 =	rddreg [dreg:$0x19]  }
0x1d6: {  	s10 =	simm.s32 @!p0 $0x3;
	[sflag:s9] =	ssyncadd.s32 @p0 $0xFFFFD800;
	s9 =	rddreg [dreg:$0x14]  }
0x1d7: {  	[hbm:s9], [sflag:s12] =	dma.local @!p0 [spmem:s11], $0x2700  }
0x1d8: {  	_ =	swait.ge @!p0 [sflag:s10], $0x2700  }
0x1d9: {  	s12 =	rddreg [dreg:$0x1a]  }
0x1da: {  	s9 =	sadd.s32 $0x1, s12;
	s12 =	rddreg [dreg:$0x16]  }
0x1db: {  	p1 =	sne.s32 s9, s12  }
.Ltmp1:
0x1dc: {  	_ = 	snop;
	(pc) =	sbr.rel @p1 .LBB2_1-.Ltmp1, $3  }
0x1dd: {  	_ =	sdelay $0x1  }
0x1de: {  	[sflag:s10] =	ssyncset.done @!p0 $0x0;
	[dreg:$0x1a] =	wrdreg s9;
	s9 =	simm.s32 @!p0 $0x3  }
0x1df: {  	[sflag:s9] =	ssyncadd.s32 @!p0 $0xFFFFD900  }
0x1e0: {  	_ =	sfence.sel $0x180000  }
0x1e1: {  	[bflag:$0x0] =	sbarrier.arrive $0xFFFF  }
0x1e2: {  	_ =	strace $0x9000004D  }
0x1e3: {  	s0 =	stileid.u32;
	[bflag:$0x2] =	sbarrier.arrive $0xFFFF  }
0x1e4: {  	p0 =	sne.s32 s0, $0x0;
	s0 =	rddreg [dreg:$0x3]  }
0x1e5: {  	s0 =	sadd.s32 @!p0 $0x100000, s0  }
0x1e6: {  	[sflag:s0] =	ssyncadd.tile.s32 @!p0 $0x1;
	_ =	shalt  }
.Lfunc_end2:
_tile_overlayer_lowered:
.L_overlay_start_2:
0x1e7: {  	(tag) =	ssettag $0x2  }
0x1e8: {  	s0 =	rddreg [dreg:$0x0];
	s2 =	stileid.u32  }
0x1e9: {  	s1 =	rddreg [dreg:$0x1];
	p0 =	sne.s32 s2, $0x0  }
0x1ea: {  	s3 =	rddreg [dreg:$0x2];
	[bflag:$0x3] =	sbarrier.arrive $0xFFFF;
	s2 =	simm.s32 @!p0 $0x1C03  }
0x1eb: {  	[timem:s3], [sflag:s2] =	dma.local @!p0 [hbm:s0], s1  }
0x1ec: {  	s0 =	simm.s32 @!p0 $0x3  }
0x1ed: {  	_ =	swait.ge @!p0 [sflag:s0], s1  }
0x1ee: {  	s1 =	ssub.s32 @!p0 $0x0, s1;
	[sflag:s0] =	ssyncset.done @!p0 $0x0  }
0x1ef: {  	[sflag:s0] =	ssyncadd.s32 @!p0 s1  }
0x1f0: {  	[bflag:$0x3] =	sbarrier.arrive $0xFFFF  }
0x1f1: {  	_ =	shalt  }

// kernel: kernel.9.cloned.1.call-start
scs
__scs_entry_jumppad:
0x0: {  	(pc) =	sbr.rel $0x88, $3  }
0x1: {  	(tag) =	ssettag $0x0;
	lr =	simm.s32 $0x1  }
0x2: {  	[smem:$0x3F9B] =	sst lr;
	_ =	strace $0xD0000000  }
0x3: {  	_ = 	snop  }
0x4: {  	_ = 	snop  }
0x5: {  	_ = 	snop  }
0x6: {  	_ = 	snop  }
0x7: {  	_ = 	snop  }
__scs_overlays_trampoline_lowered:
0x8: {  	[smem:$0x3FAA] =	sst s0  }
0x9: {  	[smem:$0x3FAB] =	sst s1  }
0xa: {  	[smem:$0x3FAC] =	sst s2  }
0xb: {  	[smem:$0x3FAD] =	sst s3  }
0xc: {  	[smem:$0x3FAE] =	sst s4  }
0xd: {  	[smem:$0x3FAF] =	sst s5  }
0xe: {  	[smem:$0x3FB0] =	sst s6  }
0xf: {  	[smem:$0x3FB1] =	sst s7  }
0x10: {  	[smem:$0x3FB2] =	sst s8  }
0x11: {  	[smem:$0x3FB3] =	sst s9;
	s0 =	simm.s32 @!p0 $0x0  }
0x12: {  	s1 =	sld [smem:$0x3F99];
	s0 =	simm.s32 @p0 $0x1  }
0x13: {  	[smem:$0x3FB4] =	sst s0;
	s0 =	simm.s32 @!p1 $0x0  }
0x14: {  	s2 =	sld [smem:$0x3F98];
	s0 =	simm.s32 @p1 $0x1  }
0x15: {  	[smem:$0x3FB5] =	sst s0;
	s0 =	simm.s32 @!p2 $0x0  }
0x16: {  	s3 =	sld [smem:$0x3FDB];
	s0 =	simm.s32 @p2 $0x1  }
0x17: {  	s4 =	simm.s32 $0x1BF5;
	[smem:$0x3FB7] =	sst s0  }
0x18: {  	s0 =	sld [smem:$0x3F9A];
	_ =	swait.ge [sflag:s4], $0x0  }
0x19: {  	s7 =	sld [smem:$0x3F9B]  }
0x1a: {  	s8 =	sadd.s32 $0xFFFFE003, lr  }
0x1b: {  	s9 =	sadd.s32 $0xFFFFFEF7, lr;
	s5 =	simm.s32 $0xFFFFFFFF;
	p2 =	slt.u32 s8, $0xFFFFF086  }
0x1c: {  	p1 =	slt.u32 s9, $0xF7A;
	s5 =	simm.s32 @!p2 $0x0  }
0x1d: {  	s5 =	simm.s32 @p1 $0x1;
	p0 =	seq.s32 s7, s2  }
0x1e: {  	s7 =	smul.u32 @!p0 $0xF7A, s2;
	p2 =	seq.s32 @!p0 s5, $0x0  }
0x1f: {  	s9 =	smul.u32 $0xF7A, s1;
	s8 =	simm.s32 @!p0 $0x1BF5;
	p2 =	por !p2, p0  }
0x20: {  	[sflag:s8] =	ssyncset.s32 @!p0 $0xFFFFF086;
	s6 =	sadd.s32 @!p0 s3, s7;
	s7 =	simm.s32 @!p0 $0x108  }
0x21: {  	s3 =	sadd.s32 s3, s9;
	s6 =	sadd.s32 @!p0 $0x88, s6;
	s7 =	simm.s32 @p2 $0x1082  }
0x22: {  	[simem:s7], [sflag:s8] =	dma.local @!p0 [hbm:s6], $0xF7A  }
0x23: {  	s9 =	sor.u32 $0xD0000000, s2;
	s6 =	simm.s32 $0x108;
	_ =	swait.ge @!p0 [sflag:s8], $0x0  }
0x24: {  	s3 =	sadd.s32 $0x88, s3;
	s6 =	simm.s32 @!p1 $0x1082;
	[sflag:s4] =	ssyncset.s32 $0xFFFFF086  }
0x25: {  	[simem:s6], [sflag:s4] =	dma.local [hbm:s3], $0xF7A  }
0x26: {  	[smem:$0x3F9B] =	sst s1;
	(tag) =	ssettag s2;
	_ =	strace s9  }
0x27: {  	s1 =	sld [smem:$0x3FAB]  }
0x28: {  	s2 =	sld [smem:$0x3FAC]  }
0x29: {  	s4 =	sld [smem:$0x3FAE]  }
0x2a: {  	p0 =	seq.s32 s5, $0x0;
	s5 =	sld [smem:$0x3FAF]  }
0x2b: {  	s6 =	sld [smem:$0x3FB0]  }
0x2c: {  	s7 =	sld [smem:$0x3FB1]  }
0x2d: {  	s3 =	simm.s32 $0x108;
	s8 =	sld [smem:$0x3FB2]  }
0x2e: {  	s3 =	simm.s32 @!p0 $0x1082;
	s9 =	sld [smem:$0x3FB3]  }
0x2f: {  	lr =	sadd.s32 s0, s3;
	s0 =	sld [smem:$0x3FAA]  }
0x30: {  	s3 =	sld [smem:$0x3FAD]  }
0x31: {  	[smem:$0x3FB6] =	sst s10  }
0x32: {  	s10 =	sld [smem:$0x3FB4];
	_ =	sdelay $0x3  }
0x33: {  	p0 =	seq.s32 s10, $0x1;
	s10 =	sld [smem:$0x3FB6];
	_ =	sdelay $0x3  }
0x34: {  	[smem:$0x3FB6] =	sst s10  }
0x35: {  	s10 =	sld [smem:$0x3FB5];
	_ =	sdelay $0x3  }
0x36: {  	p1 =	seq.s32 s10, $0x1;
	s10 =	sld [smem:$0x3FB6];
	_ =	sdelay $0x3  }
0x37: {  	[smem:$0x3FB6] =	sst s10  }
0x38: {  	s10 =	sld [smem:$0x3FB7]  }
0x39: {  	_ = 	snop;
	(pc) =	sbr.ind lr, $3  }
0x3a: {  	_ = 	snop  }
0x3b: {  	_ = 	snop  }
0x3c: {  	p2 =	seq.s32 s10, $0x1;
	s10 =	sld [smem:$0x3FB6]  }
0x3d: {  	_ =	shalt  }
0x3e: {  	_ =	shalt  }
0x3f: {  	_ =	shalt  }
0x40: {  	_ =	shalt  }
0x41: {  	_ =	shalt  }
0x42: {  	_ =	shalt  }
0x43: {  	_ =	shalt  }
0x44: {  	_ =	shalt  }
0x45: {  	_ =	shalt  }
0x46: {  	_ =	shalt  }
0x47: {  	_ =	shalt  }
0x48: {  	_ =	shalt  }
0x49: {  	_ =	shalt  }
0x4a: {  	_ =	shalt  }
0x4b: {  	_ =	shalt  }
0x4c: {  	_ =	shalt  }
0x4d: {  	_ =	shalt  }
0x4e: {  	_ =	shalt  }
0x4f: {  	_ =	shalt  }
0x50: {  	_ =	shalt  }
0x51: {  	_ =	shalt  }
0x52: {  	_ =	shalt  }
0x53: {  	_ =	shalt  }
0x54: {  	_ =	shalt  }
0x55: {  	_ =	shalt  }
0x56: {  	_ =	shalt  }
0x57: {  	_ =	shalt  }
0x58: {  	_ =	shalt  }
0x59: {  	_ =	shalt  }
0x5a: {  	_ =	shalt  }
0x5b: {  	_ =	shalt  }
0x5c: {  	_ =	shalt  }
0x5d: {  	_ =	shalt  }
0x5e: {  	_ =	shalt  }
0x5f: {  	_ =	shalt  }
0x60: {  	_ =	shalt  }
0x61: {  	_ =	shalt  }
0x62: {  	_ =	shalt  }
0x63: {  	_ =	shalt  }
0x64: {  	_ =	shalt  }
0x65: {  	_ =	shalt  }
0x66: {  	_ =	shalt  }
0x67: {  	_ =	shalt  }
0x68: {  	_ =	shalt  }
0x69: {  	_ =	shalt  }
0x6a: {  	_ =	shalt  }
0x6b: {  	_ =	shalt  }
0x6c: {  	_ =	shalt  }
0x6d: {  	_ =	shalt  }
0x6e: {  	_ =	shalt  }
0x6f: {  	_ =	shalt  }
0x70: {  	_ =	shalt  }
0x71: {  	_ =	shalt  }
0x72: {  	_ =	shalt  }
0x73: {  	_ =	shalt  }
0x74: {  	_ =	shalt  }
0x75: {  	_ =	shalt  }
0x76: {  	_ =	shalt  }
0x77: {  	_ =	shalt  }
0x78: {  	_ =	shalt  }
0x79: {  	_ =	shalt  }
0x7a: {  	_ =	shalt  }
0x7b: {  	_ =	shalt  }
0x7c: {  	_ =	shalt  }
0x7d: {  	_ =	shalt  }
0x7e: {  	_ =	shalt  }
0x7f: {  	_ =	shalt  }
0x80: {  	_ =	shalt  }
0x81: {  	_ =	shalt  }
0x82: {  	_ =	shalt  }
0x83: {  	_ =	shalt  }
0x84: {  	_ =	shalt  }
0x85: {  	_ =	shalt  }
0x86: {  	_ =	shalt  }
0x87: {  	_ =	shalt  }
.Lfunc_end0:
.L_simem_size_0:
called_computation_lowered:
.L_overlay_start_0:
0x88: {  	s2 =	sld [smem:$0x3FD9]  }
0x89: {  	s3 =	sld [smem:$0x3FFE];
	_ =	sdelay $0x1  }
0x8a: {  	s1 =	srdreg.scid  }
0x8b: {  	s0 =	sand.u32 $0x1, s1  }
0x8c: {  	s16 =	sshll.u32 s0, $0xA;
	s2 =	sadd.s32 s3, s2  }
0x8d: {  	s2 =	sadd.s32 s2, s16  }
0x8e: {  	[smem:$0x3FC2] =	sst s2  }
0x8f: {  	_ = 	snop  }
0x90: {  	(tm) =	ssettm $0x1  }
0x91: {  	s17 =	sld [smem:$0x3FFB];
	_ =	sdelay $0x3  }
0x92: {  	_ =	strace s17  }
0x93: {  	s2 =	sld [smem:$0x3FFC];
	_ =	sdelay $0x3  }
0x94: {  	_ =	strace s2  }
0x95: {  	s2 =	sld [smem:$0x3FFD];
	_ =	sdelay $0x3  }
0x96: {  	_ =	strace s2  }
0x97: {  	_ =	strace $0x8FFFFFFF  }
0x98: {  	s18 =	sld [smem:$0x3FDB];
	_ =	sdelay $0x1  }
0x99: {  	s19 =	simm.s32 $_scs_section_size  }
0x9a: {  	s4 =	simm.s32 $_size__tile_overlayer_lowered;
	s5 =	simm.s32 $_tile_overlayer_lowered  }
0x9b: {  	s22 =	simm.s32 $0x1BFF;
	s21 =	sshll.u32 s5, $0x1;
	s2 =	sadd.s32 s19, s18  }
0x9c: {  	s6 =	simm.s32 $0x0;
	s20 =	sshll.u32 s4, $0x1;
	s4 =	sadd.s32 s21, s2  }
0x9d: {  	[timem:s6], [sflag:s22] =	dma.local [hbm:s4], s20  }
0x9e: {  	_ =	swait.ge [sflag:s22], s20  }
0x9f: {  	s3 =	ssub.s32 $0x0, s20;
	[sflag:s22] =	ssyncset.done $0x0  }
0xa0: {  	[sflag:s22] =	ssyncadd.s32 s3;
	_ =	sdelay $0x1  }
0xa1: {  	s23 =	simm.s32 $0x1B8B  }
0xa2: {  	_ =	swait.ge [sflag:s23], $0x1  }
0xa3: {  	[sflag:s23] =	ssyncset.done $0x0  }
0xa4: {  	s25 =	simm.s32 $0x1B8E;
	s24 =	sld [smem:$0x3FFE];
	[sflag:s23] =	ssyncadd.s32 $0xFFFFFFFF  }
0xa5: {  	s26 =	simm.s32 $execute0_lowered;
	[smem:$0x3FD2] =	sst s25  }
0xa6: {  	s4 =	sshll.u32 s26, $0x1;
	_ =	strace $0x80000046;
	[dreg:$0x1] =	wrdreg $0xFFFFFFFF  }
0xa7: {  	s28 =	simm.s32 $_size_execute0_lowered;
	s2 =	sadd.s32 s2, s4;
	[dreg:$0x0] =	wrdreg $0x0  }
0xa8: {  	s4 =	sshll.u32 s28, $0x1;
	[dreg:$0x2] =	wrdreg s2  }
0xa9: {  	[dreg:$0x3] =	wrdreg s4  }
0xaa: {  	[dreg:$0x4] =	wrdreg $0xC0  }
0xab: {  	_ =	task [dreg:s6], $0x5FFFF  }
0xac: {  	[dreg:$0x1] =	wrdreg $0xFFFFFFFF  }
0xad: {  	[dreg:$0x0] =	wrdreg $0x60  }
0xae: {  	[dreg:$0x2] =	wrdreg s24  }
0xaf: {  	[dreg:$0x3] =	wrdreg $0x54000  }
0xb0: {  	[dreg:$0x4] =	wrdreg $0x9  }
0xb1: {  	_ =	task.clear_ibuf [dreg:s6], $0x5FFFF;
	_ =	strace $0x90000046  }
0xb2: {  	s29 =	simm.s32 $0x9;
	_ =	strace $0x80000048  }
0xb3: {  	_ =	swait.ge [sflag:s29], $0x1  }
0xb4: {  	[sflag:s29] =	ssyncadd.s32 $0xFFFFFFFF  }
0xb5: {  	_ =	strace $0x90000048  }
0xb6: {  	_ =	sfence  }
0xb7: {  	s30 =	sld [smem:$0x0];
	_ =	sdelay $0x2  }
0xb8: {  	s31 =	sshll.u32 s1, $0xD;
	s1 =	sshrl.u32 s1, $0x2  }
0xb9: {  	s3 =	sand.u32 $0x4000, s31;
	s1 =	sadd.s32 s1, s30  }
0xba: {  	s0 =	sor.u32 s3, s0;
	s1 =	sshll.u32 s1, $0x11  }
0xbb: {  	s0 =	sor.u32 s1, s0  }
0xbc: {  	s0 =	sadd.s32 $0x8F2B, s0  }
0xbd: {  	[sflag:s0] =	ssyncadd.remote.s32 $0x1  }
0xbe: {  	_ =	sfence.sel $0xFFFF  }
0xbf: {  	[dreg:$0x0] =	wrdreg $0xFFFFFFFF;
	(pc) =	sbr.abs _section_cstart, $3  }
0xc0: {  	[dreg:$0x1] =	wrdreg $0xFFFFFFFF  }
0xc1: {  	_ =	task.clear_ibuf [dreg:s6], $0x2FFFF;
	_ =	strace $0x9FFFFFFF  }
0xc2: {  	(tm) =	ssettm $0x7FFFFFFF  }
0xc3: {  	_ =	shalt  }
tec
execute0_lowered:
.L_overlay_start_1:
0x0: {  	(tag) =	ssettag $0x1  }
0x1: {  	s0 =	rddreg [dreg:$0x0]  }
0x2: {  	s2 =	rddreg [dreg:$0x1];
	s12 =	stileid.u32  }
0x3: {  	s1 =	srdreg.scid;
	s3 =	simm.s32 $0x0;
	s16 =	simm.s32 $0x80  }
0x4: {  	s28 =	simm.s32 $0xE00;
	s29 =	simm.s32 $0xE80;
	s30 =	simm.s32 $0xF00  }
0x5: {  	s31 =	simm.s32 $0xF80;
	s17 =	simm.s32 $0x1100;
	s18 =	simm.s32 $0x1180  }
0x6: {  	s19 =	simm.s32 $0x1200;
	s20 =	simm.s32 $0x1280;
	s21 =	simm.s32 $0x1300  }
0x7: {  	s22 =	simm.s32 $0x1380;
	s1 =	sand.u32 $0x1, s1;
	s8 =	smul.u32 $0x2700, s12  }
0x8: {  	s4 =	sshll.u32 s12, $0x1;
	[smem:$0x7FF] =	sst s3;
	s9 =	smul.u32 $0x4E000, s12  }
0x9: {  	s10 =	sadd.s32 $0x2EC00, s0;
	s13 =	sadd.s32 $0x124800, s2;
	p0 =	seq.s32 s12, $0xF  }
0xa: {  	s4 =	sor.u32 s1, s4;
	_ =	strace $0x80000047;
	s24 =	smul.u32 $0x138800, s1  }
0xb: {  	s7 =	ssub.s32 $0x2, s1;
	s1 =	smul.u32 $0x27100, s1;
	s13 =	sshrl.u32 @p0 s13, $0x3  }
0xc: {  	s4 =	smul.u32 $0x280, s4;
	s11 =	sshrl.u32 s7, $0x1;
	s23 =	sshrl.u32 s9, $0x2  }
0xd: {  	s6 =	sadd.s32 s8, s0;
	s11 =	ssub.s32 s7, s11;
	s15 =	sadd.s32 s23, s2  }
0xe: {  	s6 =	sadd.s32 $0x7200, s6;
	s9 =	sshrl.u32 s24, $0x3;
	s7 =	sadd.s32 $0x2BB00, s0  }
0xf: {  	s25 =	sadd.s32 s8, s1;
	s1 =	simm.s32 $0x1080;
	s23 =	simm.s32 $0x1  }
0x10: {  	s24 =	simm.s32 $0x0;
	s5 =	sadd.s32 s4, s0;
	s4 =	sadd.s32 $0x2E400, s0  }
0x11: {  	s26 =	sadd.s32 s10, s9;
	s8 =	sadd.s32 s10, s25;
	s10 =	smax.u32 s11, $0x1  }
0x12: {  	s11 =	simm.s32 $0x2;
	s0 =	sshll.u32 @!p0 s12, $0x6;
	s12 =	simm.s32 $0x1400  }
0x13: {  	s15 =	sshrl.u32 @!p0 s15, $0x3;
	s5 =	sadd.s32 $0x2200, s5;
	s9 =	sadd.s32 $0x24900, s26  }
0x14: {  	s14 =	sor.u32 @!p0 $0x1C02, s0;
	s26 =	simm.s32 $0xD80;
	s0 =	simm.s32 $0x1000  }
.LBB2_1:
0x15: {  	[tilespmem:s3], [sflag:$0x2] =	stream.linear.gather [hbm4b:s5+s3], $0x1400, $0x38;
	[tilespmem:$0x18CC0] =	vst v63  }
0x16: {  	_ =	swait.ge [sflag:s11], $0x1400  }
0x17: {  	[sflag:s11] =	ssyncset.done $0x0  }
0x18: {  	[sflag:s11] =	ssyncadd.s32 $0xFFFFEC00  }
0x19: {  	[tilespmem:s12], [sflag:$0x2] =	stream.linear.gather [hbm4b:s4+s3], $0x4000, $0x38;
	[tilespmem:$0x18CC0] =	vst v63  }
0x1a: {  	_ =	swait.ge [sflag:s11], $0x4000  }
0x1b: {  	[sflag:s11] =	ssyncset.done $0x0  }
0x1c: {  	s25 =	simm.s32 @p0 $0x1FC2;
	[sflag:s11] =	ssyncadd.s32 $0xFFFFC000  }
0x1d: {  	[spmem:s13], [sflag:s25] =	dma.local @p0 [hbm:s7], $0x2800  }
0x1e: {  	s25 =	simm.s32 @p0 $0x2  }
0x1f: {  	_ =	swait.ge @p0 [sflag:s25], $0x2800  }
0x20: {  	[sflag:s25] =	ssyncset.done @p0 $0x0  }
0x21: {  	[sflag:s25] =	ssyncadd.s32 @p0 $0xFFFFD800;
	s25 =	simm.s32 @!p0 $0x2  }
0x22: {  	[spmem:s15], [sflag:s14] =	dma.local @!p0 [hbm:s6], $0x2700  }
0x23: {  	_ =	swait.ge @!p0 [sflag:s25], $0x2700  }
0x24: {  	[sflag:s25] =	ssyncset.done @!p0 $0x0  }
0x25: {  	[sflag:s25] =	ssyncadd.s32 @!p0 $0xFFFFD900  }
0x26: {  	[bflag:$0x0] =	sbarrier.arrive $0xFFFF  }
0x27: {  	[spmem:s2] =	stream.indirect.scatter.add.f32 [tilespmem:s12], [sflag:$0x1], $0x80, s3, s16, $0xb8;
	[tilespmem:$0x18CC0] =	vst v63  }
0x28: {  	_ = 	snop  }
0x29: {  	[spmem:s2] =	stream.indirect.scatter.add.f32 [tilespmem:s12], [sflag:$0x1], $0x80, s16, s16, $0xb8;
	[tilespmem:$0x18CC0] =	vst v63  }
0x2a: {  	s25 =	simm.s32 $0x100  }
0x2b: {  	[spmem:s2] =	stream.indirect.scatter.add.f32 [tilespmem:s12], [sflag:$0x1], $0x80, s25, s16, $0xb8;
	[tilespmem:$0x18CC0] =	vst v63  }
0x2c: {  	s25 =	simm.s32 $0x180  }
0x2d: {  	[spmem:s2] =	stream.indirect.scatter.add.f32 [tilespmem:s12], [sflag:$0x1], $0x80, s25, s16, $0xb8;
	[tilespmem:$0x18CC0] =	vst v63  }
0x2e: {  	s25 =	simm.s32 $0x200  }
0x2f: {  	[spmem:s2] =	stream.indirect.scatter.add.f32 [tilespmem:s12], [sflag:$0x1], $0x80, s25, s16, $0xb8;
	[tilespmem:$0x18CC0] =	vst v63  }
0x30: {  	s25 =	simm.s32 $0x280  }
0x31: {  	[spmem:s2] =	stream.indirect.scatter.add.f32 [tilespmem:s12], [sflag:$0x1], $0x80, s25, s16, $0xb8;
	[tilespmem:$0x18CC0] =	vst v63  }
0x32: {  	s25 =	simm.s32 $0x300  }
0x33: {  	[spmem:s2] =	stream.indirect.scatter.add.f32 [tilespmem:s12], [sflag:$0x1], $0x80, s25, s16, $0xb8;
	[tilespmem:$0x18CC0] =	vst v63  }
0x34: {  	s25 =	simm.s32 $0x380  }
0x35: {  	[spmem:s2] =	stream.indirect.scatter.add.f32 [tilespmem:s12], [sflag:$0x1], $0x80, s25, s16, $0xb8;
	[tilespmem:$0x18CC0] =	vst v63  }
0x36: {  	s25 =	simm.s32 $0x400  }
0x37: {  	[spmem:s2] =	stream.indirect.scatter.add.f32 [tilespmem:s12], [sflag:$0x1], $0x80, s25, s16, $0xb8;
	[tilespmem:$0x18CC0] =	vst v63  }
0x38: {  	s25 =	simm.s32 $0x480  }
0x39: {  	[spmem:s2] =	stream.indirect.scatter.add.f32 [tilespmem:s12], [sflag:$0x1], $0x80, s25, s16, $0xb8;
	[tilespmem:$0x18CC0] =	vst v63  }
0x3a: {  	s25 =	simm.s32 $0x500  }
0x3b: {  	[spmem:s2] =	stream.indirect.scatter.add.f32 [tilespmem:s12], [sflag:$0x1], $0x80, s25, s16, $0xb8;
	[tilespmem:$0x18CC0] =	vst v63  }
0x3c: {  	s25 =	simm.s32 $0x580  }
0x3d: {  	[spmem:s2] =	stream.indirect.scatter.add.f32 [tilespmem:s12], [sflag:$0x1], $0x80, s25, s16, $0xb8;
	[tilespmem:$0x18CC0] =	vst v63  }
0x3e: {  	s25 =	simm.s32 $0x600  }
0x3f: {  	[spmem:s2] =	stream.indirect.scatter.add.f32 [tilespmem:s12], [sflag:$0x1], $0x80, s25, s16, $0xb8;
	[tilespmem:$0x18CC0] =	vst v63  }
0x40: {  	s25 =	simm.s32 $0x680  }
0x41: {  	[spmem:s2] =	stream.indirect.scatter.add.f32 [tilespmem:s12], [sflag:$0x1], $0x80, s25, s16, $0xb8;
	[tilespmem:$0x18CC0] =	vst v63  }
0x42: {  	s25 =	simm.s32 $0x700  }
0x43: {  	[spmem:s2] =	stream.indirect.scatter.add.f32 [tilespmem:s12], [sflag:$0x1], $0x80, s25, s16, $0xb8;
	[tilespmem:$0x18CC0] =	vst v63  }
0x44: {  	s25 =	simm.s32 $0x780  }
0x45: {  	[spmem:s2] =	stream.indirect.scatter.add.f32 [tilespmem:s12], [sflag:$0x1], $0x80, s25, s16, $0xb8;
	[tilespmem:$0x18CC0] =	vst v63  }
0x46: {  	s25 =	simm.s32 $0x800  }
0x47: {  	[spmem:s2] =	stream.indirect.scatter.add.f32 [tilespmem:s12], [sflag:$0x1], $0x80, s25, s16, $0xb8;
	[tilespmem:$0x18CC0] =	vst v63  }
0x48: {  	s25 =	simm.s32 $0x880  }
0x49: {  	[spmem:s2] =	stream.indirect.scatter.add.f32 [tilespmem:s12], [sflag:$0x1], $0x80, s25, s16, $0xb8;
	[tilespmem:$0x18CC0] =	vst v63  }
0x4a: {  	s25 =	simm.s32 $0x900  }
0x4b: {  	[spmem:s2] =	stream.indirect.scatter.add.f32 [tilespmem:s12], [sflag:$0x1], $0x80, s25, s16, $0xb8;
	[tilespmem:$0x18CC0] =	vst v63  }
0x4c: {  	s25 =	simm.s32 $0x980  }
0x4d: {  	[spmem:s2] =	stream.indirect.scatter.add.f32 [tilespmem:s12], [sflag:$0x1], $0x80, s25, s16, $0xb8;
	[tilespmem:$0x18CC0] =	vst v63  }
0x4e: {  	s25 =	simm.s32 $0xA00  }
0x4f: {  	[spmem:s2] =	stream.indirect.scatter.add.f32 [tilespmem:s12], [sflag:$0x1], $0x80, s25, s16, $0xb8;
	[tilespmem:$0x18CC0] =	vst v63  }
0x50: {  	s25 =	simm.s32 $0xA80  }
0x51: {  	[spmem:s2] =	stream.indirect.scatter.add.f32 [tilespmem:s12], [sflag:$0x1], $0x80, s25, s16, $0xb8;
	[tilespmem:$0x18CC0] =	vst v63  }
0x52: {  	s25 =	simm.s32 $0xB00  }
0x53: {  	[spmem:s2] =	stream.indirect.scatter.add.f32 [tilespmem:s12], [sflag:$0x1], $0x80, s25, s16, $0xb8;
	[tilespmem:$0x18CC0] =	vst v63  }
0x54: {  	s25 =	simm.s32 $0xB80  }
0x55: {  	[spmem:s2] =	stream.indirect.scatter.add.f32 [tilespmem:s12], [sflag:$0x1], $0x80, s25, s16, $0xb8;
	[tilespmem:$0x18CC0] =	vst v63  }
0x56: {  	s25 =	simm.s32 $0xC00  }
0x57: {  	[spmem:s2] =	stream.indirect.scatter.add.f32 [tilespmem:s12], [sflag:$0x1], $0x80, s25, s16, $0xb8;
	[tilespmem:$0x18CC0] =	vst v63  }
0x58: {  	s25 =	simm.s32 $0xC80  }
0x59: {  	[spmem:s2] =	stream.indirect.scatter.add.f32 [tilespmem:s12], [sflag:$0x1], $0x80, s25, s16, $0xb8;
	[tilespmem:$0x18CC0] =	vst v63  }
0x5a: {  	s25 =	simm.s32 $0xD00  }
0x5b: {  	[spmem:s2] =	stream.indirect.scatter.add.f32 [tilespmem:s12], [sflag:$0x1], $0x80, s25, s16, $0xb8;
	[tilespmem:$0x18CC0] =	vst v63  }
0x5c: {  	_ = 	snop  }
0x5d: {  	[spmem:s2] =	stream.indirect.scatter.add.f32 [tilespmem:s12], [sflag:$0x1], $0x80, s26, s16, $0xb8;
	[tilespmem:$0x18CC0] =	vst v63  }
0x5e: {  	_ = 	snop  }
0x5f: {  	[spmem:s2] =	stream.indirect.scatter.add.f32 [tilespmem:s12], [sflag:$0x1], $0x80, s28, s16, $0xb8;
	[tilespmem:$0x18CC0] =	vst v63  }
0x60: {  	_ = 	snop  }
0x61: {  	[spmem:s2] =	stream.indirect.scatter.add.f32 [tilespmem:s12], [sflag:$0x1], $0x80, s29, s16, $0xb8;
	[tilespmem:$0x18CC0] =	vst v63  }
0x62: {  	_ = 	snop  }
0x63: {  	[spmem:s2] =	stream.indirect.scatter.add.f32 [tilespmem:s12], [sflag:$0x1], $0x80, s30, s16, $0xb8;
	[tilespmem:$0x18CC0] =	vst v63  }
0x64: {  	_ = 	snop  }
0x65: {  	[spmem:s2] =	stream.indirect.scatter.add.f32 [tilespmem:s12], [sflag:$0x1], $0x80, s31, s16, $0xb8;
	[tilespmem:$0x18CC0] =	vst v63  }
0x66: {  	_ = 	snop  }
0x67: {  	[spmem:s2] =	stream.indirect.scatter.add.f32 [tilespmem:s12], [sflag:$0x1], $0x80, s0, s16, $0xb8;
	[tilespmem:$0x18CC0] =	vst v63  }
0x68: {  	_ = 	snop  }
0x69: {  	[spmem:s2] =	stream.indirect.scatter.add.f32 [tilespmem:s12], [sflag:$0x1], $0x80, s1, s16, $0xb8;
	[tilespmem:$0x18CC0] =	vst v63  }
0x6a: {  	_ = 	snop  }
0x6b: {  	[spmem:s2] =	stream.indirect.scatter.add.f32 [tilespmem:s12], [sflag:$0x1], $0x80, s17, s16, $0xb8;
	[tilespmem:$0x18CC0] =	vst v63  }
0x6c: {  	_ = 	snop  }
0x6d: {  	[spmem:s2] =	stream.indirect.scatter.add.f32 [tilespmem:s12], [sflag:$0x1], $0x80, s18, s16, $0xb8;
	[tilespmem:$0x18CC0] =	vst v63  }
0x6e: {  	_ = 	snop  }
0x6f: {  	[spmem:s2] =	stream.indirect.scatter.add.f32 [tilespmem:s12], [sflag:$0x1], $0x80, s19, s16, $0xb8;
	[tilespmem:$0x18CC0] =	vst v63  }
0x70: {  	_ = 	snop  }
0x71: {  	[spmem:s2] =	stream.indirect.scatter.add.f32 [tilespmem:s12], [sflag:$0x1], $0x80, s20, s16, $0xb8;
	[tilespmem:$0x18CC0] =	vst v63  }
0x72: {  	_ = 	snop  }
0x73: {  	[spmem:s2] =	stream.indirect.scatter.add.f32 [tilespmem:s12], [sflag:$0x1], $0x80, s21, s16, $0xb8;
	[tilespmem:$0x18CC0] =	vst v63  }
0x74: {  	_ = 	snop  }
0x75: {  	[spmem:s2] =	stream.indirect.scatter.add.f32 [tilespmem:s12], [sflag:$0x1], $0x80, s22, s16, $0xb8;
	[tilespmem:$0x18CC0] =	vst v63  }
0x76: {  	_ =	swait.ge [sflag:s23], $0x4000  }
0x77: {  	s25 =	simm.s32 $0x27;
	[sflag:s23] =	ssyncset.done $0x0  }
.LBB2_2:
0x78: {  	p1 =	sne.s32 s25, $0x1;
	s25 =	sadd.s32 $0xFFFFFFFF, s25;
	[sflag:s23] =	ssyncadd.s32 $0xFFFFC000  }
.Ltmp0:
0x79: {  	(pc) =	sbr.rel @p1 .LBB2_2-.Ltmp0, $3  }
0x7a: {  	_ =	sdelay $0x1  }
0x7b: {  	_ =	swait.ge [sflag:s23], $0x4000  }
0x7c: {  	[sflag:s23] =	ssyncset.done $0x0  }
0x7d: {  	[sflag:s23] =	ssyncadd.s32 $0xFFFFC000  }
0x7e: {  	s25 =	simm.s32 @p0 $0x1FC2;
	[bflag:$0x0] =	sbarrier.arrive $0xFFFF  }
0x7f: {  	[hbm:s9], [sflag:s25] =	dma.local @p0 [spmem:s13], $0x2800  }
0x80: {  	s25 =	simm.s32 @p0 $0x2  }
0x81: {  	s24 =	sadd.s32 $0x1, s24;
	_ =	swait.ge @p0 [sflag:s25], $0x2800  }
0x82: {  	p1 =	sne.s32 s24, s10;
	[sflag:s25] =	ssyncset.done @p0 $0x0  }
.Ltmp1:
0x83: {  	[sflag:s25] =	ssyncadd.s32 @p0 $0xFFFFD800;
	s25 =	simm.s32 @!p0 $0x2;
	(pc) =	sbr.rel @p1 .LBB2_1-.Ltmp1, $4  }
0x84: {  	[hbm:s8], [sflag:s14] =	dma.local @!p0 [spmem:s15], $0x2700  }
0x85: {  	_ =	swait.ge @!p0 [sflag:s25], $0x2700  }
0x86: {  	[sflag:s25] =	ssyncset.done @!p0 $0x0  }
0x87: {  	[sflag:s25] =	ssyncadd.s32 @!p0 $0xFFFFD900  }
0x88: {  	_ =	sfence.sel $0x180000  }
0x89: {  	[bflag:$0x0] =	sbarrier.arrive $0xFFFF  }
0x8a: {  	_ =	strace $0x90000047  }
0x8b: {  	s0 =	stileid.u32;
	[bflag:$0x2] =	sbarrier.arrive $0xFFFF  }
0x8c: {  	p0 =	sne.s32 s0, $0x0;
	s0 =	rddreg [dreg:$0x2]  }
0x8d: {  	s0 =	sadd.s32 @!p0 $0x100000, s0  }
0x8e: {  	[sflag:s0] =	ssyncadd.tile.s32 @!p0 $0x1;
	_ =	shalt  }
.Lfunc_end2:
_tile_overlayer_lowered:
.L_overlay_start_2:
0x8f: {  	(tag) =	ssettag $0x2  }
0x90: {  	s0 =	rddreg [dreg:$0x0];
	s2 =	stileid.u32  }
0x91: {  	s1 =	rddreg [dreg:$0x1];
	p0 =	sne.s32 s2, $0x0  }
0x92: {  	s3 =	rddreg [dreg:$0x2];
	[bflag:$0x3] =	sbarrier.arrive $0xFFFF;
	s2 =	simm.s32 @!p0 $0x1C02  }
0x93: {  	[timem:s3], [sflag:s2] =	dma.local @!p0 [hbm:s0], s1  }
0x94: {  	s0 =	simm.s32 @!p0 $0x2  }
0x95: {  	_ =	swait.ge @!p0 [sflag:s0], s1  }
0x96: {  	s1 =	ssub.s32 @!p0 $0x0, s1;
	[sflag:s0] =	ssyncset.done @!p0 $0x0  }
0x97: {  	[sflag:s0] =	ssyncadd.s32 @!p0 s1  }
0x98: {  	[bflag:$0x3] =	sbarrier.arrive $0xFFFF  }
0x99: {  	_ =	shalt  }

</sc_bundles>
